<compile_context>
chip_gen: v7x
topology: tpu7x:2x2x1
jax: 0.10.2.dev20260603
libtpu: 0.0.44.dev20260713+nightly
codegen_flags: <defaults>
</compile_context>

<pallas_src>
import functools

import jax
import jax.numpy as jnp
from jax import lax
from jax.experimental import pallas as pl
from jax.experimental.pallas import tpu as pltpu
from jax.experimental.pallas import tpu_sc as plsc

N = 10000
E = 320000
D = 128
NC = 2
NS = 16
NW = NC * NS
CK = 128
CH = 80
EW = CH * CK
E_PAD = NW * EW
N_PAD = 10240
ROWS_Z = N_PAD // NS
ROWS_O = 632
ROWS_LAST = N - 15 * ROWS_O
BN = 2000
GRID = N // BN


def _mesh():
    return plsc.VectorSubcoreMesh(core_axis_name="c", subcore_axis_name="s",
                                  num_cores=NC, num_subcores=NS)


def _sc_spmm_body(g_hbm, src_hbm, dst_hbm, out_hbm,
                  src_v, dst_v, b0, acc_sh, semga):
    c = lax.axis_index("c")
    s = lax.axis_index("s")
    w = c * NS + s
    zo = pl.multiple_of(s * ROWS_Z, 128)
    pltpu.sync_copy(src_hbm.at[w], src_v)
    pltpu.sync_copy(dst_hbm.at[w], dst_v)

    def zrow(j, carry):
        for k in range(D // 16):
            b0[j, pl.ds(k * 16, 16)] = jnp.zeros((16,), jnp.float32)
        return carry

    lax.fori_loop(0, CK, zrow, 0)
    for j in range(ROWS_Z // CK):
        pltpu.sync_copy(b0, acc_sh.at[pl.ds(zo + j * CK, CK)])
    plsc.subcore_barrier()

    def body(j, carry):
        pltpu.async_copy(g_hbm.at[src_v.at[j]], b0, semga).wait()
        pltpu.sync_copy(b0, acc_sh.at[dst_v.at[j]], add=True)
        return carry

    lax.fori_loop(0, CH, body, 0)
    plsc.subcore_barrier()
    oo = pl.multiple_of(s * ROWS_O, 8)
    @pl.when(s < 15)
    def _():
        pltpu.sync_copy(acc_sh.at[pl.ds(oo, ROWS_O)],
                        out_hbm.at[c].at[pl.ds(oo, ROWS_O)])
    @pl.when(s == 15)
    def _():
        pltpu.sync_copy(acc_sh.at[pl.ds(15 * ROWS_O, ROWS_LAST)],
                        out_hbm.at[c].at[pl.ds(15 * ROWS_O, ROWS_LAST)])


@functools.cache
def _sc_spmm():
    return pl.kernel(
        _sc_spmm_body,
        out_type=jax.ShapeDtypeStruct((NC, N, D), jnp.float32),
        mesh=_mesh(),
        scratch_types=[
            pltpu.VMEM((CH, CK), jnp.int32),
            pltpu.VMEM((CH, CK), jnp.int32),
            pltpu.VMEM((CK, D), jnp.float32),
            pltpu.VMEM_SHARED((N_PAD, D), jnp.float32),
            pltpu.SemaphoreType.DMA,
        ],
    )


def _sc_degree_body(dst_hbm, zero_hbm, out_hbm, dst_v, ones_v, acc_sh, sem):
    c = lax.axis_index("c")
    s = lax.axis_index("s")
    w = c * NS + s
    zo = pl.multiple_of(s * ROWS_Z, 128)
    pltpu.sync_copy(dst_hbm.at[w], dst_v)
    for i in range(CK // 16):
        ones_v[pl.ds(i * 16, 16)] = jnp.ones((16,), jnp.float32)
    pltpu.sync_copy(zero_hbm.at[pl.ds(zo, ROWS_Z)],
                    acc_sh.at[pl.ds(zo, ROWS_Z)])
    plsc.subcore_barrier()

    def body(j, carry):
        pltpu.sync_copy(ones_v, acc_sh.at[dst_v.at[j]], add=True)
        return carry

    lax.fori_loop(0, CH, body, 0)
    plsc.subcore_barrier()
    fo = pl.multiple_of(c * N_PAD + s * ROWS_Z, 128)
    pltpu.sync_copy(acc_sh.at[pl.ds(zo, ROWS_Z)],
                    out_hbm.at[pl.ds(fo, ROWS_Z)])


@functools.cache
def _sc_degree():
    return pl.kernel(
        _sc_degree_body,
        out_type=jax.ShapeDtypeStruct((NC * N_PAD,), jnp.float32),
        mesh=_mesh(),
        scratch_types=[
            pltpu.VMEM((CH, CK), jnp.int32),
            pltpu.VMEM((CK,), jnp.float32),
            pltpu.VMEM_SHARED((N_PAD,), jnp.float32),
            pltpu.SemaphoreType.DMA,
        ],
    )



def _dcol(deg_ref):
    dsum = deg_ref[0] + deg_ref[1]
    return jax.lax.rsqrt(jnp.maximum(dsum, 1.0))


def _leaky(x):
    return jnp.where(x >= 0.0, x, 0.01 * x)


_deg_spec = pl.BlockSpec((2, BN, 1), lambda i: (0, i, 0))
_row_spec = pl.BlockSpec((BN, D), lambda i: (i, 0))
_par_spec = pl.BlockSpec((2, BN, D), lambda i: (0, i, 0))
_full = lambda shape: pl.BlockSpec(shape, lambda i: tuple(0 for _ in shape))


def _tc_scale_body(deg_ref, x_ref, o_ref):
    o_ref[...] = x_ref[...] * _dcol(deg_ref)


def _tc_mid_body(deg_ref, p_ref, o_ref):
    d = _dcol(deg_ref)
    o_ref[...] = ((p_ref[0] + p_ref[1]) * d) * d


def _tc_combine_body(deg_ref, h_ref, p1_ref, p2_ref, w_ref, b_ref,
                     h1_ref, g2_ref):
    d = _dcol(deg_ref)
    h = h_ref[...]
    t1 = -((p1_ref[0] + p1_ref[1]) * d)
    t2 = 2.0 * ((p2_ref[0] + p2_ref[1]) * d) - h
    acc = jnp.dot(h, w_ref[0], preferred_element_type=jnp.float32)
    acc = acc + jnp.dot(t1, w_ref[1], preferred_element_type=jnp.float32)
    acc = acc + jnp.dot(t2, w_ref[2], preferred_element_type=jnp.float32)
    acc = acc + b_ref[...]
    h1 = _leaky(acc)
    h1_ref[...] = h1
    g2_ref[...] = h1 * d


def _tc_final_body(deg_ref, h_ref, p1_ref, p2_ref, w_ref, b_ref,
                   wp_ref, bp_ref, o_ref):
    d = _dcol(deg_ref)
    h = h_ref[...]
    t1 = -((p1_ref[0] + p1_ref[1]) * d)
    t2 = 2.0 * ((p2_ref[0] + p2_ref[1]) * d) - h
    acc = jnp.dot(h, w_ref[0], preferred_element_type=jnp.float32)
    acc = acc + jnp.dot(t1, w_ref[1], preferred_element_type=jnp.float32)
    acc = acc + jnp.dot(t2, w_ref[2], preferred_element_type=jnp.float32)
    h2 = _leaky(acc + b_ref[...])
    o_ref[...] = (jnp.dot(h2, wp_ref[...], preferred_element_type=jnp.float32)
                  + bp_ref[...])


def _tc_scale(degc, x):
    return pl.pallas_call(
        _tc_scale_body,
        grid=(GRID,),
        in_specs=[_deg_spec, _row_spec],
        out_specs=_row_spec,
        out_shape=jax.ShapeDtypeStruct((N, D), jnp.float32),
    )(degc, x)


def _tc_mid(degc, p):
    return pl.pallas_call(
        _tc_mid_body,
        grid=(GRID,),
        in_specs=[_deg_spec, _par_spec],
        out_specs=_row_spec,
        out_shape=jax.ShapeDtypeStruct((N, D), jnp.float32),
    )(degc, p)


def _tc_combine(degc, h, p1, p2, W, b):
    return pl.pallas_call(
        _tc_combine_body,
        grid=(GRID,),
        in_specs=[_deg_spec, _row_spec, _par_spec, _par_spec,
                  _full((3, D, D)), _full((1, D))],
        out_specs=[_row_spec, _row_spec],
        out_shape=[jax.ShapeDtypeStruct((N, D), jnp.float32),
                   jax.ShapeDtypeStruct((N, D), jnp.float32)],
    )(degc, h, p1, p2, W, b)


def _tc_final(degc, h, p1, p2, W, b, Wp, bp):
    return pl.pallas_call(
        _tc_final_body,
        grid=(GRID,),
        in_specs=[_deg_spec, _row_spec, _par_spec, _par_spec,
                  _full((3, D, D)), _full((1, D)), _full((D, 1)),
                  _full((1, 1))],
        out_specs=pl.BlockSpec((BN, 1), lambda i: (i, 0)),
        out_shape=jax.ShapeDtypeStruct((N, 1), jnp.float32),
    )(degc, h, p1, p2, W, b, Wp, bp)



def kernel(features, edge_index, W0, b0, W1, b1, Wp, bp):
    src = edge_index[0]
    dst = edge_index[1]
    pad = E_PAD - E
    pad_src = (jnp.arange(pad, dtype=jnp.int32) * 131) % N
    pad_dst = N + (jnp.arange(pad, dtype=jnp.int32) % 64)
    src3 = jnp.concatenate([src, pad_src]).reshape(NW, CH, CK)
    dst3 = jnp.concatenate([dst, pad_dst]).reshape(NW, CH, CK)
    zeros1d = jnp.zeros((N_PAD,), jnp.float32)

    degp = _sc_degree()(dst3, zeros1d).reshape(NC, N_PAD)
    degc = degp[:, :N, None]

    spmm = _sc_spmm()
    g0 = _tc_scale(degc, features)
    p1 = spmm(g0, src3, dst3)
    g1 = _tc_mid(degc, p1)
    p2 = spmm(g1, src3, dst3)
    h1, g2 = _tc_combine(degc, features, p1, p2, W0, b0.reshape(1, D))

    q1 = spmm(g2, src3, dst3)
    g3 = _tc_mid(degc, q1)
    q2 = spmm(g3, src3, dst3)
    return _tc_final(degc, h1, q1, q2, W1, b1.reshape(1, D),
                     Wp, bp.reshape(1, 1))

# --- scband reference (transcript-rebuilt; emitter-appended) ---
"""Pipeline reference for scband-cheb-net-model-ori-18906446037095 (READ-ONLY COPY).

The authoritative reference and input builder live on the scoring server;
editing this copy changes nothing except your own understanding.
"""

import jax, jax.numpy as jnp
import numpy as np

N = 10000
E = 320000
D_IN = 128
D_LAT = 128
K = 3


def setup_inputs(seed: int = 0):
    key = jax.random.key(seed)
    ks = jax.random.split(key, 8)
    features = jax.random.normal(ks[0], (N, D_IN), dtype=jnp.float32)
    edge_index = jax.random.randint(ks[1], (2, E), 0, N, dtype=jnp.int32)
    W0 = jax.random.normal(ks[2], (K, D_IN, D_LAT), dtype=jnp.float32) * 0.05
    b0 = jnp.zeros((D_LAT,), dtype=jnp.float32)
    W1 = jax.random.normal(ks[3], (K, D_LAT, D_LAT), dtype=jnp.float32) * 0.05
    b1 = jnp.zeros((D_LAT,), dtype=jnp.float32)
    Wp = jax.random.normal(ks[4], (D_LAT, 1), dtype=jnp.float32) * 0.05
    bp = jnp.zeros((1,), dtype=jnp.float32)
    return {"features": features, "edge_index": edge_index, "W0": W0, "b0": b0, "W1": W1, "b1": b1, "Wp": Wp, "bp": bp}


def _cheb_conv(x, edge_index, W, b):
    # DGL ChebConv with default lambda_max = 2 => L_hat = -D^{-1/2} A D^{-1/2}
    src = edge_index[0]
    dst = edge_index[1]
    n = x.shape[0]
    deg = jnp.zeros((n,), dtype=jnp.float32).at[dst].add(1.0)
    d_invsqrt = jnp.power(jnp.clip(deg, 1.0, None), -0.5)

    def lap(h):
        # D^{-1/2} A D^{-1/2} h via gather + scatter-add (copy_u, sum)
        hh = h * d_invsqrt[:, None]
        agg = jnp.zeros_like(h).at[dst].add(hh[src])
        return agg * d_invsqrt[:, None]

    k = W.shape[0]
    Tx_prev2 = x  # T0
    out = Tx_prev2 @ W[0]
    if k > 1:
        Tx_prev1 = -lap(Tx_prev2)  # T1 = L_hat x
        out = out + Tx_prev1 @ W[1]
        for i in range(2, k):
            Tx_new = -2.0 * lap(Tx_prev1) - Tx_prev2  # Tk = 2 L_hat T_{k-1} - T_{k-2}
            out = out + Tx_new @ W[i]
            Tx_prev2, Tx_prev1 = Tx_prev1, Tx_new
    return out + b


def reference(features, edge_index, W0, b0, W1, b1, Wp, bp):
    # dropout is identity at inference; LeakyReLU default slope 0.01
    h = _cheb_conv(features, edge_index, W0, b0)
    h = jax.nn.leaky_relu(h, negative_slope=0.01)
    h = _cheb_conv(h, edge_index, W1, b1)
    h = jax.nn.leaky_relu(h, negative_slope=0.01)
    logits = h @ Wp + bp
    return logits

if __name__ == "__main__":
    import jax
    _d = setup_inputs()
    print(jax.jit(kernel)(*tuple(_d.values())))

</pallas_src>

<mosaic_0001>
#map = affine_map<(d0, d1) -> (0, 0)>
#map1 = affine_map<(d0, d1) -> (0, 0, 0)>
module attributes {stable_mosaic.version = 14 : i64} {
  func.func @_sc_spmm_body(%arg0: i32, %arg1: i32, %arg2: memref<10000x128xf32, #tpu.memory_space<hbm>>, %arg3: memref<32x80x128xi32, #tpu.memory_space<hbm>>, %arg4: memref<32x80x128xi32, #tpu.memory_space<hbm>>, %arg5: memref<2x10000x128xf32, #tpu.memory_space<hbm>>, %arg6: memref<80x128xi32, #tpu.memory_space<vmem>>, %arg7: memref<80x128xi32, #tpu.memory_space<vmem>>, %arg8: memref<128x128xf32, #tpu.memory_space<vmem>>, %arg9: memref<10240x128xf32, #tpu.memory_space<vmem_shared>>, %arg10: memref<!tpu.dma_semaphore, #tpu.memory_space<semaphore_mem>>) attributes {dimension_semantics = [#tpu.dimension_semantics<core_parallel>, #tpu.dimension_semantics<subcore_parallel>], iteration_bounds = array<i64: 2, 16>, scalar_prefetch = 0 : i64, scratch_operands = 5 : i64, tpu.core_type = #tpu.core_type<sc_vector_subcore>, window_params = [{transform_indices = #map}, {transform_indices = #map1}, {transform_indices = #map1}, {transform_indices = #map1}]} {
    %mul3A = arith.constant 16 : i32
    %mul3A_0 = arith.muli %arg0, %mul3A : i32
    %add3A = arith.addi %mul3A_0, %arg1 : i32
    %mul3A_1 = arith.constant 640 : i32
    %mul3A_2 = arith.muli %arg1, %mul3A_1 : i32
    %multiple_of3A = tpu.assume_multiple %mul3A_2, 128 : i32
    "tpu.region"() ({
      %run_scoped3A = tpu.sem_alloc : memref<!tpu.dma_semaphore, #tpu.memory_space<semaphore_mem>>
      %dma_start3A = arith.constant 0 : i32
      %dma_start3A_34 = arith.constant 0 : i32
      %dma_start3A_35 = tpu.memref_slice %arg3[%add3A, %dma_start3A, %dma_start3A_34] : memref<32x80x128xi32, #tpu.memory_space<hbm>> -> memref<1x80x128xi32, #tpu.memory_space<hbm>>
      %dma_start3A_36 = tpu.memref_squeeze %dma_start3A_35 : memref<1x80x128xi32, #tpu.memory_space<hbm>> -> memref<80x128xi32, #tpu.memory_space<hbm>>
      %dma_start3A_37 = arith.constant 0 : i32
      %dma_start3A_38 = arith.constant 0 : i32
      %dma_start3A_39 = tpu.memref_slice %arg3[%add3A, %dma_start3A_37, %dma_start3A_38] : memref<32x80x128xi32, #tpu.memory_space<hbm>> -> memref<1x80x128xi32, #tpu.memory_space<hbm>>
      %dma_start3A_40 = tpu.memref_squeeze %dma_start3A_39 : memref<1x80x128xi32, #tpu.memory_space<hbm>> -> memref<80x128xi32, #tpu.memory_space<hbm>>
      tpu.enqueue_dma source(%dma_start3A_40 : memref<80x128xi32, #tpu.memory_space<hbm>>) target(%arg6 : memref<80x128xi32, #tpu.memory_space<vmem>>) target_semaphore(%run_scoped3A : memref<!tpu.dma_semaphore, #tpu.memory_space<semaphore_mem>>)
      %dma_wait3A = arith.constant 0 : i32
      %dma_wait3A_41 = arith.constant 0 : i32
      %dma_wait3A_42 = tpu.memref_slice %arg3[%add3A, %dma_wait3A, %dma_wait3A_41] : memref<32x80x128xi32, #tpu.memory_space<hbm>> -> memref<1x80x128xi32, #tpu.memory_space<hbm>>
      %dma_wait3A_43 = tpu.memref_squeeze %dma_wait3A_42 : memref<1x80x128xi32, #tpu.memory_space<hbm>> -> memref<80x128xi32, #tpu.memory_space<hbm>>
      %dma_wait3A_44 = arith.constant 0 : i32
      %dma_wait3A_45 = arith.constant 0 : i32
      %dma_wait3A_46 = tpu.memref_slice %arg3[%add3A, %dma_wait3A_44, %dma_wait3A_45] : memref<32x80x128xi32, #tpu.memory_space<hbm>> -> memref<1x80x128xi32, #tpu.memory_space<hbm>>
      %dma_wait3A_47 = tpu.memref_squeeze %dma_wait3A_46 : memref<1x80x128xi32, #tpu.memory_space<hbm>> -> memref<80x128xi32, #tpu.memory_space<hbm>>
      tpu.wait_dma2 semaphore(%run_scoped3A : memref<!tpu.dma_semaphore, #tpu.memory_space<semaphore_mem>>) src(%dma_wait3A_47 : memref<80x128xi32, #tpu.memory_space<hbm>>) dst(%arg6 : memref<80x128xi32, #tpu.memory_space<vmem>>)
      tpu.yield
    }) : () -> ()
    "tpu.region"() ({
      %run_scoped3A = tpu.sem_alloc : memref<!tpu.dma_semaphore, #tpu.memory_space<semaphore_mem>>
      %dma_start3A = arith.constant 0 : i32
      %dma_start3A_34 = arith.constant 0 : i32
      %dma_start3A_35 = tpu.memref_slice %arg4[%add3A, %dma_start3A, %dma_start3A_34] : memref<32x80x128xi32, #tpu.memory_space<hbm>> -> memref<1x80x128xi32, #tpu.memory_space<hbm>>
      %dma_start3A_36 = tpu.memref_squeeze %dma_start3A_35 : memref<1x80x128xi32, #tpu.memory_space<hbm>> -> memref<80x128xi32, #tpu.memory_space<hbm>>
      %dma_start3A_37 = arith.constant 0 : i32
      %dma_start3A_38 = arith.constant 0 : i32
      %dma_start3A_39 = tpu.memref_slice %arg4[%add3A, %dma_start3A_37, %dma_start3A_38] : memref<32x80x128xi32, #tpu.memory_space<hbm>> -> memref<1x80x128xi32, #tpu.memory_space<hbm>>
      %dma_start3A_40 = tpu.memref_squeeze %dma_start3A_39 : memref<1x80x128xi32, #tpu.memory_space<hbm>> -> memref<80x128xi32, #tpu.memory_space<hbm>>
      tpu.enqueue_dma source(%dma_start3A_40 : memref<80x128xi32, #tpu.memory_space<hbm>>) target(%arg7 : memref<80x128xi32, #tpu.memory_space<vmem>>) target_semaphore(%run_scoped3A : memref<!tpu.dma_semaphore, #tpu.memory_space<semaphore_mem>>)
      %dma_wait3A = arith.constant 0 : i32
      %dma_wait3A_41 = arith.constant 0 : i32
      %dma_wait3A_42 = tpu.memref_slice %arg4[%add3A, %dma_wait3A, %dma_wait3A_41] : memref<32x80x128xi32, #tpu.memory_space<hbm>> -> memref<1x80x128xi32, #tpu.memory_space<hbm>>
      %dma_wait3A_43 = tpu.memref_squeeze %dma_wait3A_42 : memref<1x80x128xi32, #tpu.memory_space<hbm>> -> memref<80x128xi32, #tpu.memory_space<hbm>>
      %dma_wait3A_44 = arith.constant 0 : i32
      %dma_wait3A_45 = arith.constant 0 : i32
      %dma_wait3A_46 = tpu.memref_slice %arg4[%add3A, %dma_wait3A_44, %dma_wait3A_45] : memref<32x80x128xi32, #tpu.memory_space<hbm>> -> memref<1x80x128xi32, #tpu.memory_space<hbm>>
      %dma_wait3A_47 = tpu.memref_squeeze %dma_wait3A_46 : memref<1x80x128xi32, #tpu.memory_space<hbm>> -> memref<80x128xi32, #tpu.memory_space<hbm>>
      tpu.wait_dma2 semaphore(%run_scoped3A : memref<!tpu.dma_semaphore, #tpu.memory_space<semaphore_mem>>) src(%dma_wait3A_47 : memref<80x128xi32, #tpu.memory_space<hbm>>) dst(%arg7 : memref<80x128xi32, #tpu.memory_space<vmem>>)
      tpu.yield
    }) : () -> ()
    %scan3A = arith.constant 0 : i32
    %scan3A_3 = arith.constant 0 : i32
    %scan3A_4 = arith.constant 128 : i32
    %scan3A_5 = arith.addi %scan3A_3, %scan3A_4 : i32
    %scan3A_6 = arith.constant 1 : i32
    scf.for %scan3A_34 = %scan3A_3 to %scan3A_5 step %scan3A_6  : i32 {
      %broadcast_in_dim3A = arith.constant 0.000000e+00 : f32
      %broadcast_in_dim3A_35 = vector.broadcast %broadcast_in_dim3A : f32 to vector<16xf32>
      %swap3A = arith.index_cast %scan3A_34 : i32 to index
      %swap3A_36 = arith.constant 0 : index
      %swap3A_37 = tpu.vector_load %arg8[%swap3A, %swap3A_36] {strides = array<i32>} : memref<128x128xf32, #tpu.memory_space<vmem>>, vector<1x16xf32>,
      %swap3A_38 = vector.shape_cast %swap3A_37 : vector<1x16xf32> to vector<16xf32>
      %swap3A_39 = vector.shape_cast %broadcast_in_dim3A_35 : vector<16xf32> to vector<1x16xf32>
      tpu.vector_store %arg8[%swap3A, %swap3A_36], %swap3A_39 {strides = array<i32>} : memref<128x128xf32, #tpu.memory_space<vmem>>, vector<1x16xf32>,
      %broadcast_in_dim3A_40 = arith.constant 0.000000e+00 : f32
      %broadcast_in_dim3A_41 = vector.broadcast %broadcast_in_dim3A_40 : f32 to vector<16xf32>
      %swap3A_42 = arith.index_cast %scan3A_34 : i32 to index
      %swap3A_43 = arith.constant 16 : index
      %swap3A_44 = tpu.vector_load %arg8[%swap3A_42, %swap3A_43] {strides = array<i32>} : memref<128x128xf32, #tpu.memory_space<vmem>>, vector<1x16xf32>,
      %swap3A_45 = vector.shape_cast %swap3A_44 : vector<1x16xf32> to vector<16xf32>
      %swap3A_46 = vector.shape_cast %broadcast_in_dim3A_41 : vector<16xf32> to vector<1x16xf32>
      tpu.vector_store %arg8[%swap3A_42, %swap3A_43], %swap3A_46 {strides = array<i32>} : memref<128x128xf32, #tpu.memory_space<vmem>>, vector<1x16xf32>,
      %broadcast_in_dim3A_47 = arith.constant 0.000000e+00 : f32
      %broadcast_in_dim3A_48 = vector.broadcast %broadcast_in_dim3A_47 : f32 to vector<16xf32>
      %swap3A_49 = arith.index_cast %scan3A_34 : i32 to index
      %swap3A_50 = arith.constant 32 : index
      %swap3A_51 = tpu.vector_load %arg8[%swap3A_49, %swap3A_50] {strides = array<i32>} : memref<128x128xf32, #tpu.memory_space<vmem>>, vector<1x16xf32>,
      %swap3A_52 = vector.shape_cast %swap3A_51 : vector<1x16xf32> to vector<16xf32>
      %swap3A_53 = vector.shape_cast %broadcast_in_dim3A_48 : vector<16xf32> to vector<1x16xf32>
      tpu.vector_store %arg8[%swap3A_49, %swap3A_50], %swap3A_53 {strides = array<i32>} : memref<128x128xf32, #tpu.memory_space<vmem>>, vector<1x16xf32>,
      %broadcast_in_dim3A_54 = arith.constant 0.000000e+00 : f32
      %broadcast_in_dim3A_55 = vector.broadcast %broadcast_in_dim3A_54 : f32 to vector<16xf32>
      %swap3A_56 = arith.index_cast %scan3A_34 : i32 to index
      %swap3A_57 = arith.constant 48 : index
      %swap3A_58 = tpu.vector_load %arg8[%swap3A_56, %swap3A_57] {strides = array<i32>} : memref<128x128xf32, #tpu.memory_space<vmem>>, vector<1x16xf32>,
      %swap3A_59 = vector.shape_cast %swap3A_58 : vector<1x16xf32> to vector<16xf32>
      %swap3A_60 = vector.shape_cast %broadcast_in_dim3A_55 : vector<16xf32> to vector<1x16xf32>
      tpu.vector_store %arg8[%swap3A_56, %swap3A_57], %swap3A_60 {strides = array<i32>} : memref<128x128xf32, #tpu.memory_space<vmem>>, vector<1x16xf32>,
      %broadcast_in_dim3A_61 = arith.constant 0.000000e+00 : f32
      %broadcast_in_dim3A_62 = vector.broadcast %broadcast_in_dim3A_61 : f32 to vector<16xf32>
      %swap3A_63 = arith.index_cast %scan3A_34 : i32 to index
      %swap3A_64 = arith.constant 64 : index
      %swap3A_65 = tpu.vector_load %arg8[%swap3A_63, %swap3A_64] {strides = array<i32>} : memref<128x128xf32, #tpu.memory_space<vmem>>, vector<1x16xf32>,
      %swap3A_66 = vector.shape_cast %swap3A_65 : vector<1x16xf32> to vector<16xf32>
      %swap3A_67 = vector.shape_cast %broadcast_in_dim3A_62 : vector<16xf32> to vector<1x16xf32>
      tpu.vector_store %arg8[%swap3A_63, %swap3A_64], %swap3A_67 {strides = array<i32>} : memref<128x128xf32, #tpu.memory_space<vmem>>, vector<1x16xf32>,
      %broadcast_in_dim3A_68 = arith.constant 0.000000e+00 : f32
      %broadcast_in_dim3A_69 = vector.broadcast %broadcast_in_dim3A_68 : f32 to vector<16xf32>
      %swap3A_70 = arith.index_cast %scan3A_34 : i32 to index
      %swap3A_71 = arith.constant 80 : index
      %swap3A_72 = tpu.vector_load %arg8[%swap3A_70, %swap3A_71] {strides = array<i32>} : memref<128x128xf32, #tpu.memory_space<vmem>>, vector<1x16xf32>,
      %swap3A_73 = vector.shape_cast %swap3A_72 : vector<1x16xf32> to vector<16xf32>
      %swap3A_74 = vector.shape_cast %broadcast_in_dim3A_69 : vector<16xf32> to vector<1x16xf32>
      tpu.vector_store %arg8[%swap3A_70, %swap3A_71], %swap3A_74 {strides = array<i32>} : memref<128x128xf32, #tpu.memory_space<vmem>>, vector<1x16xf32>,
      %broadcast_in_dim3A_75 = arith.constant 0.000000e+00 : f32
      %broadcast_in_dim3A_76 = vector.broadcast %broadcast_in_dim3A_75 : f32 to vector<16xf32>
      %swap3A_77 = arith.index_cast %scan3A_34 : i32 to index
      %swap3A_78 = arith.constant 96 : index
      %swap3A_79 = tpu.vector_load %arg8[%swap3A_77, %swap3A_78] {strides = array<i32>} : memref<128x128xf32, #tpu.memory_space<vmem>>, vector<1x16xf32>,
      %swap3A_80 = vector.shape_cast %swap3A_79 : vector<1x16xf32> to vector<16xf32>
      %swap3A_81 = vector.shape_cast %broadcast_in_dim3A_76 : vector<16xf32> to vector<1x16xf32>
      tpu.vector_store %arg8[%swap3A_77, %swap3A_78], %swap3A_81 {strides = array<i32>} : memref<128x128xf32, #tpu.memory_space<vmem>>, vector<1x16xf32>,
      %broadcast_in_dim3A_82 = arith.constant 0.000000e+00 : f32
      %broadcast_in_dim3A_83 = vector.broadcast %broadcast_in_dim3A_82 : f32 to vector<16xf32>
      %swap3A_84 = arith.index_cast %scan3A_34 : i32 to index
      %swap3A_85 = arith.constant 112 : index
      %swap3A_86 = tpu.vector_load %arg8[%swap3A_84, %swap3A_85] {strides = array<i32>} : memref<128x128xf32, #tpu.memory_space<vmem>>, vector<1x16xf32>,
      %swap3A_87 = vector.shape_cast %swap3A_86 : vector<1x16xf32> to vector<16xf32>
      %swap3A_88 = vector.shape_cast %broadcast_in_dim3A_83 : vector<16xf32> to vector<1x16xf32>
      tpu.vector_store %arg8[%swap3A_84, %swap3A_85], %swap3A_88 {strides = array<i32>} : memref<128x128xf32, #tpu.memory_space<vmem>>, vector<1x16xf32>,
    }
    %scan3A_7 = arith.constant 128 : i32
    %add3A_8 = arith.constant 0 : i32
    %add3A_9 = arith.addi %multiple_of3A, %add3A_8 : i32
    "tpu.region"() ({
      %run_scoped3A = tpu.sem_alloc : memref<!tpu.dma_semaphore, #tpu.memory_space<semaphore_mem>>
      %dma_start3A = arith.constant 0 : i32
      %dma_start3A_34 = tpu.memref_slice %arg9[%add3A_9, %dma_start3A] : memref<10240x128xf32, #tpu.memory_space<vmem_shared>> -> memref<128x128xf32, #tpu.memory_space<vmem_shared>>
      %dma_start3A_35 = arith.constant 0 : i32
      %dma_start3A_36 = tpu.memref_slice %arg9[%add3A_9, %dma_start3A_35] : memref<10240x128xf32, #tpu.memory_space<vmem_shared>> -> memref<128x128xf32, #tpu.memory_space<vmem_shared>>
      tpu.enqueue_dma source(%arg8 : memref<128x128xf32, #tpu.memory_space<vmem>>) target(%dma_start3A_36 : memref<128x128xf32, #tpu.memory_space<vmem_shared>>) target_semaphore(%run_scoped3A : memref<!tpu.dma_semaphore, #tpu.memory_space<semaphore_mem>>)
      %dma_wait3A = arith.constant 0 : i32
      %dma_wait3A_37 = tpu.memref_slice %arg9[%add3A_9, %dma_wait3A] : memref<10240x128xf32, #tpu.memory_space<vmem_shared>> -> memref<128x128xf32, #tpu.memory_space<vmem_shared>>
      %dma_wait3A_38 = arith.constant 0 : i32
      %dma_wait3A_39 = tpu.memref_slice %arg9[%add3A_9, %dma_wait3A_38] : memref<10240x128xf32, #tpu.memory_space<vmem_shared>> -> memref<128x128xf32, #tpu.memory_space<vmem_shared>>
      tpu.wait_dma2 semaphore(%run_scoped3A : memref<!tpu.dma_semaphore, #tpu.memory_space<semaphore_mem>>) src(%arg8 : memref<128x128xf32, #tpu.memory_space<vmem>>) dst(%dma_wait3A_39 : memref<128x128xf32, #tpu.memory_space<vmem_shared>>)
      tpu.yield
    }) : () -> ()
    %add3A_10 = arith.constant 128 : i32
    %add3A_11 = arith.addi %multiple_of3A, %add3A_10 : i32
    "tpu.region"() ({
      %run_scoped3A = tpu.sem_alloc : memref<!tpu.dma_semaphore, #tpu.memory_space<semaphore_mem>>
      %dma_start3A = arith.constant 0 : i32
      %dma_start3A_34 = tpu.memref_slice %arg9[%add3A_11, %dma_start3A] : memref<10240x128xf32, #tpu.memory_space<vmem_shared>> -> memref<128x128xf32, #tpu.memory_space<vmem_shared>>
      %dma_start3A_35 = arith.constant 0 : i32
      %dma_start3A_36 = tpu.memref_slice %arg9[%add3A_11, %dma_start3A_35] : memref<10240x128xf32, #tpu.memory_space<vmem_shared>> -> memref<128x128xf32, #tpu.memory_space<vmem_shared>>
      tpu.enqueue_dma source(%arg8 : memref<128x128xf32, #tpu.memory_space<vmem>>) target(%dma_start3A_36 : memref<128x128xf32, #tpu.memory_space<vmem_shared>>) target_semaphore(%run_scoped3A : memref<!tpu.dma_semaphore, #tpu.memory_space<semaphore_mem>>)
      %dma_wait3A = arith.constant 0 : i32
      %dma_wait3A_37 = tpu.memref_slice %arg9[%add3A_11, %dma_wait3A] : memref<10240x128xf32, #tpu.memory_space<vmem_shared>> -> memref<128x128xf32, #tpu.memory_space<vmem_shared>>
      %dma_wait3A_38 = arith.constant 0 : i32
      %dma_wait3A_39 = tpu.memref_slice %arg9[%add3A_11, %dma_wait3A_38] : memref<10240x128xf32, #tpu.memory_space<vmem_shared>> -> memref<128x128xf32, #tpu.memory_space<vmem_shared>>
      tpu.wait_dma2 semaphore(%run_scoped3A : memref<!tpu.dma_semaphore, #tpu.memory_space<semaphore_mem>>) src(%arg8 : memref<128x128xf32, #tpu.memory_space<vmem>>) dst(%dma_wait3A_39 : memref<128x128xf32, #tpu.memory_space<vmem_shared>>)
      tpu.yield
    }) : () -> ()
    %add3A_12 = arith.constant 256 : i32
    %add3A_13 = arith.addi %multiple_of3A, %add3A_12 : i32
    "tpu.region"() ({
      %run_scoped3A = tpu.sem_alloc : memref<!tpu.dma_semaphore, #tpu.memory_space<semaphore_mem>>
      %dma_start3A = arith.constant 0 : i32
      %dma_start3A_34 = tpu.memref_slice %arg9[%add3A_13, %dma_start3A] : memref<10240x128xf32, #tpu.memory_space<vmem_shared>> -> memref<128x128xf32, #tpu.memory_space<vmem_shared>>
      %dma_start3A_35 = arith.constant 0 : i32
      %dma_start3A_36 = tpu.memref_slice %arg9[%add3A_13, %dma_start3A_35] : memref<10240x128xf32, #tpu.memory_space<vmem_shared>> -> memref<128x128xf32, #tpu.memory_space<vmem_shared>>
      tpu.enqueue_dma source(%arg8 : memref<128x128xf32, #tpu.memory_space<vmem>>) target(%dma_start3A_36 : memref<128x128xf32, #tpu.memory_space<vmem_shared>>) target_semaphore(%run_scoped3A : memref<!tpu.dma_semaphore, #tpu.memory_space<semaphore_mem>>)
      %dma_wait3A = arith.constant 0 : i32
      %dma_wait3A_37 = tpu.memref_slice %arg9[%add3A_13, %dma_wait3A] : memref<10240x128xf32, #tpu.memory_space<vmem_shared>> -> memref<128x128xf32, #tpu.memory_space<vmem_shared>>
      %dma_wait3A_38 = arith.constant 0 : i32
      %dma_wait3A_39 = tpu.memref_slice %arg9[%add3A_13, %dma_wait3A_38] : memref<10240x128xf32, #tpu.memory_space<vmem_shared>> -> memref<128x128xf32, #tpu.memory_space<vmem_shared>>
      tpu.wait_dma2 semaphore(%run_scoped3A : memref<!tpu.dma_semaphore, #tpu.memory_space<semaphore_mem>>) src(%arg8 : memref<128x128xf32, #tpu.memory_space<vmem>>) dst(%dma_wait3A_39 : memref<128x128xf32, #tpu.memory_space<vmem_shared>>)
      tpu.yield
    }) : () -> ()
    %add3A_14 = arith.constant 384 : i32
    %add3A_15 = arith.addi %multiple_of3A, %add3A_14 : i32
    "tpu.region"() ({
      %run_scoped3A = tpu.sem_alloc : memref<!tpu.dma_semaphore, #tpu.memory_space<semaphore_mem>>
      %dma_start3A = arith.constant 0 : i32
      %dma_start3A_34 = tpu.memref_slice %arg9[%add3A_15, %dma_start3A] : memref<10240x128xf32, #tpu.memory_space<vmem_shared>> -> memref<128x128xf32, #tpu.memory_space<vmem_shared>>
      %dma_start3A_35 = arith.constant 0 : i32
      %dma_start3A_36 = tpu.memref_slice %arg9[%add3A_15, %dma_start3A_35] : memref<10240x128xf32, #tpu.memory_space<vmem_shared>> -> memref<128x128xf32, #tpu.memory_space<vmem_shared>>
      tpu.enqueue_dma source(%arg8 : memref<128x128xf32, #tpu.memory_space<vmem>>) target(%dma_start3A_36 : memref<128x128xf32, #tpu.memory_space<vmem_shared>>) target_semaphore(%run_scoped3A : memref<!tpu.dma_semaphore, #tpu.memory_space<semaphore_mem>>)
      %dma_wait3A = arith.constant 0 : i32
      %dma_wait3A_37 = tpu.memref_slice %arg9[%add3A_15, %dma_wait3A] : memref<10240x128xf32, #tpu.memory_space<vmem_shared>> -> memref<128x128xf32, #tpu.memory_space<vmem_shared>>
      %dma_wait3A_38 = arith.constant 0 : i32
      %dma_wait3A_39 = tpu.memref_slice %arg9[%add3A_15, %dma_wait3A_38] : memref<10240x128xf32, #tpu.memory_space<vmem_shared>> -> memref<128x128xf32, #tpu.memory_space<vmem_shared>>
      tpu.wait_dma2 semaphore(%run_scoped3A : memref<!tpu.dma_semaphore, #tpu.memory_space<semaphore_mem>>) src(%arg8 : memref<128x128xf32, #tpu.memory_space<vmem>>) dst(%dma_wait3A_39 : memref<128x128xf32, #tpu.memory_space<vmem_shared>>)
      tpu.yield
    }) : () -> ()
    %add3A_16 = arith.constant 512 : i32
    %add3A_17 = arith.addi %multiple_of3A, %add3A_16 : i32
    "tpu.region"() ({
      %run_scoped3A = tpu.sem_alloc : memref<!tpu.dma_semaphore, #tpu.memory_space<semaphore_mem>>
      %dma_start3A = arith.constant 0 : i32
      %dma_start3A_34 = tpu.memref_slice %arg9[%add3A_17, %dma_start3A] : memref<10240x128xf32, #tpu.memory_space<vmem_shared>> -> memref<128x128xf32, #tpu.memory_space<vmem_shared>>
      %dma_start3A_35 = arith.constant 0 : i32
      %dma_start3A_36 = tpu.memref_slice %arg9[%add3A_17, %dma_start3A_35] : memref<10240x128xf32, #tpu.memory_space<vmem_shared>> -> memref<128x128xf32, #tpu.memory_space<vmem_shared>>
      tpu.enqueue_dma source(%arg8 : memref<128x128xf32, #tpu.memory_space<vmem>>) target(%dma_start3A_36 : memref<128x128xf32, #tpu.memory_space<vmem_shared>>) target_semaphore(%run_scoped3A : memref<!tpu.dma_semaphore, #tpu.memory_space<semaphore_mem>>)
      %dma_wait3A = arith.constant 0 : i32
      %dma_wait3A_37 = tpu.memref_slice %arg9[%add3A_17, %dma_wait3A] : memref<10240x128xf32, #tpu.memory_space<vmem_shared>> -> memref<128x128xf32, #tpu.memory_space<vmem_shared>>
      %dma_wait3A_38 = arith.constant 0 : i32
      %dma_wait3A_39 = tpu.memref_slice %arg9[%add3A_17, %dma_wait3A_38] : memref<10240x128xf32, #tpu.memory_space<vmem_shared>> -> memref<128x128xf32, #tpu.memory_space<vmem_shared>>
      tpu.wait_dma2 semaphore(%run_scoped3A : memref<!tpu.dma_semaphore, #tpu.memory_space<semaphore_mem>>) src(%arg8 : memref<128x128xf32, #tpu.memory_space<vmem>>) dst(%dma_wait3A_39 : memref<128x128xf32, #tpu.memory_space<vmem_shared>>)
      tpu.yield
    }) : () -> ()
    %barrier3A = arith.constant 0 : index
    tpu.barrier barrier_id(%barrier3A)
    %scan3A_18 = arith.constant 0 : i32
    %scan3A_19 = arith.constant 0 : i32
    %scan3A_20 = arith.constant 80 : i32
    %scan3A_21 = arith.addi %scan3A_19, %scan3A_20 : i32
    %scan3A_22 = arith.constant 1 : i32
    scf.for %scan3A_34 = %scan3A_19 to %scan3A_21 step %scan3A_22  : i32 {
      %dma_start3A = arith.constant 0 : i32
      %dma_start3A_35 = tpu.memref_slice %arg6[%scan3A_34, %dma_start3A] : memref<80x128xi32, #tpu.memory_space<vmem>> -> memref<1x128xi32, #tpu.memory_space<vmem>>
      %dma_start3A_36 = tpu.memref_squeeze %dma_start3A_35 : memref<1x128xi32, #tpu.memory_space<vmem>> -> memref<128xi32, #tpu.memory_space<vmem>>
      %dma_start3A_37 = arith.constant 0 : i32
      %dma_start3A_38 = arith.constant 0 : i32
      %dma_start3A_39 = tpu.memref_slice %arg2[%dma_start3A_37, %dma_start3A_38] : memref<10000x128xf32, #tpu.memory_space<hbm>> -> memref<10000x128xf32, #tpu.memory_space<hbm>>
      tpu.enqueue_indirect_dma source(%dma_start3A_39 : memref<10000x128xf32, #tpu.memory_space<hbm>>) target(%arg8 : memref<128x128xf32, #tpu.memory_space<vmem>>) offsets(%dma_start3A_36 : memref<128xi32, #tpu.memory_space<vmem>>) semaphore(%arg10 : memref<!tpu.dma_semaphore, #tpu.memory_space<semaphore_mem>>)
      %dma_wait3A = arith.constant 0 : i32
      %dma_wait3A_40 = tpu.memref_slice %arg6[%scan3A_34, %dma_wait3A] : memref<80x128xi32, #tpu.memory_space<vmem>> -> memref<1x128xi32, #tpu.memory_space<vmem>>
      %dma_wait3A_41 = tpu.memref_squeeze %dma_wait3A_40 : memref<1x128xi32, #tpu.memory_space<vmem>> -> memref<128xi32, #tpu.memory_space<vmem>>
      %dma_wait3A_42 = arith.constant 0 : i32
      %dma_wait3A_43 = arith.constant 0 : i32
      %dma_wait3A_44 = tpu.memref_slice %arg2[%dma_wait3A_42, %dma_wait3A_43] : memref<10000x128xf32, #tpu.memory_space<hbm>> -> memref<10000x128xf32, #tpu.memory_space<hbm>>
      tpu.wait_indirect_dma semaphore(%arg10 : memref<!tpu.dma_semaphore, #tpu.memory_space<semaphore_mem>>) src(%dma_wait3A_44 : memref<10000x128xf32, #tpu.memory_space<hbm>>) dst(%arg8 : memref<128x128xf32, #tpu.memory_space<vmem>>)
      "tpu.region"() ({
        %run_scoped3A = tpu.sem_alloc : memref<!tpu.dma_semaphore, #tpu.memory_space<semaphore_mem>>
        %dma_start3A_45 = arith.constant 0 : i32
        %dma_start3A_46 = tpu.memref_slice %arg7[%scan3A_34, %dma_start3A_45] : memref<80x128xi32, #tpu.memory_space<vmem>> -> memref<1x128xi32, #tpu.memory_space<vmem>>
        %dma_start3A_47 = tpu.memref_squeeze %dma_start3A_46 : memref<1x128xi32, #tpu.memory_space<vmem>> -> memref<128xi32, #tpu.memory_space<vmem>>
        %dma_start3A_48 = arith.constant 0 : i32
        %dma_start3A_49 = arith.constant 0 : i32
        %dma_start3A_50 = tpu.memref_slice %arg9[%dma_start3A_48, %dma_start3A_49] : memref<10240x128xf32, #tpu.memory_space<vmem_shared>> -> memref<10240x128xf32, #tpu.memory_space<vmem_shared>>
        tpu.enqueue_indirect_dma source(%arg8 : memref<128x128xf32, #tpu.memory_space<vmem>>) target(%dma_start3A_50 : memref<10240x128xf32, #tpu.memory_space<vmem_shared>>) offsets(%dma_start3A_47 : memref<128xi32, #tpu.memory_space<vmem>>) semaphore(%run_scoped3A : memref<!tpu.dma_semaphore, #tpu.memory_space<semaphore_mem>>) {add = true}
        %dma_wait3A_51 = arith.constant 0 : i32
        %dma_wait3A_52 = tpu.memref_slice %arg7[%scan3A_34, %dma_wait3A_51] : memref<80x128xi32, #tpu.memory_space<vmem>> -> memref<1x128xi32, #tpu.memory_space<vmem>>
        %dma_wait3A_53 = tpu.memref_squeeze %dma_wait3A_52 : memref<1x128xi32, #tpu.memory_space<vmem>> -> memref<128xi32, #tpu.memory_space<vmem>>
        %dma_wait3A_54 = arith.constant 0 : i32
        %dma_wait3A_55 = arith.constant 0 : i32
        %dma_wait3A_56 = tpu.memref_slice %arg9[%dma_wait3A_54, %dma_wait3A_55] : memref<10240x128xf32, #tpu.memory_space<vmem_shared>> -> memref<10240x128xf32, #tpu.memory_space<vmem_shared>>
        tpu.wait_indirect_dma semaphore(%run_scoped3A : memref<!tpu.dma_semaphore, #tpu.memory_space<semaphore_mem>>) src(%arg8 : memref<128x128xf32, #tpu.memory_space<vmem>>) dst(%dma_wait3A_56 : memref<10240x128xf32, #tpu.memory_space<vmem_shared>>)
        tpu.yield
      }) : () -> ()
    }
    %scan3A_23 = arith.constant 80 : i32
    %barrier3A_24 = arith.constant 0 : index
    tpu.barrier barrier_id(%barrier3A_24)
    %mul3A_25 = arith.constant 632 : i32
    %mul3A_26 = arith.muli %arg1, %mul3A_25 : i32
    %multiple_of3A_27 = tpu.assume_multiple %mul3A_26, 8 : i32
    %lt3A = arith.constant 15 : i32
    %lt3A_28 = arith.cmpi slt, %arg1, %lt3A : i32
    %convert_element_type3A = arith.extui %lt3A_28 : i1 to i32
    %cond3A = arith.constant 0 : i32
    %cond3A_29 = arith.cmpi ne, %convert_element_type3A, %cond3A : i32
    scf.if %cond3A_29 {
      "tpu.region"() ({
        %run_scoped3A = tpu.sem_alloc : memref<!tpu.dma_semaphore, #tpu.memory_space<semaphore_mem>>
        %dma_start3A = arith.constant 0 : i32
        %dma_start3A_34 = arith.constant 0 : i32
        %dma_start3A_35 = tpu.memref_slice %arg5[%arg0, %dma_start3A, %dma_start3A_34] : memref<2x10000x128xf32, #tpu.memory_space<hbm>> -> memref<1x10000x128xf32, #tpu.memory_space<hbm>>
        %dma_start3A_36 = tpu.memref_squeeze %dma_start3A_35 : memref<1x10000x128xf32, #tpu.memory_space<hbm>> -> memref<10000x128xf32, #tpu.memory_space<hbm>>
        %dma_start3A_37 = arith.constant 0 : i32
        %dma_start3A_38 = tpu.memref_slice %dma_start3A_36[%multiple_of3A_27, %dma_start3A_37] : memref<10000x128xf32, #tpu.memory_space<hbm>> -> memref<632x128xf32, #tpu.memory_space<hbm>>
        %dma_start3A_39 = arith.constant 0 : i32
        %dma_start3A_40 = tpu.memref_slice %arg9[%multiple_of3A_27, %dma_start3A_39] : memref<10240x128xf32, #tpu.memory_space<vmem_shared>> -> memref<632x128xf32, #tpu.memory_space<vmem_shared>>
        tpu.enqueue_dma source(%dma_start3A_40 : memref<632x128xf32, #tpu.memory_space<vmem_shared>>) target(%dma_start3A_38 : memref<632x128xf32, #tpu.memory_space<hbm>>) target_semaphore(%run_scoped3A : memref<!tpu.dma_semaphore, #tpu.memory_space<semaphore_mem>>)
        %dma_wait3A = arith.constant 0 : i32
        %dma_wait3A_41 = arith.constant 0 : i32
        %dma_wait3A_42 = tpu.memref_slice %arg5[%arg0, %dma_wait3A, %dma_wait3A_41] : memref<2x10000x128xf32, #tpu.memory_space<hbm>> -> memref<1x10000x128xf32, #tpu.memory_space<hbm>>
        %dma_wait3A_43 = tpu.memref_squeeze %dma_wait3A_42 : memref<1x10000x128xf32, #tpu.memory_space<hbm>> -> memref<10000x128xf32, #tpu.memory_space<hbm>>
        %dma_wait3A_44 = arith.constant 0 : i32
        %dma_wait3A_45 = tpu.memref_slice %dma_wait3A_43[%multiple_of3A_27, %dma_wait3A_44] : memref<10000x128xf32, #tpu.memory_space<hbm>> -> memref<632x128xf32, #tpu.memory_space<hbm>>
        %dma_wait3A_46 = arith.constant 0 : i32
        %dma_wait3A_47 = tpu.memref_slice %arg9[%multiple_of3A_27, %dma_wait3A_46] : memref<10240x128xf32, #tpu.memory_space<vmem_shared>> -> memref<632x128xf32, #tpu.memory_space<vmem_shared>>
        tpu.wait_dma2 semaphore(%run_scoped3A : memref<!tpu.dma_semaphore, #tpu.memory_space<semaphore_mem>>) src(%dma_wait3A_47 : memref<632x128xf32, #tpu.memory_space<vmem_shared>>) dst(%dma_wait3A_45 : memref<632x128xf32, #tpu.memory_space<hbm>>)
        tpu.yield
      }) : () -> ()
    } else {
    }
    %eq3A = arith.constant 15 : i32
    %eq3A_30 = arith.cmpi eq, %arg1, %eq3A : i32
    %convert_element_type3A_31 = arith.extui %eq3A_30 : i1 to i32
    %cond3A_32 = arith.constant 0 : i32
    %cond3A_33 = arith.cmpi ne, %convert_element_type3A_31, %cond3A_32 : i32
    scf.if %cond3A_33 {
      "tpu.region"() ({
        %run_scoped3A = tpu.sem_alloc : memref<!tpu.dma_semaphore, #tpu.memory_space<semaphore_mem>>
        %dma_start3A = arith.constant 0 : i32
        %dma_start3A_34 = arith.constant 0 : i32
        %dma_start3A_35 = tpu.memref_slice %arg5[%arg0, %dma_start3A, %dma_start3A_34] : memref<2x10000x128xf32, #tpu.memory_space<hbm>> -> memref<1x10000x128xf32, #tpu.memory_space<hbm>>
        %dma_start3A_36 = tpu.memref_squeeze %dma_start3A_35 : memref<1x10000x128xf32, #tpu.memory_space<hbm>> -> memref<10000x128xf32, #tpu.memory_space<hbm>>
        %dma_start3A_37 = arith.constant 9480 : i32
        %dma_start3A_38 = arith.constant 0 : i32
        %dma_start3A_39 = tpu.memref_slice %dma_start3A_36[%dma_start3A_37, %dma_start3A_38] : memref<10000x128xf32, #tpu.memory_space<hbm>> -> memref<520x128xf32, #tpu.memory_space<hbm>>
        %dma_start3A_40 = arith.constant 9480 : i32
        %dma_start3A_41 = arith.constant 0 : i32
        %dma_start3A_42 = tpu.memref_slice %arg9[%dma_start3A_40, %dma_start3A_41] : memref<10240x128xf32, #tpu.memory_space<vmem_shared>> -> memref<520x128xf32, #tpu.memory_space<vmem_shared>>
        tpu.enqueue_dma source(%dma_start3A_42 : memref<520x128xf32, #tpu.memory_space<vmem_shared>>) target(%dma_start3A_39 : memref<520x128xf32, #tpu.memory_space<hbm>>) target_semaphore(%run_scoped3A : memref<!tpu.dma_semaphore, #tpu.memory_space<semaphore_mem>>)
        %dma_wait3A = arith.constant 0 : i32
        %dma_wait3A_43 = arith.constant 0 : i32
        %dma_wait3A_44 = tpu.memref_slice %arg5[%arg0, %dma_wait3A, %dma_wait3A_43] : memref<2x10000x128xf32, #tpu.memory_space<hbm>> -> memref<1x10000x128xf32, #tpu.memory_space<hbm>>
        %dma_wait3A_45 = tpu.memref_squeeze %dma_wait3A_44 : memref<1x10000x128xf32, #tpu.memory_space<hbm>> -> memref<10000x128xf32, #tpu.memory_space<hbm>>
        %dma_wait3A_46 = arith.constant 9480 : i32
        %dma_wait3A_47 = arith.constant 0 : i32
        %dma_wait3A_48 = tpu.memref_slice %dma_wait3A_45[%dma_wait3A_46, %dma_wait3A_47] : memref<10000x128xf32, #tpu.memory_space<hbm>> -> memref<520x128xf32, #tpu.memory_space<hbm>>
        %dma_wait3A_49 = arith.constant 9480 : i32
        %dma_wait3A_50 = arith.constant 0 : i32
        %dma_wait3A_51 = tpu.memref_slice %arg9[%dma_wait3A_49, %dma_wait3A_50] : memref<10240x128xf32, #tpu.memory_space<vmem_shared>> -> memref<520x128xf32, #tpu.memory_space<vmem_shared>>
        tpu.wait_dma2 semaphore(%run_scoped3A : memref<!tpu.dma_semaphore, #tpu.memory_space<semaphore_mem>>) src(%dma_wait3A_51 : memref<520x128xf32, #tpu.memory_space<vmem_shared>>) dst(%dma_wait3A_48 : memref<520x128xf32, #tpu.memory_space<hbm>>)
        tpu.yield
      }) : () -> ()
    } else {
    }
    return
  }
}

#map = affine_map<(d0, d1) -> (0, 0)>
#map1 = affine_map<(d0, d1) -> (0, 0, 0)>
module attributes {stable_mosaic.version = 14 : i64} {
  func.func @_sc_spmm_body(%arg0: i32, %arg1: i32, %arg2: memref<10000x128xf32, #tpu.memory_space<hbm>>, %arg3: memref<32x80x128xi32, #tpu.memory_space<hbm>>, %arg4: memref<32x80x128xi32, #tpu.memory_space<hbm>>, %arg5: memref<2x10000x128xf32, #tpu.memory_space<hbm>>, %arg6: memref<80x128xi32, #tpu.memory_space<vmem>>, %arg7: memref<80x128xi32, #tpu.memory_space<vmem>>, %arg8: memref<128x128xf32, #tpu.memory_space<vmem>>, %arg9: memref<10240x128xf32, #tpu.memory_space<vmem_shared>>, %arg10: memref<!tpu.dma_semaphore, #tpu.memory_space<semaphore_mem>>) attributes {dimension_semantics = [#tpu.dimension_semantics<core_parallel>, #tpu.dimension_semantics<subcore_parallel>], iteration_bounds = array<i64: 2, 16>, scalar_prefetch = 0 : i64, scratch_operands = 5 : i64, tpu.core_type = #tpu.core_type<sc_vector_subcore>, window_params = [{transform_indices = #map}, {transform_indices = #map1}, {transform_indices = #map1}, {transform_indices = #map1}]} {
    %mul3A = arith.constant 16 : i32
    %mul3A_0 = arith.muli %arg0, %mul3A : i32
    %add3A = arith.addi %mul3A_0, %arg1 : i32
    %mul3A_1 = arith.constant 640 : i32
    %mul3A_2 = arith.muli %arg1, %mul3A_1 : i32
    %multiple_of3A = tpu.assume_multiple %mul3A_2, 128 : i32
    "tpu.region"() ({
      %run_scoped3A = tpu.sem_alloc : memref<!tpu.dma_semaphore, #tpu.memory_space<semaphore_mem>>
      %dma_start3A = arith.constant 0 : i32
      %dma_start3A_34 = arith.constant 0 : i32
      %dma_start3A_35 = tpu.memref_slice %arg3[%add3A, %dma_start3A, %dma_start3A_34] : memref<32x80x128xi32, #tpu.memory_space<hbm>> -> memref<1x80x128xi32, #tpu.memory_space<hbm>>
      %dma_start3A_36 = tpu.memref_squeeze %dma_start3A_35 : memref<1x80x128xi32, #tpu.memory_space<hbm>> -> memref<80x128xi32, #tpu.memory_space<hbm>>
      %dma_start3A_37 = arith.constant 0 : i32
      %dma_start3A_38 = arith.constant 0 : i32
      %dma_start3A_39 = tpu.memref_slice %arg3[%add3A, %dma_start3A_37, %dma_start3A_38] : memref<32x80x128xi32, #tpu.memory_space<hbm>> -> memref<1x80x128xi32, #tpu.memory_space<hbm>>
      %dma_start3A_40 = tpu.memref_squeeze %dma_start3A_39 : memref<1x80x128xi32, #tpu.memory_space<hbm>> -> memref<80x128xi32, #tpu.memory_space<hbm>>
      tpu.enqueue_dma source(%dma_start3A_40 : memref<80x128xi32, #tpu.memory_space<hbm>>) target(%arg6 : memref<80x128xi32, #tpu.memory_space<vmem>>) target_semaphore(%run_scoped3A : memref<!tpu.dma_semaphore, #tpu.memory_space<semaphore_mem>>)
      %dma_wait3A = arith.constant 0 : i32
      %dma_wait3A_41 = arith.constant 0 : i32
      %dma_wait3A_42 = tpu.memref_slice %arg3[%add3A, %dma_wait3A, %dma_wait3A_41] : memref<32x80x128xi32, #tpu.memory_space<hbm>> -> memref<1x80x128xi32, #tpu.memory_space<hbm>>
      %dma_wait3A_43 = tpu.memref_squeeze %dma_wait3A_42 : memref<1x80x128xi32, #tpu.memory_space<hbm>> -> memref<80x128xi32, #tpu.memory_space<hbm>>
      %dma_wait3A_44 = arith.constant 0 : i32
      %dma_wait3A_45 = arith.constant 0 : i32
      %dma_wait3A_46 = tpu.memref_slice %arg3[%add3A, %dma_wait3A_44, %dma_wait3A_45] : memref<32x80x128xi32, #tpu.memory_space<hbm>> -> memref<1x80x128xi32, #tpu.memory_space<hbm>>
      %dma_wait3A_47 = tpu.memref_squeeze %dma_wait3A_46 : memref<1x80x128xi32, #tpu.memory_space<hbm>> -> memref<80x128xi32, #tpu.memory_space<hbm>>
      tpu.wait_dma2 semaphore(%run_scoped3A : memref<!tpu.dma_semaphore, #tpu.memory_space<semaphore_mem>>) src(%dma_wait3A_47 : memref<80x128xi32, #tpu.memory_space<hbm>>) dst(%arg6 : memref<80x128xi32, #tpu.memory_space<vmem>>)
      tpu.yield
    }) : () -> ()
    "tpu.region"() ({
      %run_scoped3A = tpu.sem_alloc : memref<!tpu.dma_semaphore, #tpu.memory_space<semaphore_mem>>
      %dma_start3A = arith.constant 0 : i32
      %dma_start3A_34 = arith.constant 0 : i32
      %dma_start3A_35 = tpu.memref_slice %arg4[%add3A, %dma_start3A, %dma_start3A_34] : memref<32x80x128xi32, #tpu.memory_space<hbm>> -> memref<1x80x128xi32, #tpu.memory_space<hbm>>
      %dma_start3A_36 = tpu.memref_squeeze %dma_start3A_35 : memref<1x80x128xi32, #tpu.memory_space<hbm>> -> memref<80x128xi32, #tpu.memory_space<hbm>>
      %dma_start3A_37 = arith.constant 0 : i32
      %dma_start3A_38 = arith.constant 0 : i32
      %dma_start3A_39 = tpu.memref_slice %arg4[%add3A, %dma_start3A_37, %dma_start3A_38] : memref<32x80x128xi32, #tpu.memory_space<hbm>> -> memref<1x80x128xi32, #tpu.memory_space<hbm>>
      %dma_start3A_40 = tpu.memref_squeeze %dma_start3A_39 : memref<1x80x128xi32, #tpu.memory_space<hbm>> -> memref<80x128xi32, #tpu.memory_space<hbm>>
      tpu.enqueue_dma source(%dma_start3A_40 : memref<80x128xi32, #tpu.memory_space<hbm>>) target(%arg7 : memref<80x128xi32, #tpu.memory_space<vmem>>) target_semaphore(%run_scoped3A : memref<!tpu.dma_semaphore, #tpu.memory_space<semaphore_mem>>)
      %dma_wait3A = arith.constant 0 : i32
      %dma_wait3A_41 = arith.constant 0 : i32
      %dma_wait3A_42 = tpu.memref_slice %arg4[%add3A, %dma_wait3A, %dma_wait3A_41] : memref<32x80x128xi32, #tpu.memory_space<hbm>> -> memref<1x80x128xi32, #tpu.memory_space<hbm>>
      %dma_wait3A_43 = tpu.memref_squeeze %dma_wait3A_42 : memref<1x80x128xi32, #tpu.memory_space<hbm>> -> memref<80x128xi32, #tpu.memory_space<hbm>>
      %dma_wait3A_44 = arith.constant 0 : i32
      %dma_wait3A_45 = arith.constant 0 : i32
      %dma_wait3A_46 = tpu.memref_slice %arg4[%add3A, %dma_wait3A_44, %dma_wait3A_45] : memref<32x80x128xi32, #tpu.memory_space<hbm>> -> memref<1x80x128xi32, #tpu.memory_space<hbm>>
      %dma_wait3A_47 = tpu.memref_squeeze %dma_wait3A_46 : memref<1x80x128xi32, #tpu.memory_space<hbm>> -> memref<80x128xi32, #tpu.memory_space<hbm>>
      tpu.wait_dma2 semaphore(%run_scoped3A : memref<!tpu.dma_semaphore, #tpu.memory_space<semaphore_mem>>) src(%dma_wait3A_47 : memref<80x128xi32, #tpu.memory_space<hbm>>) dst(%arg7 : memref<80x128xi32, #tpu.memory_space<vmem>>)
      tpu.yield
    }) : () -> ()
    %scan3A = arith.constant 0 : i32
    %scan3A_3 = arith.constant 0 : i32
    %scan3A_4 = arith.constant 128 : i32
    %scan3A_5 = arith.addi %scan3A_3, %scan3A_4 : i32
    %scan3A_6 = arith.constant 1 : i32
    scf.for %scan3A_34 = %scan3A_3 to %scan3A_5 step %scan3A_6  : i32 {
      %broadcast_in_dim3A = arith.constant 0.000000e+00 : f32
      %broadcast_in_dim3A_35 = vector.broadcast %broadcast_in_dim3A : f32 to vector<16xf32>
      %swap3A = arith.index_cast %scan3A_34 : i32 to index
      %swap3A_36 = arith.constant 0 : index
      %swap3A_37 = tpu.vector_load %arg8[%swap3A, %swap3A_36] {strides = array<i32>} : memref<128x128xf32, #tpu.memory_space<vmem>>, vector<1x16xf32>,
      %swap3A_38 = vector.shape_cast %swap3A_37 : vector<1x16xf32> to vector<16xf32>
      %swap3A_39 = vector.shape_cast %broadcast_in_dim3A_35 : vector<16xf32> to vector<1x16xf32>
      tpu.vector_store %arg8[%swap3A, %swap3A_36], %swap3A_39 {strides = array<i32>} : memref<128x128xf32, #tpu.memory_space<vmem>>, vector<1x16xf32>,
      %broadcast_in_dim3A_40 = arith.constant 0.000000e+00 : f32
      %broadcast_in_dim3A_41 = vector.broadcast %broadcast_in_dim3A_40 : f32 to vector<16xf32>
      %swap3A_42 = arith.index_cast %scan3A_34 : i32 to index
      %swap3A_43 = arith.constant 16 : index
      %swap3A_44 = tpu.vector_load %arg8[%swap3A_42, %swap3A_43] {strides = array<i32>} : memref<128x128xf32, #tpu.memory_space<vmem>>, vector<1x16xf32>,
      %swap3A_45 = vector.shape_cast %swap3A_44 : vector<1x16xf32> to vector<16xf32>
      %swap3A_46 = vector.shape_cast %broadcast_in_dim3A_41 : vector<16xf32> to vector<1x16xf32>
      tpu.vector_store %arg8[%swap3A_42, %swap3A_43], %swap3A_46 {strides = array<i32>} : memref<128x128xf32, #tpu.memory_space<vmem>>, vector<1x16xf32>,
      %broadcast_in_dim3A_47 = arith.constant 0.000000e+00 : f32
      %broadcast_in_dim3A_48 = vector.broadcast %broadcast_in_dim3A_47 : f32 to vector<16xf32>
      %swap3A_49 = arith.index_cast %scan3A_34 : i32 to index
      %swap3A_50 = arith.constant 32 : index
      %swap3A_51 = tpu.vector_load %arg8[%swap3A_49, %swap3A_50] {strides = array<i32>} : memref<128x128xf32, #tpu.memory_space<vmem>>, vector<1x16xf32>,
      %swap3A_52 = vector.shape_cast %swap3A_51 : vector<1x16xf32> to vector<16xf32>
      %swap3A_53 = vector.shape_cast %broadcast_in_dim3A_48 : vector<16xf32> to vector<1x16xf32>
      tpu.vector_store %arg8[%swap3A_49, %swap3A_50], %swap3A_53 {strides = array<i32>} : memref<128x128xf32, #tpu.memory_space<vmem>>, vector<1x16xf32>,
      %broadcast_in_dim3A_54 = arith.constant 0.000000e+00 : f32
      %broadcast_in_dim3A_55 = vector.broadcast %broadcast_in_dim3A_54 : f32 to vector<16xf32>
      %swap3A_56 = arith.index_cast %scan3A_34 : i32 to index
      %swap3A_57 = arith.constant 48 : index
      %swap3A_58 = tpu.vector_load %arg8[%swap3A_56, %swap3A_57] {strides = array<i32>} : memref<128x128xf32, #tpu.memory_space<vmem>>, vector<1x16xf32>,
      %swap3A_59 = vector.shape_cast %swap3A_58 : vector<1x16xf32> to vector<16xf32>
      %swap3A_60 = vector.shape_cast %broadcast_in_dim3A_55 : vector<16xf32> to vector<1x16xf32>
      tpu.vector_store %arg8[%swap3A_56, %swap3A_57], %swap3A_60 {strides = array<i32>} : memref<128x128xf32, #tpu.memory_space<vmem>>, vector<1x16xf32>,
      %broadcast_in_dim3A_61 = arith.constant 0.000000e+00 : f32
      %broadcast_in_dim3A_62 = vector.broadcast %broadcast_in_dim3A_61 : f32 to vector<16xf32>
      %swap3A_63 = arith.index_cast %scan3A_34 : i32 to index
      %swap3A_64 = arith.constant 64 : index
      %swap3A_65 = tpu.vector_load %arg8[%swap3A_63, %swap3A_64] {strides = array<i32>} : memref<128x128xf32, #tpu.memory_space<vmem>>, vector<1x16xf32>,
      %swap3A_66 = vector.shape_cast %swap3A_65 : vector<1x16xf32> to vector<16xf32>
      %swap3A_67 = vector.shape_cast %broadcast_in_dim3A_62 : vector<16xf32> to vector<1x16xf32>
      tpu.vector_store %arg8[%swap3A_63, %swap3A_64], %swap3A_67 {strides = array<i32>} : memref<128x128xf32, #tpu.memory_space<vmem>>, vector<1x16xf32>,
      %broadcast_in_dim3A_68 = arith.constant 0.000000e+00 : f32
      %broadcast_in_dim3A_69 = vector.broadcast %broadcast_in_dim3A_68 : f32 to vector<16xf32>
      %swap3A_70 = arith.index_cast %scan3A_34 : i32 to index
      %swap3A_71 = arith.constant 80 : index
      %swap3A_72 = tpu.vector_load %arg8[%swap3A_70, %swap3A_71] {strides = array<i32>} : memref<128x128xf32, #tpu.memory_space<vmem>>, vector<1x16xf32>,
      %swap3A_73 = vector.shape_cast %swap3A_72 : vector<1x16xf32> to vector<16xf32>
      %swap3A_74 = vector.shape_cast %broadcast_in_dim3A_69 : vector<16xf32> to vector<1x16xf32>
      tpu.vector_store %arg8[%swap3A_70, %swap3A_71], %swap3A_74 {strides = array<i32>} : memref<128x128xf32, #tpu.memory_space<vmem>>, vector<1x16xf32>,
      %broadcast_in_dim3A_75 = arith.constant 0.000000e+00 : f32
      %broadcast_in_dim3A_76 = vector.broadcast %broadcast_in_dim3A_75 : f32 to vector<16xf32>
      %swap3A_77 = arith.index_cast %scan3A_34 : i32 to index
      %swap3A_78 = arith.constant 96 : index
      %swap3A_79 = tpu.vector_load %arg8[%swap3A_77, %swap3A_78] {strides = array<i32>} : memref<128x128xf32, #tpu.memory_space<vmem>>, vector<1x16xf32>,
      %swap3A_80 = vector.shape_cast %swap3A_79 : vector<1x16xf32> to vector<16xf32>
      %swap3A_81 = vector.shape_cast %broadcast_in_dim3A_76 : vector<16xf32> to vector<1x16xf32>
      tpu.vector_store %arg8[%swap3A_77, %swap3A_78], %swap3A_81 {strides = array<i32>} : memref<128x128xf32, #tpu.memory_space<vmem>>, vector<1x16xf32>,
      %broadcast_in_dim3A_82 = arith.constant 0.000000e+00 : f32
      %broadcast_in_dim3A_83 = vector.broadcast %broadcast_in_dim3A_82 : f32 to vector<16xf32>
      %swap3A_84 = arith.index_cast %scan3A_34 : i32 to index
      %swap3A_85 = arith.constant 112 : index
      %swap3A_86 = tpu.vector_load %arg8[%swap3A_84, %swap3A_85] {strides = array<i32>} : memref<128x128xf32, #tpu.memory_space<vmem>>, vector<1x16xf32>,
      %swap3A_87 = vector.shape_cast %swap3A_86 : vector<1x16xf32> to vector<16xf32>
      %swap3A_88 = vector.shape_cast %broadcast_in_dim3A_83 : vector<16xf32> to vector<1x16xf32>
      tpu.vector_store %arg8[%swap3A_84, %swap3A_85], %swap3A_88 {strides = array<i32>} : memref<128x128xf32, #tpu.memory_space<vmem>>, vector<1x16xf32>,
    }
    %scan3A_7 = arith.constant 128 : i32
    %add3A_8 = arith.constant 0 : i32
    %add3A_9 = arith.addi %multiple_of3A, %add3A_8 : i32
    "tpu.region"() ({
      %run_scoped3A = tpu.sem_alloc : memref<!tpu.dma_semaphore, #tpu.memory_space<semaphore_mem>>
      %dma_start3A = arith.constant 0 : i32
      %dma_start3A_34 = tpu.memref_slice %arg9[%add3A_9, %dma_start3A] : memref<10240x128xf32, #tpu.memory_space<vmem_shared>> -> memref<128x128xf32, #tpu.memory_space<vmem_shared>>
      %dma_start3A_35 = arith.constant 0 : i32
      %dma_start3A_36 = tpu.memref_slice %arg9[%add3A_9, %dma_start3A_35] : memref<10240x128xf32, #tpu.memory_space<vmem_shared>> -> memref<128x128xf32, #tpu.memory_space<vmem_shared>>
      tpu.enqueue_dma source(%arg8 : memref<128x128xf32, #tpu.memory_space<vmem>>) target(%dma_start3A_36 : memref<128x128xf32, #tpu.memory_space<vmem_shared>>) target_semaphore(%run_scoped3A : memref<!tpu.dma_semaphore, #tpu.memory_space<semaphore_mem>>)
      %dma_wait3A = arith.constant 0 : i32
      %dma_wait3A_37 = tpu.memref_slice %arg9[%add3A_9, %dma_wait3A] : memref<10240x128xf32, #tpu.memory_space<vmem_shared>> -> memref<128x128xf32, #tpu.memory_space<vmem_shared>>
      %dma_wait3A_38 = arith.constant 0 : i32
      %dma_wait3A_39 = tpu.memref_slice %arg9[%add3A_9, %dma_wait3A_38] : memref<10240x128xf32, #tpu.memory_space<vmem_shared>> -> memref<128x128xf32, #tpu.memory_space<vmem_shared>>
      tpu.wait_dma2 semaphore(%run_scoped3A : memref<!tpu.dma_semaphore, #tpu.memory_space<semaphore_mem>>) src(%arg8 : memref<128x128xf32, #tpu.memory_space<vmem>>) dst(%dma_wait3A_39 : memref<128x128xf32, #tpu.memory_space<vmem_shared>>)
      tpu.yield
    }) : () -> ()
    %add3A_10 = arith.constant 128 : i32
    %add3A_11 = arith.addi %multiple_of3A, %add3A_10 : i32
    "tpu.region"() ({
      %run_scoped3A = tpu.sem_alloc : memref<!tpu.dma_semaphore, #tpu.memory_space<semaphore_mem>>
      %dma_start3A = arith.constant 0 : i32
      %dma_start3A_34 = tpu.memref_slice %arg9[%add3A_11, %dma_start3A] : memref<10240x128xf32, #tpu.memory_space<vmem_shared>> -> memref<128x128xf32, #tpu.memory_space<vmem_shared>>
      %dma_start3A_35 = arith.constant 0 : i32
      %dma_start3A_36 = tpu.memref_slice %arg9[%add3A_11, %dma_start3A_35] : memref<10240x128xf32, #tpu.memory_space<vmem_shared>> -> memref<128x128xf32, #tpu.memory_space<vmem_shared>>
      tpu.enqueue_dma source(%arg8 : memref<128x128xf32, #tpu.memory_space<vmem>>) target(%dma_start3A_36 : memref<128x128xf32, #tpu.memory_space<vmem_shared>>) target_semaphore(%run_scoped3A : memref<!tpu.dma_semaphore, #tpu.memory_space<semaphore_mem>>)
      %dma_wait3A = arith.constant 0 : i32
      %dma_wait3A_37 = tpu.memref_slice %arg9[%add3A_11, %dma_wait3A] : memref<10240x128xf32, #tpu.memory_space<vmem_shared>> -> memref<128x128xf32, #tpu.memory_space<vmem_shared>>
      %dma_wait3A_38 = arith.constant 0 : i32
      %dma_wait3A_39 = tpu.memref_slice %arg9[%add3A_11, %dma_wait3A_38] : memref<10240x128xf32, #tpu.memory_space<vmem_shared>> -> memref<128x128xf32, #tpu.memory_space<vmem_shared>>
      tpu.wait_dma2 semaphore(%run_scoped3A : memref<!tpu.dma_semaphore, #tpu.memory_space<semaphore_mem>>) src(%arg8 : memref<128x128xf32, #tpu.memory_space<vmem>>) dst(%dma_wait3A_39 : memref<128x128xf32, #tpu.memory_space<vmem_shared>>)
      tpu.yield
    }) : () -> ()
    %add3A_12 = arith.constant 256 : i32
    %add3A_13 = arith.addi %multiple_of3A, %add3A_12 : i32
    "tpu.region"() ({
      %run_scoped3A = tpu.sem_alloc : memref<!tpu.dma_semaphore, #tpu.memory_space<semaphore_mem>>
      %dma_start3A = arith.constant 0 : i32
      %dma_start3A_34 = tpu.memref_slice %arg9[%add3A_13, %dma_start3A] : memref<10240x128xf32, #tpu.memory_space<vmem_shared>> -> memref<128x128xf32, #tpu.memory_space<vmem_shared>>
      %dma_start3A_35 = arith.constant 0 : i32
      %dma_start3A_36 = tpu.memref_slice %arg9[%add3A_13, %dma_start3A_35] : memref<10240x128xf32, #tpu.memory_space<vmem_shared>> -> memref<128x128xf32, #tpu.memory_space<vmem_shared>>
      tpu.enqueue_dma source(%arg8 : memref<128x128xf32, #tpu.memory_space<vmem>>) target(%dma_start3A_36 : memref<128x128xf32, #tpu.memory_space<vmem_shared>>) target_semaphore(%run_scoped3A : memref<!tpu.dma_semaphore, #tpu.memory_space<semaphore_mem>>)
      %dma_wait3A = arith.constant 0 : i32
      %dma_wait3A_37 = tpu.memref_slice %arg9[%add3A_13, %dma_wait3A] : memref<10240x128xf32, #tpu.memory_space<vmem_shared>> -> memref<128x128xf32, #tpu.memory_space<vmem_shared>>
      %dma_wait3A_38 = arith.constant 0 : i32
      %dma_wait3A_39 = tpu.memref_slice %arg9[%add3A_13, %dma_wait3A_38] : memref<10240x128xf32, #tpu.memory_space<vmem_shared>> -> memref<128x128xf32, #tpu.memory_space<vmem_shared>>
      tpu.wait_dma2 semaphore(%run_scoped3A : memref<!tpu.dma_semaphore, #tpu.memory_space<semaphore_mem>>) src(%arg8 : memref<128x128xf32, #tpu.memory_space<vmem>>) dst(%dma_wait3A_39 : memref<128x128xf32, #tpu.memory_space<vmem_shared>>)
      tpu.yield
    }) : () -> ()
    %add3A_14 = arith.constant 384 : i32
    %add3A_15 = arith.addi %multiple_of3A, %add3A_14 : i32
    "tpu.region"() ({
      %run_scoped3A = tpu.sem_alloc : memref<!tpu.dma_semaphore, #tpu.memory_space<semaphore_mem>>
      %dma_start3A = arith.constant 0 : i32
      %dma_start3A_34 = tpu.memref_slice %arg9[%add3A_15, %dma_start3A] : memref<10240x128xf32, #tpu.memory_space<vmem_shared>> -> memref<128x128xf32, #tpu.memory_space<vmem_shared>>
      %dma_start3A_35 = arith.constant 0 : i32
      %dma_start3A_36 = tpu.memref_slice %arg9[%add3A_15, %dma_start3A_35] : memref<10240x128xf32, #tpu.memory_space<vmem_shared>> -> memref<128x128xf32, #tpu.memory_space<vmem_shared>>
      tpu.enqueue_dma source(%arg8 : memref<128x128xf32, #tpu.memory_space<vmem>>) target(%dma_start3A_36 : memref<128x128xf32, #tpu.memory_space<vmem_shared>>) target_semaphore(%run_scoped3A : memref<!tpu.dma_semaphore, #tpu.memory_space<semaphore_mem>>)
      %dma_wait3A = arith.constant 0 : i32
      %dma_wait3A_37 = tpu.memref_slice %arg9[%add3A_15, %dma_wait3A] : memref<10240x128xf32, #tpu.memory_space<vmem_shared>> -> memref<128x128xf32, #tpu.memory_space<vmem_shared>>
      %dma_wait3A_38 = arith.constant 0 : i32
      %dma_wait3A_39 = tpu.memref_slice %arg9[%add3A_15, %dma_wait3A_38] : memref<10240x128xf32, #tpu.memory_space<vmem_shared>> -> memref<128x128xf32, #tpu.memory_space<vmem_shared>>
      tpu.wait_dma2 semaphore(%run_scoped3A : memref<!tpu.dma_semaphore, #tpu.memory_space<semaphore_mem>>) src(%arg8 : memref<128x128xf32, #tpu.memory_space<vmem>>) dst(%dma_wait3A_39 : memref<128x128xf32, #tpu.memory_space<vmem_shared>>)
      tpu.yield
    }) : () -> ()
    %add3A_16 = arith.constant 512 : i32
    %add3A_17 = arith.addi %multiple_of3A, %add3A_16 : i32
    "tpu.region"() ({
      %run_scoped3A = tpu.sem_alloc : memref<!tpu.dma_semaphore, #tpu.memory_space<semaphore_mem>>
      %dma_start3A = arith.constant 0 : i32
      %dma_start3A_34 = tpu.memref_slice %arg9[%add3A_17, %dma_start3A] : memref<10240x128xf32, #tpu.memory_space<vmem_shared>> -> memref<128x128xf32, #tpu.memory_space<vmem_shared>>
      %dma_start3A_35 = arith.constant 0 : i32
      %dma_start3A_36 = tpu.memref_slice %arg9[%add3A_17, %dma_start3A_35] : memref<10240x128xf32, #tpu.memory_space<vmem_shared>> -> memref<128x128xf32, #tpu.memory_space<vmem_shared>>
      tpu.enqueue_dma source(%arg8 : memref<128x128xf32, #tpu.memory_space<vmem>>) target(%dma_start3A_36 : memref<128x128xf32, #tpu.memory_space<vmem_shared>>) target_semaphore(%run_scoped3A : memref<!tpu.dma_semaphore, #tpu.memory_space<semaphore_mem>>)
      %dma_wait3A = arith.constant 0 : i32
      %dma_wait3A_37 = tpu.memref_slice %arg9[%add3A_17, %dma_wait3A] : memref<10240x128xf32, #tpu.memory_space<vmem_shared>> -> memref<128x128xf32, #tpu.memory_space<vmem_shared>>
      %dma_wait3A_38 = arith.constant 0 : i32
      %dma_wait3A_39 = tpu.memref_slice %arg9[%add3A_17, %dma_wait3A_38] : memref<10240x128xf32, #tpu.memory_space<vmem_shared>> -> memref<128x128xf32, #tpu.memory_space<vmem_shared>>
      tpu.wait_dma2 semaphore(%run_scoped3A : memref<!tpu.dma_semaphore, #tpu.memory_space<semaphore_mem>>) src(%arg8 : memref<128x128xf32, #tpu.memory_space<vmem>>) dst(%dma_wait3A_39 : memref<128x128xf32, #tpu.memory_space<vmem_shared>>)
      tpu.yield
    }) : () -> ()
    %barrier3A = arith.constant 0 : index
    tpu.barrier barrier_id(%barrier3A)
    %scan3A_18 = arith.constant 0 : i32
    %scan3A_19 = arith.constant 0 : i32
    %scan3A_20 = arith.constant 80 : i32
    %scan3A_21 = arith.addi %scan3A_19, %scan3A_20 : i32
    %scan3A_22 = arith.constant 1 : i32
    scf.for %scan3A_34 = %scan3A_19 to %scan3A_21 step %scan3A_22  : i32 {
      %dma_start3A = arith.constant 0 : i32
      %dma_start3A_35 = tpu.memref_slice %arg6[%scan3A_34, %dma_start3A] : memref<80x128xi32, #tpu.memory_space<vmem>> -> memref<1x128xi32, #tpu.memory_space<vmem>>
      %dma_start3A_36 = tpu.memref_squeeze %dma_start3A_35 : memref<1x128xi32, #tpu.memory_space<vmem>> -> memref<128xi32, #tpu.memory_space<vmem>>
      %dma_start3A_37 = arith.constant 0 : i32
      %dma_start3A_38 = arith.constant 0 : i32
      %dma_start3A_39 = tpu.memref_slice %arg2[%dma_start3A_37, %dma_start3A_38] : memref<10000x128xf32, #tpu.memory_space<hbm>> -> memref<10000x128xf32, #tpu.memory_space<hbm>>
      tpu.enqueue_indirect_dma source(%dma_start3A_39 : memref<10000x128xf32, #tpu.memory_space<hbm>>) target(%arg8 : memref<128x128xf32, #tpu.memory_space<vmem>>) offsets(%dma_start3A_36 : memref<128xi32, #tpu.memory_space<vmem>>) semaphore(%arg10 : memref<!tpu.dma_semaphore, #tpu.memory_space<semaphore_mem>>)
      %dma_wait3A = arith.constant 0 : i32
      %dma_wait3A_40 = tpu.memref_slice %arg6[%scan3A_34, %dma_wait3A] : memref<80x128xi32, #tpu.memory_space<vmem>> -> memref<1x128xi32, #tpu.memory_space<vmem>>
      %dma_wait3A_41 = tpu.memref_squeeze %dma_wait3A_40 : memref<1x128xi32, #tpu.memory_space<vmem>> -> memref<128xi32, #tpu.memory_space<vmem>>
      %dma_wait3A_42 = arith.constant 0 : i32
      %dma_wait3A_43 = arith.constant 0 : i32
      %dma_wait3A_44 = tpu.memref_slice %arg2[%dma_wait3A_42, %dma_wait3A_43] : memref<10000x128xf32, #tpu.memory_space<hbm>> -> memref<10000x128xf32, #tpu.memory_space<hbm>>
      tpu.wait_indirect_dma semaphore(%arg10 : memref<!tpu.dma_semaphore, #tpu.memory_space<semaphore_mem>>) src(%dma_wait3A_44 : memref<10000x128xf32, #tpu.memory_space<hbm>>) dst(%arg8 : memref<128x128xf32, #tpu.memory_space<vmem>>)
      "tpu.region"() ({
        %run_scoped3A = tpu.sem_alloc : memref<!tpu.dma_semaphore, #tpu.memory_space<semaphore_mem>>
        %dma_start3A_45 = arith.constant 0 : i32
        %dma_start3A_46 = tpu.memref_slice %arg7[%scan3A_34, %dma_start3A_45] : memref<80x128xi32, #tpu.memory_space<vmem>> -> memref<1x128xi32, #tpu.memory_space<vmem>>
        %dma_start3A_47 = tpu.memref_squeeze %dma_start3A_46 : memref<1x128xi32, #tpu.memory_space<vmem>> -> memref<128xi32, #tpu.memory_space<vmem>>
        %dma_start3A_48 = arith.constant 0 : i32
        %dma_start3A_49 = arith.constant 0 : i32
        %dma_start3A_50 = tpu.memref_slice %arg9[%dma_start3A_48, %dma_start3A_49] : memref<10240x128xf32, #tpu.memory_space<vmem_shared>> -> memref<10240x128xf32, #tpu.memory_space<vmem_shared>>
        tpu.enqueue_indirect_dma source(%arg8 : memref<128x128xf32, #tpu.memory_space<vmem>>) target(%dma_start3A_50 : memref<10240x128xf32, #tpu.memory_space<vmem_shared>>) offsets(%dma_start3A_47 : memref<128xi32, #tpu.memory_space<vmem>>) semaphore(%run_scoped3A : memref<!tpu.dma_semaphore, #tpu.memory_space<semaphore_mem>>) {add = true}
        %dma_wait3A_51 = arith.constant 0 : i32
        %dma_wait3A_52 = tpu.memref_slice %arg7[%scan3A_34, %dma_wait3A_51] : memref<80x128xi32, #tpu.memory_space<vmem>> -> memref<1x128xi32, #tpu.memory_space<vmem>>
        %dma_wait3A_53 = tpu.memref_squeeze %dma_wait3A_52 : memref<1x128xi32, #tpu.memory_space<vmem>> -> memref<128xi32, #tpu.memory_space<vmem>>
        %dma_wait3A_54 = arith.constant 0 : i32
        %dma_wait3A_55 = arith.constant 0 : i32
        %dma_wait3A_56 = tpu.memref_slice %arg9[%dma_wait3A_54, %dma_wait3A_55] : memref<10240x128xf32, #tpu.memory_space<vmem_shared>> -> memref<10240x128xf32, #tpu.memory_space<vmem_shared>>
        tpu.wait_indirect_dma semaphore(%run_scoped3A : memref<!tpu.dma_semaphore, #tpu.memory_space<semaphore_mem>>) src(%arg8 : memref<128x128xf32, #tpu.memory_space<vmem>>) dst(%dma_wait3A_56 : memref<10240x128xf32, #tpu.memory_space<vmem_shared>>)
        tpu.yield
      }) : () -> ()
    }
    %scan3A_23 = arith.constant 80 : i32
    %barrier3A_24 = arith.constant 0 : index
    tpu.barrier barrier_id(%barrier3A_24)
    %mul3A_25 = arith.constant 632 : i32
    %mul3A_26 = arith.muli %arg1, %mul3A_25 : i32
    %multiple_of3A_27 = tpu.assume_multiple %mul3A_26, 8 : i32
    %lt3A = arith.constant 15 : i32
    %lt3A_28 = arith.cmpi slt, %arg1, %lt3A : i32
    %convert_element_type3A = arith.extui %lt3A_28 : i1 to i32
    %cond3A = arith.constant 0 : i32
    %cond3A_29 = arith.cmpi ne, %convert_element_type3A, %cond3A : i32
    scf.if %cond3A_29 {
      "tpu.region"() ({
        %run_scoped3A = tpu.sem_alloc : memref<!tpu.dma_semaphore, #tpu.memory_space<semaphore_mem>>
        %dma_start3A = arith.constant 0 : i32
        %dma_start3A_34 = arith.constant 0 : i32
        %dma_start3A_35 = tpu.memref_slice %arg5[%arg0, %dma_start3A, %dma_start3A_34] : memref<2x10000x128xf32, #tpu.memory_space<hbm>> -> memref<1x10000x128xf32, #tpu.memory_space<hbm>>
        %dma_start3A_36 = tpu.memref_squeeze %dma_start3A_35 : memref<1x10000x128xf32, #tpu.memory_space<hbm>> -> memref<10000x128xf32, #tpu.memory_space<hbm>>
        %dma_start3A_37 = arith.constant 0 : i32
        %dma_start3A_38 = tpu.memref_slice %dma_start3A_36[%multiple_of3A_27, %dma_start3A_37] : memref<10000x128xf32, #tpu.memory_space<hbm>> -> memref<632x128xf32, #tpu.memory_space<hbm>>
        %dma_start3A_39 = arith.constant 0 : i32
        %dma_start3A_40 = tpu.memref_slice %arg9[%multiple_of3A_27, %dma_start3A_39] : memref<10240x128xf32, #tpu.memory_space<vmem_shared>> -> memref<632x128xf32, #tpu.memory_space<vmem_shared>>
        tpu.enqueue_dma source(%dma_start3A_40 : memref<632x128xf32, #tpu.memory_space<vmem_shared>>) target(%dma_start3A_38 : memref<632x128xf32, #tpu.memory_space<hbm>>) target_semaphore(%run_scoped3A : memref<!tpu.dma_semaphore, #tpu.memory_space<semaphore_mem>>)
        %dma_wait3A = arith.constant 0 : i32
        %dma_wait3A_41 = arith.constant 0 : i32
        %dma_wait3A_42 = tpu.memref_slice %arg5[%arg0, %dma_wait3A, %dma_wait3A_41] : memref<2x10000x128xf32, #tpu.memory_space<hbm>> -> memref<1x10000x128xf32, #tpu.memory_space<hbm>>
        %dma_wait3A_43 = tpu.memref_squeeze %dma_wait3A_42 : memref<1x10000x128xf32, #tpu.memory_space<hbm>> -> memref<10000x128xf32, #tpu.memory_space<hbm>>
        %dma_wait3A_44 = arith.constant 0 : i32
        %dma_wait3A_45 = tpu.memref_slice %dma_wait3A_43[%multiple_of3A_27, %dma_wait3A_44] : memref<10000x128xf32, #tpu.memory_space<hbm>> -> memref<632x128xf32, #tpu.memory_space<hbm>>
        %dma_wait3A_46 = arith.constant 0 : i32
        %dma_wait3A_47 = tpu.memref_slice %arg9[%multiple_of3A_27, %dma_wait3A_46] : memref<10240x128xf32, #tpu.memory_space<vmem_shared>> -> memref<632x128xf32, #tpu.memory_space<vmem_shared>>
        tpu.wait_dma2 semaphore(%run_scoped3A : memref<!tpu.dma_semaphore, #tpu.memory_space<semaphore_mem>>) src(%dma_wait3A_47 : memref<632x128xf32, #tpu.memory_space<vmem_shared>>) dst(%dma_wait3A_45 : memref<632x128xf32, #tpu.memory_space<hbm>>)
        tpu.yield
      }) : () -> ()
    } else {
    }
    %eq3A = arith.constant 15 : i32
    %eq3A_30 = arith.cmpi eq, %arg1, %eq3A : i32
    %convert_element_type3A_31 = arith.extui %eq3A_30 : i1 to i32
    %cond3A_32 = arith.constant 0 : i32
    %cond3A_33 = arith.cmpi ne, %convert_element_type3A_31, %cond3A_32 : i32
    scf.if %cond3A_33 {
      "tpu.region"() ({
        %run_scoped3A = tpu.sem_alloc : memref<!tpu.dma_semaphore, #tpu.memory_space<semaphore_mem>>
        %dma_start3A = arith.constant 0 : i32
        %dma_start3A_34 = arith.constant 0 : i32
        %dma_start3A_35 = tpu.memref_slice %arg5[%arg0, %dma_start3A, %dma_start3A_34] : memref<2x10000x128xf32, #tpu.memory_space<hbm>> -> memref<1x10000x128xf32, #tpu.memory_space<hbm>>
        %dma_start3A_36 = tpu.memref_squeeze %dma_start3A_35 : memref<1x10000x128xf32, #tpu.memory_space<hbm>> -> memref<10000x128xf32, #tpu.memory_space<hbm>>
        %dma_start3A_37 = arith.constant 9480 : i32
        %dma_start3A_38 = arith.constant 0 : i32
        %dma_start3A_39 = tpu.memref_slice %dma_start3A_36[%dma_start3A_37, %dma_start3A_38] : memref<10000x128xf32, #tpu.memory_space<hbm>> -> memref<520x128xf32, #tpu.memory_space<hbm>>
        %dma_start3A_40 = arith.constant 9480 : i32
        %dma_start3A_41 = arith.constant 0 : i32
        %dma_start3A_42 = tpu.memref_slice %arg9[%dma_start3A_40, %dma_start3A_41] : memref<10240x128xf32, #tpu.memory_space<vmem_shared>> -> memref<520x128xf32, #tpu.memory_space<vmem_shared>>
        tpu.enqueue_dma source(%dma_start3A_42 : memref<520x128xf32, #tpu.memory_space<vmem_shared>>) target(%dma_start3A_39 : memref<520x128xf32, #tpu.memory_space<hbm>>) target_semaphore(%run_scoped3A : memref<!tpu.dma_semaphore, #tpu.memory_space<semaphore_mem>>)
        %dma_wait3A = arith.constant 0 : i32
        %dma_wait3A_43 = arith.constant 0 : i32
        %dma_wait3A_44 = tpu.memref_slice %arg5[%arg0, %dma_wait3A, %dma_wait3A_43] : memref<2x10000x128xf32, #tpu.memory_space<hbm>> -> memref<1x10000x128xf32, #tpu.memory_space<hbm>>
        %dma_wait3A_45 = tpu.memref_squeeze %dma_wait3A_44 : memref<1x10000x128xf32, #tpu.memory_space<hbm>> -> memref<10000x128xf32, #tpu.memory_space<hbm>>
        %dma_wait3A_46 = arith.constant 9480 : i32
        %dma_wait3A_47 = arith.constant 0 : i32
        %dma_wait3A_48 = tpu.memref_slice %dma_wait3A_45[%dma_wait3A_46, %dma_wait3A_47] : memref<10000x128xf32, #tpu.memory_space<hbm>> -> memref<520x128xf32, #tpu.memory_space<hbm>>
        %dma_wait3A_49 = arith.constant 9480 : i32
        %dma_wait3A_50 = arith.constant 0 : i32
        %dma_wait3A_51 = tpu.memref_slice %arg9[%dma_wait3A_49, %dma_wait3A_50] : memref<10240x128xf32, #tpu.memory_space<vmem_shared>> -> memref<520x128xf32, #tpu.memory_space<vmem_shared>>
        tpu.wait_dma2 semaphore(%run_scoped3A : memref<!tpu.dma_semaphore, #tpu.memory_space<semaphore_mem>>) src(%dma_wait3A_51 : memref<520x128xf32, #tpu.memory_space<vmem_shared>>) dst(%dma_wait3A_48 : memref<520x128xf32, #tpu.memory_space<hbm>>)
        tpu.yield
      }) : () -> ()
    } else {
    }
    return
  }
}

#map = affine_map<(d0, d1) -> (0, 0, 0)>
#map1 = affine_map<(d0, d1) -> (0)>
module attributes {stable_mosaic.version = 14 : i64} {
  func.func @_sc_degree_body(%arg0: i32, %arg1: i32, %arg2: memref<32x80x128xi32, #tpu.memory_space<hbm>>, %arg3: memref<10240xf32, #tpu.memory_space<hbm>>, %arg4: memref<20480xf32, #tpu.memory_space<hbm>>, %arg5: memref<80x128xi32, #tpu.memory_space<vmem>>, %arg6: memref<128xf32, #tpu.memory_space<vmem>>, %arg7: memref<10240xf32, #tpu.memory_space<vmem_shared>>, %arg8: memref<!tpu.dma_semaphore, #tpu.memory_space<semaphore_mem>>) attributes {dimension_semantics = [#tpu.dimension_semantics<core_parallel>, #tpu.dimension_semantics<subcore_parallel>], iteration_bounds = array<i64: 2, 16>, scalar_prefetch = 0 : i64, scratch_operands = 4 : i64, tpu.core_type = #tpu.core_type<sc_vector_subcore>, window_params = [{transform_indices = #map}, {transform_indices = #map1}, {transform_indices = #map1}]} {
    %mul3A = arith.constant 16 : i32
    %mul3A_0 = arith.muli %arg0, %mul3A : i32
    %add3A = arith.addi %mul3A_0, %arg1 : i32
    %mul3A_1 = arith.constant 640 : i32
    %mul3A_2 = arith.muli %arg1, %mul3A_1 : i32
    %multiple_of3A = tpu.assume_multiple %mul3A_2, 128 : i32
    "tpu.region"() ({
      %run_scoped3A = tpu.sem_alloc : memref<!tpu.dma_semaphore, #tpu.memory_space<semaphore_mem>>
      %dma_start3A = arith.constant 0 : i32
      %dma_start3A_61 = arith.constant 0 : i32
      %dma_start3A_62 = tpu.memref_slice %arg2[%add3A, %dma_start3A, %dma_start3A_61] : memref<32x80x128xi32, #tpu.memory_space<hbm>> -> memref<1x80x128xi32, #tpu.memory_space<hbm>>
      %dma_start3A_63 = tpu.memref_squeeze %dma_start3A_62 : memref<1x80x128xi32, #tpu.memory_space<hbm>> -> memref<80x128xi32, #tpu.memory_space<hbm>>
      %dma_start3A_64 = arith.constant 0 : i32
      %dma_start3A_65 = arith.constant 0 : i32
      %dma_start3A_66 = tpu.memref_slice %arg2[%add3A, %dma_start3A_64, %dma_start3A_65] : memref<32x80x128xi32, #tpu.memory_space<hbm>> -> memref<1x80x128xi32, #tpu.memory_space<hbm>>
      %dma_start3A_67 = tpu.memref_squeeze %dma_start3A_66 : memref<1x80x128xi32, #tpu.memory_space<hbm>> -> memref<80x128xi32, #tpu.memory_space<hbm>>
      tpu.enqueue_dma source(%dma_start3A_67 : memref<80x128xi32, #tpu.memory_space<hbm>>) target(%arg5 : memref<80x128xi32, #tpu.memory_space<vmem>>) target_semaphore(%run_scoped3A : memref<!tpu.dma_semaphore, #tpu.memory_space<semaphore_mem>>)
      %dma_wait3A = arith.constant 0 : i32
      %dma_wait3A_68 = arith.constant 0 : i32
      %dma_wait3A_69 = tpu.memref_slice %arg2[%add3A, %dma_wait3A, %dma_wait3A_68] : memref<32x80x128xi32, #tpu.memory_space<hbm>> -> memref<1x80x128xi32, #tpu.memory_space<hbm>>
      %dma_wait3A_70 = tpu.memref_squeeze %dma_wait3A_69 : memref<1x80x128xi32, #tpu.memory_space<hbm>> -> memref<80x128xi32, #tpu.memory_space<hbm>>
      %dma_wait3A_71 = arith.constant 0 : i32
      %dma_wait3A_72 = arith.constant 0 : i32
      %dma_wait3A_73 = tpu.memref_slice %arg2[%add3A, %dma_wait3A_71, %dma_wait3A_72] : memref<32x80x128xi32, #tpu.memory_space<hbm>> -> memref<1x80x128xi32, #tpu.memory_space<hbm>>
      %dma_wait3A_74 = tpu.memref_squeeze %dma_wait3A_73 : memref<1x80x128xi32, #tpu.memory_space<hbm>> -> memref<80x128xi32, #tpu.memory_space<hbm>>
      tpu.wait_dma2 semaphore(%run_scoped3A : memref<!tpu.dma_semaphore, #tpu.memory_space<semaphore_mem>>) src(%dma_wait3A_74 : memref<80x128xi32, #tpu.memory_space<hbm>>) dst(%arg5 : memref<80x128xi32, #tpu.memory_space<vmem>>)
      tpu.yield
    }) : () -> ()
    %broadcast_in_dim3A = arith.constant 1.000000e+00 : f32
    %broadcast_in_dim3A_3 = vector.broadcast %broadcast_in_dim3A : f32 to vector<16xf32>
    %swap3A = arith.constant 0 : index
    %swap3A_4 = tpu.vector_load %arg6[%swap3A] {strides = array<i32>} : memref<128xf32, #tpu.memory_space<vmem>>, vector<16xf32>,
    %swap3A_5 = vector.shape_cast %swap3A_4 : vector<16xf32> to vector<16xf32>
    %swap3A_6 = vector.shape_cast %broadcast_in_dim3A_3 : vector<16xf32> to vector<16xf32>
    tpu.vector_store %arg6[%swap3A], %swap3A_6 {strides = array<i32>} : memref<128xf32, #tpu.memory_space<vmem>>, vector<16xf32>,
    %broadcast_in_dim3A_7 = arith.constant 1.000000e+00 : f32
    %broadcast_in_dim3A_8 = vector.broadcast %broadcast_in_dim3A_7 : f32 to vector<16xf32>
    %swap3A_9 = arith.constant 16 : index
    %swap3A_10 = tpu.vector_load %arg6[%swap3A_9] {strides = array<i32>} : memref<128xf32, #tpu.memory_space<vmem>>, vector<16xf32>,
    %swap3A_11 = vector.shape_cast %swap3A_10 : vector<16xf32> to vector<16xf32>
    %swap3A_12 = vector.shape_cast %broadcast_in_dim3A_8 : vector<16xf32> to vector<16xf32>
    tpu.vector_store %arg6[%swap3A_9], %swap3A_12 {strides = array<i32>} : memref<128xf32, #tpu.memory_space<vmem>>, vector<16xf32>,
    %broadcast_in_dim3A_13 = arith.constant 1.000000e+00 : f32
    %broadcast_in_dim3A_14 = vector.broadcast %broadcast_in_dim3A_13 : f32 to vector<16xf32>
    %swap3A_15 = arith.constant 32 : index
    %swap3A_16 = tpu.vector_load %arg6[%swap3A_15] {strides = array<i32>} : memref<128xf32, #tpu.memory_space<vmem>>, vector<16xf32>,
    %swap3A_17 = vector.shape_cast %swap3A_16 : vector<16xf32> to vector<16xf32>
    %swap3A_18 = vector.shape_cast %broadcast_in_dim3A_14 : vector<16xf32> to vector<16xf32>
    tpu.vector_store %arg6[%swap3A_15], %swap3A_18 {strides = array<i32>} : memref<128xf32, #tpu.memory_space<vmem>>, vector<16xf32>,
    %broadcast_in_dim3A_19 = arith.constant 1.000000e+00 : f32
    %broadcast_in_dim3A_20 = vector.broadcast %broadcast_in_dim3A_19 : f32 to vector<16xf32>
    %swap3A_21 = arith.constant 48 : index
    %swap3A_22 = tpu.vector_load %arg6[%swap3A_21] {strides = array<i32>} : memref<128xf32, #tpu.memory_space<vmem>>, vector<16xf32>,
    %swap3A_23 = vector.shape_cast %swap3A_22 : vector<16xf32> to vector<16xf32>
    %swap3A_24 = vector.shape_cast %broadcast_in_dim3A_20 : vector<16xf32> to vector<16xf32>
    tpu.vector_store %arg6[%swap3A_21], %swap3A_24 {strides = array<i32>} : memref<128xf32, #tpu.memory_space<vmem>>, vector<16xf32>,
    %broadcast_in_dim3A_25 = arith.constant 1.000000e+00 : f32
    %broadcast_in_dim3A_26 = vector.broadcast %broadcast_in_dim3A_25 : f32 to vector<16xf32>
    %swap3A_27 = arith.constant 64 : index
    %swap3A_28 = tpu.vector_load %arg6[%swap3A_27] {strides = array<i32>} : memref<128xf32, #tpu.memory_space<vmem>>, vector<16xf32>,
    %swap3A_29 = vector.shape_cast %swap3A_28 : vector<16xf32> to vector<16xf32>
    %swap3A_30 = vector.shape_cast %broadcast_in_dim3A_26 : vector<16xf32> to vector<16xf32>
    tpu.vector_store %arg6[%swap3A_27], %swap3A_30 {strides = array<i32>} : memref<128xf32, #tpu.memory_space<vmem>>, vector<16xf32>,
    %broadcast_in_dim3A_31 = arith.constant 1.000000e+00 : f32
    %broadcast_in_dim3A_32 = vector.broadcast %broadcast_in_dim3A_31 : f32 to vector<16xf32>
    %swap3A_33 = arith.constant 80 : index
    %swap3A_34 = tpu.vector_load %arg6[%swap3A_33] {strides = array<i32>} : memref<128xf32, #tpu.memory_space<vmem>>, vector<16xf32>,
    %swap3A_35 = vector.shape_cast %swap3A_34 : vector<16xf32> to vector<16xf32>
    %swap3A_36 = vector.shape_cast %broadcast_in_dim3A_32 : vector<16xf32> to vector<16xf32>
    tpu.vector_store %arg6[%swap3A_33], %swap3A_36 {strides = array<i32>} : memref<128xf32, #tpu.memory_space<vmem>>, vector<16xf32>,
    %broadcast_in_dim3A_37 = arith.constant 1.000000e+00 : f32
    %broadcast_in_dim3A_38 = vector.broadcast %broadcast_in_dim3A_37 : f32 to vector<16xf32>
    %swap3A_39 = arith.constant 96 : index
    %swap3A_40 = tpu.vector_load %arg6[%swap3A_39] {strides = array<i32>} : memref<128xf32, #tpu.memory_space<vmem>>, vector<16xf32>,
    %swap3A_41 = vector.shape_cast %swap3A_40 : vector<16xf32> to vector<16xf32>
    %swap3A_42 = vector.shape_cast %broadcast_in_dim3A_38 : vector<16xf32> to vector<16xf32>
    tpu.vector_store %arg6[%swap3A_39], %swap3A_42 {strides = array<i32>} : memref<128xf32, #tpu.memory_space<vmem>>, vector<16xf32>,
    %broadcast_in_dim3A_43 = arith.constant 1.000000e+00 : f32
    %broadcast_in_dim3A_44 = vector.broadcast %broadcast_in_dim3A_43 : f32 to vector<16xf32>
    %swap3A_45 = arith.constant 112 : index
    %swap3A_46 = tpu.vector_load %arg6[%swap3A_45] {strides = array<i32>} : memref<128xf32, #tpu.memory_space<vmem>>, vector<16xf32>,
    %swap3A_47 = vector.shape_cast %swap3A_46 : vector<16xf32> to vector<16xf32>
    %swap3A_48 = vector.shape_cast %broadcast_in_dim3A_44 : vector<16xf32> to vector<16xf32>
    tpu.vector_store %arg6[%swap3A_45], %swap3A_48 {strides = array<i32>} : memref<128xf32, #tpu.memory_space<vmem>>, vector<16xf32>,
    "tpu.region"() ({
      %run_scoped3A = tpu.sem_alloc : memref<!tpu.dma_semaphore, #tpu.memory_space<semaphore_mem>>
      %dma_start3A = tpu.memref_slice %arg7[%multiple_of3A] : memref<10240xf32, #tpu.memory_space<vmem_shared>> -> memref<640xf32, #tpu.memory_space<vmem_shared>>
      %dma_start3A_61 = tpu.memref_slice %arg3[%multiple_of3A] : memref<10240xf32, #tpu.memory_space<hbm>> -> memref<640xf32, #tpu.memory_space<hbm>>
      tpu.enqueue_dma source(%dma_start3A_61 : memref<640xf32, #tpu.memory_space<hbm>>) target(%dma_start3A : memref<640xf32, #tpu.memory_space<vmem_shared>>) target_semaphore(%run_scoped3A : memref<!tpu.dma_semaphore, #tpu.memory_space<semaphore_mem>>)
      %dma_wait3A = tpu.memref_slice %arg7[%multiple_of3A] : memref<10240xf32, #tpu.memory_space<vmem_shared>> -> memref<640xf32, #tpu.memory_space<vmem_shared>>
      %dma_wait3A_62 = tpu.memref_slice %arg3[%multiple_of3A] : memref<10240xf32, #tpu.memory_space<hbm>> -> memref<640xf32, #tpu.memory_space<hbm>>
      tpu.wait_dma2 semaphore(%run_scoped3A : memref<!tpu.dma_semaphore, #tpu.memory_space<semaphore_mem>>) src(%dma_wait3A_62 : memref<640xf32, #tpu.memory_space<hbm>>) dst(%dma_wait3A : memref<640xf32, #tpu.memory_space<vmem_shared>>)
      tpu.yield
    }) : () -> ()
    %barrier3A = arith.constant 0 : index
    tpu.barrier barrier_id(%barrier3A)
    %scan3A = arith.constant 0 : i32
    %scan3A_49 = arith.constant 0 : i32
    %scan3A_50 = arith.constant 80 : i32
    %scan3A_51 = arith.addi %scan3A_49, %scan3A_50 : i32
    %scan3A_52 = arith.constant 1 : i32
    scf.for %scan3A_61 = %scan3A_49 to %scan3A_51 step %scan3A_52  : i32 {
      "tpu.region"() ({
        %run_scoped3A = tpu.sem_alloc : memref<!tpu.dma_semaphore, #tpu.memory_space<semaphore_mem>>
        %dma_start3A = arith.constant 0 : i32
        %dma_start3A_62 = tpu.memref_slice %arg5[%scan3A_61, %dma_start3A] : memref<80x128xi32, #tpu.memory_space<vmem>> -> memref<1x128xi32, #tpu.memory_space<vmem>>
        %dma_start3A_63 = tpu.memref_squeeze %dma_start3A_62 : memref<1x128xi32, #tpu.memory_space<vmem>> -> memref<128xi32, #tpu.memory_space<vmem>>
        %dma_start3A_64 = arith.constant 0 : i32
        %dma_start3A_65 = tpu.memref_slice %arg7[%dma_start3A_64] : memref<10240xf32, #tpu.memory_space<vmem_shared>> -> memref<10240xf32, #tpu.memory_space<vmem_shared>>
        tpu.enqueue_indirect_dma source(%arg6 : memref<128xf32, #tpu.memory_space<vmem>>) target(%dma_start3A_65 : memref<10240xf32, #tpu.memory_space<vmem_shared>>) offsets(%dma_start3A_63 : memref<128xi32, #tpu.memory_space<vmem>>) semaphore(%run_scoped3A : memref<!tpu.dma_semaphore, #tpu.memory_space<semaphore_mem>>) {add = true}
        %dma_wait3A = arith.constant 0 : i32
        %dma_wait3A_66 = tpu.memref_slice %arg5[%scan3A_61, %dma_wait3A] : memref<80x128xi32, #tpu.memory_space<vmem>> -> memref<1x128xi32, #tpu.memory_space<vmem>>
        %dma_wait3A_67 = tpu.memref_squeeze %dma_wait3A_66 : memref<1x128xi32, #tpu.memory_space<vmem>> -> memref<128xi32, #tpu.memory_space<vmem>>
        %dma_wait3A_68 = arith.constant 0 : i32
        %dma_wait3A_69 = tpu.memref_slice %arg7[%dma_wait3A_68] : memref<10240xf32, #tpu.memory_space<vmem_shared>> -> memref<10240xf32, #tpu.memory_space<vmem_shared>>
        tpu.wait_indirect_dma semaphore(%run_scoped3A : memref<!tpu.dma_semaphore, #tpu.memory_space<semaphore_mem>>) src(%arg6 : memref<128xf32, #tpu.memory_space<vmem>>) dst(%dma_wait3A_69 : memref<10240xf32, #tpu.memory_space<vmem_shared>>)
        tpu.yield
      }) : () -> ()
    }
    %scan3A_53 = arith.constant 80 : i32
    %barrier3A_54 = arith.constant 0 : index
    tpu.barrier barrier_id(%barrier3A_54)
    %mul3A_55 = arith.constant 10240 : i32
    %mul3A_56 = arith.muli %arg0, %mul3A_55 : i32
    %mul3A_57 = arith.constant 640 : i32
    %mul3A_58 = arith.muli %arg1, %mul3A_57 : i32
    %add3A_59 = arith.addi %mul3A_56, %mul3A_58 : i32
    %multiple_of3A_60 = tpu.assume_multiple %add3A_59, 128 : i32
    "tpu.region"() ({
      %run_scoped3A = tpu.sem_alloc : memref<!tpu.dma_semaphore, #tpu.memory_space<semaphore_mem>>
      %dma_start3A = tpu.memref_slice %arg4[%multiple_of3A_60] : memref<20480xf32, #tpu.memory_space<hbm>> -> memref<640xf32, #tpu.memory_space<hbm>>
      %dma_start3A_61 = tpu.memref_slice %arg7[%multiple_of3A] : memref<10240xf32, #tpu.memory_space<vmem_shared>> -> memref<640xf32, #tpu.memory_space<vmem_shared>>
      tpu.enqueue_dma source(%dma_start3A_61 : memref<640xf32, #tpu.memory_space<vmem_shared>>) target(%dma_start3A : memref<640xf32, #tpu.memory_space<hbm>>) target_semaphore(%run_scoped3A : memref<!tpu.dma_semaphore, #tpu.memory_space<semaphore_mem>>)
      %dma_wait3A = tpu.memref_slice %arg4[%multiple_of3A_60] : memref<20480xf32, #tpu.memory_space<hbm>> -> memref<640xf32, #tpu.memory_space<hbm>>
      %dma_wait3A_62 = tpu.memref_slice %arg7[%multiple_of3A] : memref<10240xf32, #tpu.memory_space<vmem_shared>> -> memref<640xf32, #tpu.memory_space<vmem_shared>>
      tpu.wait_dma2 semaphore(%run_scoped3A : memref<!tpu.dma_semaphore, #tpu.memory_space<semaphore_mem>>) src(%dma_wait3A_62 : memref<640xf32, #tpu.memory_space<vmem_shared>>) dst(%dma_wait3A : memref<640xf32, #tpu.memory_space<hbm>>)
      tpu.yield
    }) : () -> ()
    return
  }
}

#map = affine_map<(d0, d1) -> (0, 0)>
#map1 = affine_map<(d0, d1) -> (0, 0, 0)>
module attributes {stable_mosaic.version = 14 : i64} {
  func.func @_sc_spmm_body(%arg0: i32, %arg1: i32, %arg2: memref<10000x128xf32, #tpu.memory_space<hbm>>, %arg3: memref<32x80x128xi32, #tpu.memory_space<hbm>>, %arg4: memref<32x80x128xi32, #tpu.memory_space<hbm>>, %arg5: memref<2x10000x128xf32, #tpu.memory_space<hbm>>, %arg6: memref<80x128xi32, #tpu.memory_space<vmem>>, %arg7: memref<80x128xi32, #tpu.memory_space<vmem>>, %arg8: memref<128x128xf32, #tpu.memory_space<vmem>>, %arg9: memref<10240x128xf32, #tpu.memory_space<vmem_shared>>, %arg10: memref<!tpu.dma_semaphore, #tpu.memory_space<semaphore_mem>>) attributes {dimension_semantics = [#tpu.dimension_semantics<core_parallel>, #tpu.dimension_semantics<subcore_parallel>], iteration_bounds = array<i64: 2, 16>, scalar_prefetch = 0 : i64, scratch_operands = 5 : i64, tpu.core_type = #tpu.core_type<sc_vector_subcore>, window_params = [{transform_indices = #map}, {transform_indices = #map1}, {transform_indices = #map1}, {transform_indices = #map1}]} {
    %mul3A = arith.constant 16 : i32
    %mul3A_0 = arith.muli %arg0, %mul3A : i32
    %add3A = arith.addi %mul3A_0, %arg1 : i32
    %mul3A_1 = arith.constant 640 : i32
    %mul3A_2 = arith.muli %arg1, %mul3A_1 : i32
    %multiple_of3A = tpu.assume_multiple %mul3A_2, 128 : i32
    "tpu.region"() ({
      %run_scoped3A = tpu.sem_alloc : memref<!tpu.dma_semaphore, #tpu.memory_space<semaphore_mem>>
      %dma_start3A = arith.constant 0 : i32
      %dma_start3A_34 = arith.constant 0 : i32
      %dma_start3A_35 = tpu.memref_slice %arg3[%add3A, %dma_start3A, %dma_start3A_34] : memref<32x80x128xi32, #tpu.memory_space<hbm>> -> memref<1x80x128xi32, #tpu.memory_space<hbm>>
      %dma_start3A_36 = tpu.memref_squeeze %dma_start3A_35 : memref<1x80x128xi32, #tpu.memory_space<hbm>> -> memref<80x128xi32, #tpu.memory_space<hbm>>
      %dma_start3A_37 = arith.constant 0 : i32
      %dma_start3A_38 = arith.constant 0 : i32
      %dma_start3A_39 = tpu.memref_slice %arg3[%add3A, %dma_start3A_37, %dma_start3A_38] : memref<32x80x128xi32, #tpu.memory_space<hbm>> -> memref<1x80x128xi32, #tpu.memory_space<hbm>>
      %dma_start3A_40 = tpu.memref_squeeze %dma_start3A_39 : memref<1x80x128xi32, #tpu.memory_space<hbm>> -> memref<80x128xi32, #tpu.memory_space<hbm>>
      tpu.enqueue_dma source(%dma_start3A_40 : memref<80x128xi32, #tpu.memory_space<hbm>>) target(%arg6 : memref<80x128xi32, #tpu.memory_space<vmem>>) target_semaphore(%run_scoped3A : memref<!tpu.dma_semaphore, #tpu.memory_space<semaphore_mem>>)
      %dma_wait3A = arith.constant 0 : i32
      %dma_wait3A_41 = arith.constant 0 : i32
      %dma_wait3A_42 = tpu.memref_slice %arg3[%add3A, %dma_wait3A, %dma_wait3A_41] : memref<32x80x128xi32, #tpu.memory_space<hbm>> -> memref<1x80x128xi32, #tpu.memory_space<hbm>>
      %dma_wait3A_43 = tpu.memref_squeeze %dma_wait3A_42 : memref<1x80x128xi32, #tpu.memory_space<hbm>> -> memref<80x128xi32, #tpu.memory_space<hbm>>
      %dma_wait3A_44 = arith.constant 0 : i32
      %dma_wait3A_45 = arith.constant 0 : i32
      %dma_wait3A_46 = tpu.memref_slice %arg3[%add3A, %dma_wait3A_44, %dma_wait3A_45] : memref<32x80x128xi32, #tpu.memory_space<hbm>> -> memref<1x80x128xi32, #tpu.memory_space<hbm>>
      %dma_wait3A_47 = tpu.memref_squeeze %dma_wait3A_46 : memref<1x80x128xi32, #tpu.memory_space<hbm>> -> memref<80x128xi32, #tpu.memory_space<hbm>>
      tpu.wait_dma2 semaphore(%run_scoped3A : memref<!tpu.dma_semaphore, #tpu.memory_space<semaphore_mem>>) src(%dma_wait3A_47 : memref<80x128xi32, #tpu.memory_space<hbm>>) dst(%arg6 : memref<80x128xi32, #tpu.memory_space<vmem>>)
      tpu.yield
    }) : () -> ()
    "tpu.region"() ({
      %run_scoped3A = tpu.sem_alloc : memref<!tpu.dma_semaphore, #tpu.memory_space<semaphore_mem>>
      %dma_start3A = arith.constant 0 : i32
      %dma_start3A_34 = arith.constant 0 : i32
      %dma_start3A_35 = tpu.memref_slice %arg4[%add3A, %dma_start3A, %dma_start3A_34] : memref<32x80x128xi32, #tpu.memory_space<hbm>> -> memref<1x80x128xi32, #tpu.memory_space<hbm>>
      %dma_start3A_36 = tpu.memref_squeeze %dma_start3A_35 : memref<1x80x128xi32, #tpu.memory_space<hbm>> -> memref<80x128xi32, #tpu.memory_space<hbm>>
      %dma_start3A_37 = arith.constant 0 : i32
      %dma_start3A_38 = arith.constant 0 : i32
      %dma_start3A_39 = tpu.memref_slice %arg4[%add3A, %dma_start3A_37, %dma_start3A_38] : memref<32x80x128xi32, #tpu.memory_space<hbm>> -> memref<1x80x128xi32, #tpu.memory_space<hbm>>
      %dma_start3A_40 = tpu.memref_squeeze %dma_start3A_39 : memref<1x80x128xi32, #tpu.memory_space<hbm>> -> memref<80x128xi32, #tpu.memory_space<hbm>>
      tpu.enqueue_dma source(%dma_start3A_40 : memref<80x128xi32, #tpu.memory_space<hbm>>) target(%arg7 : memref<80x128xi32, #tpu.memory_space<vmem>>) target_semaphore(%run_scoped3A : memref<!tpu.dma_semaphore, #tpu.memory_space<semaphore_mem>>)
      %dma_wait3A = arith.constant 0 : i32
      %dma_wait3A_41 = arith.constant 0 : i32
      %dma_wait3A_42 = tpu.memref_slice %arg4[%add3A, %dma_wait3A, %dma_wait3A_41] : memref<32x80x128xi32, #tpu.memory_space<hbm>> -> memref<1x80x128xi32, #tpu.memory_space<hbm>>
      %dma_wait3A_43 = tpu.memref_squeeze %dma_wait3A_42 : memref<1x80x128xi32, #tpu.memory_space<hbm>> -> memref<80x128xi32, #tpu.memory_space<hbm>>
      %dma_wait3A_44 = arith.constant 0 : i32
      %dma_wait3A_45 = arith.constant 0 : i32
      %dma_wait3A_46 = tpu.memref_slice %arg4[%add3A, %dma_wait3A_44, %dma_wait3A_45] : memref<32x80x128xi32, #tpu.memory_space<hbm>> -> memref<1x80x128xi32, #tpu.memory_space<hbm>>
      %dma_wait3A_47 = tpu.memref_squeeze %dma_wait3A_46 : memref<1x80x128xi32, #tpu.memory_space<hbm>> -> memref<80x128xi32, #tpu.memory_space<hbm>>
      tpu.wait_dma2 semaphore(%run_scoped3A : memref<!tpu.dma_semaphore, #tpu.memory_space<semaphore_mem>>) src(%dma_wait3A_47 : memref<80x128xi32, #tpu.memory_space<hbm>>) dst(%arg7 : memref<80x128xi32, #tpu.memory_space<vmem>>)
      tpu.yield
    }) : () -> ()
    %scan3A = arith.constant 0 : i32
    %scan3A_3 = arith.constant 0 : i32
    %scan3A_4 = arith.constant 128 : i32
    %scan3A_5 = arith.addi %scan3A_3, %scan3A_4 : i32
    %scan3A_6 = arith.constant 1 : i32
    scf.for %scan3A_34 = %scan3A_3 to %scan3A_5 step %scan3A_6  : i32 {
      %broadcast_in_dim3A = arith.constant 0.000000e+00 : f32
      %broadcast_in_dim3A_35 = vector.broadcast %broadcast_in_dim3A : f32 to vector<16xf32>
      %swap3A = arith.index_cast %scan3A_34 : i32 to index
      %swap3A_36 = arith.constant 0 : index
      %swap3A_37 = tpu.vector_load %arg8[%swap3A, %swap3A_36] {strides = array<i32>} : memref<128x128xf32, #tpu.memory_space<vmem>>, vector<1x16xf32>,
      %swap3A_38 = vector.shape_cast %swap3A_37 : vector<1x16xf32> to vector<16xf32>
      %swap3A_39 = vector.shape_cast %broadcast_in_dim3A_35 : vector<16xf32> to vector<1x16xf32>
      tpu.vector_store %arg8[%swap3A, %swap3A_36], %swap3A_39 {strides = array<i32>} : memref<128x128xf32, #tpu.memory_space<vmem>>, vector<1x16xf32>,
      %broadcast_in_dim3A_40 = arith.constant 0.000000e+00 : f32
      %broadcast_in_dim3A_41 = vector.broadcast %broadcast_in_dim3A_40 : f32 to vector<16xf32>
      %swap3A_42 = arith.index_cast %scan3A_34 : i32 to index
      %swap3A_43 = arith.constant 16 : index
      %swap3A_44 = tpu.vector_load %arg8[%swap3A_42, %swap3A_43] {strides = array<i32>} : memref<128x128xf32, #tpu.memory_space<vmem>>, vector<1x16xf32>,
      %swap3A_45 = vector.shape_cast %swap3A_44 : vector<1x16xf32> to vector<16xf32>
      %swap3A_46 = vector.shape_cast %broadcast_in_dim3A_41 : vector<16xf32> to vector<1x16xf32>
      tpu.vector_store %arg8[%swap3A_42, %swap3A_43], %swap3A_46 {strides = array<i32>} : memref<128x128xf32, #tpu.memory_space<vmem>>, vector<1x16xf32>,
      %broadcast_in_dim3A_47 = arith.constant 0.000000e+00 : f32
      %broadcast_in_dim3A_48 = vector.broadcast %broadcast_in_dim3A_47 : f32 to vector<16xf32>
      %swap3A_49 = arith.index_cast %scan3A_34 : i32 to index
      %swap3A_50 = arith.constant 32 : index
      %swap3A_51 = tpu.vector_load %arg8[%swap3A_49, %swap3A_50] {strides = array<i32>} : memref<128x128xf32, #tpu.memory_space<vmem>>, vector<1x16xf32>,
      %swap3A_52 = vector.shape_cast %swap3A_51 : vector<1x16xf32> to vector<16xf32>
      %swap3A_53 = vector.shape_cast %broadcast_in_dim3A_48 : vector<16xf32> to vector<1x16xf32>
      tpu.vector_store %arg8[%swap3A_49, %swap3A_50], %swap3A_53 {strides = array<i32>} : memref<128x128xf32, #tpu.memory_space<vmem>>, vector<1x16xf32>,
      %broadcast_in_dim3A_54 = arith.constant 0.000000e+00 : f32
      %broadcast_in_dim3A_55 = vector.broadcast %broadcast_in_dim3A_54 : f32 to vector<16xf32>
      %swap3A_56 = arith.index_cast %scan3A_34 : i32 to index
      %swap3A_57 = arith.constant 48 : index
      %swap3A_58 = tpu.vector_load %arg8[%swap3A_56, %swap3A_57] {strides = array<i32>} : memref<128x128xf32, #tpu.memory_space<vmem>>, vector<1x16xf32>,
      %swap3A_59 = vector.shape_cast %swap3A_58 : vector<1x16xf32> to vector<16xf32>
      %swap3A_60 = vector.shape_cast %broadcast_in_dim3A_55 : vector<16xf32> to vector<1x16xf32>
      tpu.vector_store %arg8[%swap3A_56, %swap3A_57], %swap3A_60 {strides = array<i32>} : memref<128x128xf32, #tpu.memory_space<vmem>>, vector<1x16xf32>,
      %broadcast_in_dim3A_61 = arith.constant 0.000000e+00 : f32
      %broadcast_in_dim3A_62 = vector.broadcast %broadcast_in_dim3A_61 : f32 to vector<16xf32>
      %swap3A_63 = arith.index_cast %scan3A_34 : i32 to index
      %swap3A_64 = arith.constant 64 : index
      %swap3A_65 = tpu.vector_load %arg8[%swap3A_63, %swap3A_64] {strides = array<i32>} : memref<128x128xf32, #tpu.memory_space<vmem>>, vector<1x16xf32>,
      %swap3A_66 = vector.shape_cast %swap3A_65 : vector<1x16xf32> to vector<16xf32>
      %swap3A_67 = vector.shape_cast %broadcast_in_dim3A_62 : vector<16xf32> to vector<1x16xf32>
      tpu.vector_store %arg8[%swap3A_63, %swap3A_64], %swap3A_67 {strides = array<i32>} : memref<128x128xf32, #tpu.memory_space<vmem>>, vector<1x16xf32>,
      %broadcast_in_dim3A_68 = arith.constant 0.000000e+00 : f32
      %broadcast_in_dim3A_69 = vector.broadcast %broadcast_in_dim3A_68 : f32 to vector<16xf32>
      %swap3A_70 = arith.index_cast %scan3A_34 : i32 to index
      %swap3A_71 = arith.constant 80 : index
      %swap3A_72 = tpu.vector_load %arg8[%swap3A_70, %swap3A_71] {strides = array<i32>} : memref<128x128xf32, #tpu.memory_space<vmem>>, vector<1x16xf32>,
      %swap3A_73 = vector.shape_cast %swap3A_72 : vector<1x16xf32> to vector<16xf32>
      %swap3A_74 = vector.shape_cast %broadcast_in_dim3A_69 : vector<16xf32> to vector<1x16xf32>
      tpu.vector_store %arg8[%swap3A_70, %swap3A_71], %swap3A_74 {strides = array<i32>} : memref<128x128xf32, #tpu.memory_space<vmem>>, vector<1x16xf32>,
      %broadcast_in_dim3A_75 = arith.constant 0.000000e+00 : f32
      %broadcast_in_dim3A_76 = vector.broadcast %broadcast_in_dim3A_75 : f32 to vector<16xf32>
      %swap3A_77 = arith.index_cast %scan3A_34 : i32 to index
      %swap3A_78 = arith.constant 96 : index
      %swap3A_79 = tpu.vector_load %arg8[%swap3A_77, %swap3A_78] {strides = array<i32>} : memref<128x128xf32, #tpu.memory_space<vmem>>, vector<1x16xf32>,
      %swap3A_80 = vector.shape_cast %swap3A_79 : vector<1x16xf32> to vector<16xf32>
      %swap3A_81 = vector.shape_cast %broadcast_in_dim3A_76 : vector<16xf32> to vector<1x16xf32>
      tpu.vector_store %arg8[%swap3A_77, %swap3A_78], %swap3A_81 {strides = array<i32>} : memref<128x128xf32, #tpu.memory_space<vmem>>, vector<1x16xf32>,
      %broadcast_in_dim3A_82 = arith.constant 0.000000e+00 : f32
      %broadcast_in_dim3A_83 = vector.broadcast %broadcast_in_dim3A_82 : f32 to vector<16xf32>
      %swap3A_84 = arith.index_cast %scan3A_34 : i32 to index
      %swap3A_85 = arith.constant 112 : index
      %swap3A_86 = tpu.vector_load %arg8[%swap3A_84, %swap3A_85] {strides = array<i32>} : memref<128x128xf32, #tpu.memory_space<vmem>>, vector<1x16xf32>,
      %swap3A_87 = vector.shape_cast %swap3A_86 : vector<1x16xf32> to vector<16xf32>
      %swap3A_88 = vector.shape_cast %broadcast_in_dim3A_83 : vector<16xf32> to vector<1x16xf32>
      tpu.vector_store %arg8[%swap3A_84, %swap3A_85], %swap3A_88 {strides = array<i32>} : memref<128x128xf32, #tpu.memory_space<vmem>>, vector<1x16xf32>,
    }
    %scan3A_7 = arith.constant 128 : i32
    %add3A_8 = arith.constant 0 : i32
    %add3A_9 = arith.addi %multiple_of3A, %add3A_8 : i32
    "tpu.region"() ({
      %run_scoped3A = tpu.sem_alloc : memref<!tpu.dma_semaphore, #tpu.memory_space<semaphore_mem>>
      %dma_start3A = arith.constant 0 : i32
      %dma_start3A_34 = tpu.memref_slice %arg9[%add3A_9, %dma_start3A] : memref<10240x128xf32, #tpu.memory_space<vmem_shared>> -> memref<128x128xf32, #tpu.memory_space<vmem_shared>>
      %dma_start3A_35 = arith.constant 0 : i32
      %dma_start3A_36 = tpu.memref_slice %arg9[%add3A_9, %dma_start3A_35] : memref<10240x128xf32, #tpu.memory_space<vmem_shared>> -> memref<128x128xf32, #tpu.memory_space<vmem_shared>>
      tpu.enqueue_dma source(%arg8 : memref<128x128xf32, #tpu.memory_space<vmem>>) target(%dma_start3A_36 : memref<128x128xf32, #tpu.memory_space<vmem_shared>>) target_semaphore(%run_scoped3A : memref<!tpu.dma_semaphore, #tpu.memory_space<semaphore_mem>>)
      %dma_wait3A = arith.constant 0 : i32
      %dma_wait3A_37 = tpu.memref_slice %arg9[%add3A_9, %dma_wait3A] : memref<10240x128xf32, #tpu.memory_space<vmem_shared>> -> memref<128x128xf32, #tpu.memory_space<vmem_shared>>
      %dma_wait3A_38 = arith.constant 0 : i32
      %dma_wait3A_39 = tpu.memref_slice %arg9[%add3A_9, %dma_wait3A_38] : memref<10240x128xf32, #tpu.memory_space<vmem_shared>> -> memref<128x128xf32, #tpu.memory_space<vmem_shared>>
      tpu.wait_dma2 semaphore(%run_scoped3A : memref<!tpu.dma_semaphore, #tpu.memory_space<semaphore_mem>>) src(%arg8 : memref<128x128xf32, #tpu.memory_space<vmem>>) dst(%dma_wait3A_39 : memref<128x128xf32, #tpu.memory_space<vmem_shared>>)
      tpu.yield
    }) : () -> ()
    %add3A_10 = arith.constant 128 : i32
    %add3A_11 = arith.addi %multiple_of3A, %add3A_10 : i32
    "tpu.region"() ({
      %run_scoped3A = tpu.sem_alloc : memref<!tpu.dma_semaphore, #tpu.memory_space<semaphore_mem>>
      %dma_start3A = arith.constant 0 : i32
      %dma_start3A_34 = tpu.memref_slice %arg9[%add3A_11, %dma_start3A] : memref<10240x128xf32, #tpu.memory_space<vmem_shared>> -> memref<128x128xf32, #tpu.memory_space<vmem_shared>>
      %dma_start3A_35 = arith.constant 0 : i32
      %dma_start3A_36 = tpu.memref_slice %arg9[%add3A_11, %dma_start3A_35] : memref<10240x128xf32, #tpu.memory_space<vmem_shared>> -> memref<128x128xf32, #tpu.memory_space<vmem_shared>>
      tpu.enqueue_dma source(%arg8 : memref<128x128xf32, #tpu.memory_space<vmem>>) target(%dma_start3A_36 : memref<128x128xf32, #tpu.memory_space<vmem_shared>>) target_semaphore(%run_scoped3A : memref<!tpu.dma_semaphore, #tpu.memory_space<semaphore_mem>>)
      %dma_wait3A = arith.constant 0 : i32
      %dma_wait3A_37 = tpu.memref_slice %arg9[%add3A_11, %dma_wait3A] : memref<10240x128xf32, #tpu.memory_space<vmem_shared>> -> memref<128x128xf32, #tpu.memory_space<vmem_shared>>
      %dma_wait3A_38 = arith.constant 0 : i32
      %dma_wait3A_39 = tpu.memref_slice %arg9[%add3A_11, %dma_wait3A_38] : memref<10240x128xf32, #tpu.memory_space<vmem_shared>> -> memref<128x128xf32, #tpu.memory_space<vmem_shared>>
      tpu.wait_dma2 semaphore(%run_scoped3A : memref<!tpu.dma_semaphore, #tpu.memory_space<semaphore_mem>>) src(%arg8 : memref<128x128xf32, #tpu.memory_space<vmem>>) dst(%dma_wait3A_39 : memref<128x128xf32, #tpu.memory_space<vmem_shared>>)
      tpu.yield
    }) : () -> ()
    %add3A_12 = arith.constant 256 : i32
    %add3A_13 = arith.addi %multiple_of3A, %add3A_12 : i32
    "tpu.region"() ({
      %run_scoped3A = tpu.sem_alloc : memref<!tpu.dma_semaphore, #tpu.memory_space<semaphore_mem>>
      %dma_start3A = arith.constant 0 : i32
      %dma_start3A_34 = tpu.memref_slice %arg9[%add3A_13, %dma_start3A] : memref<10240x128xf32, #tpu.memory_space<vmem_shared>> -> memref<128x128xf32, #tpu.memory_space<vmem_shared>>
      %dma_start3A_35 = arith.constant 0 : i32
      %dma_start3A_36 = tpu.memref_slice %arg9[%add3A_13, %dma_start3A_35] : memref<10240x128xf32, #tpu.memory_space<vmem_shared>> -> memref<128x128xf32, #tpu.memory_space<vmem_shared>>
      tpu.enqueue_dma source(%arg8 : memref<128x128xf32, #tpu.memory_space<vmem>>) target(%dma_start3A_36 : memref<128x128xf32, #tpu.memory_space<vmem_shared>>) target_semaphore(%run_scoped3A : memref<!tpu.dma_semaphore, #tpu.memory_space<semaphore_mem>>)
      %dma_wait3A = arith.constant 0 : i32
      %dma_wait3A_37 = tpu.memref_slice %arg9[%add3A_13, %dma_wait3A] : memref<10240x128xf32, #tpu.memory_space<vmem_shared>> -> memref<128x128xf32, #tpu.memory_space<vmem_shared>>
      %dma_wait3A_38 = arith.constant 0 : i32
      %dma_wait3A_39 = tpu.memref_slice %arg9[%add3A_13, %dma_wait3A_38] : memref<10240x128xf32, #tpu.memory_space<vmem_shared>> -> memref<128x128xf32, #tpu.memory_space<vmem_shared>>
      tpu.wait_dma2 semaphore(%run_scoped3A : memref<!tpu.dma_semaphore, #tpu.memory_space<semaphore_mem>>) src(%arg8 : memref<128x128xf32, #tpu.memory_space<vmem>>) dst(%dma_wait3A_39 : memref<128x128xf32, #tpu.memory_space<vmem_shared>>)
      tpu.yield
    }) : () -> ()
    %add3A_14 = arith.constant 384 : i32
    %add3A_15 = arith.addi %multiple_of3A, %add3A_14 : i32
    "tpu.region"() ({
      %run_scoped3A = tpu.sem_alloc : memref<!tpu.dma_semaphore, #tpu.memory_space<semaphore_mem>>
      %dma_start3A = arith.constant 0 : i32
      %dma_start3A_34 = tpu.memref_slice %arg9[%add3A_15, %dma_start3A] : memref<10240x128xf32, #tpu.memory_space<vmem_shared>> -> memref<128x128xf32, #tpu.memory_space<vmem_shared>>
      %dma_start3A_35 = arith.constant 0 : i32
      %dma_start3A_36 = tpu.memref_slice %arg9[%add3A_15, %dma_start3A_35] : memref<10240x128xf32, #tpu.memory_space<vmem_shared>> -> memref<128x128xf32, #tpu.memory_space<vmem_shared>>
      tpu.enqueue_dma source(%arg8 : memref<128x128xf32, #tpu.memory_space<vmem>>) target(%dma_start3A_36 : memref<128x128xf32, #tpu.memory_space<vmem_shared>>) target_semaphore(%run_scoped3A : memref<!tpu.dma_semaphore, #tpu.memory_space<semaphore_mem>>)
      %dma_wait3A = arith.constant 0 : i32
      %dma_wait3A_37 = tpu.memref_slice %arg9[%add3A_15, %dma_wait3A] : memref<10240x128xf32, #tpu.memory_space<vmem_shared>> -> memref<128x128xf32, #tpu.memory_space<vmem_shared>>
      %dma_wait3A_38 = arith.constant 0 : i32
      %dma_wait3A_39 = tpu.memref_slice %arg9[%add3A_15, %dma_wait3A_38] : memref<10240x128xf32, #tpu.memory_space<vmem_shared>> -> memref<128x128xf32, #tpu.memory_space<vmem_shared>>
      tpu.wait_dma2 semaphore(%run_scoped3A : memref<!tpu.dma_semaphore, #tpu.memory_space<semaphore_mem>>) src(%arg8 : memref<128x128xf32, #tpu.memory_space<vmem>>) dst(%dma_wait3A_39 : memref<128x128xf32, #tpu.memory_space<vmem_shared>>)
      tpu.yield
    }) : () -> ()
    %add3A_16 = arith.constant 512 : i32
    %add3A_17 = arith.addi %multiple_of3A, %add3A_16 : i32
    "tpu.region"() ({
      %run_scoped3A = tpu.sem_alloc : memref<!tpu.dma_semaphore, #tpu.memory_space<semaphore_mem>>
      %dma_start3A = arith.constant 0 : i32
      %dma_start3A_34 = tpu.memref_slice %arg9[%add3A_17, %dma_start3A] : memref<10240x128xf32, #tpu.memory_space<vmem_shared>> -> memref<128x128xf32, #tpu.memory_space<vmem_shared>>
      %dma_start3A_35 = arith.constant 0 : i32
      %dma_start3A_36 = tpu.memref_slice %arg9[%add3A_17, %dma_start3A_35] : memref<10240x128xf32, #tpu.memory_space<vmem_shared>> -> memref<128x128xf32, #tpu.memory_space<vmem_shared>>
      tpu.enqueue_dma source(%arg8 : memref<128x128xf32, #tpu.memory_space<vmem>>) target(%dma_start3A_36 : memref<128x128xf32, #tpu.memory_space<vmem_shared>>) target_semaphore(%run_scoped3A : memref<!tpu.dma_semaphore, #tpu.memory_space<semaphore_mem>>)
      %dma_wait3A = arith.constant 0 : i32
      %dma_wait3A_37 = tpu.memref_slice %arg9[%add3A_17, %dma_wait3A] : memref<10240x128xf32, #tpu.memory_space<vmem_shared>> -> memref<128x128xf32, #tpu.memory_space<vmem_shared>>
      %dma_wait3A_38 = arith.constant 0 : i32
      %dma_wait3A_39 = tpu.memref_slice %arg9[%add3A_17, %dma_wait3A_38] : memref<10240x128xf32, #tpu.memory_space<vmem_shared>> -> memref<128x128xf32, #tpu.memory_space<vmem_shared>>
      tpu.wait_dma2 semaphore(%run_scoped3A : memref<!tpu.dma_semaphore, #tpu.memory_space<semaphore_mem>>) src(%arg8 : memref<128x128xf32, #tpu.memory_space<vmem>>) dst(%dma_wait3A_39 : memref<128x128xf32, #tpu.memory_space<vmem_shared>>)
      tpu.yield
    }) : () -> ()
    %barrier3A = arith.constant 0 : index
    tpu.barrier barrier_id(%barrier3A)
    %scan3A_18 = arith.constant 0 : i32
    %scan3A_19 = arith.constant 0 : i32
    %scan3A_20 = arith.constant 80 : i32
    %scan3A_21 = arith.addi %scan3A_19, %scan3A_20 : i32
    %scan3A_22 = arith.constant 1 : i32
    scf.for %scan3A_34 = %scan3A_19 to %scan3A_21 step %scan3A_22  : i32 {
      %dma_start3A = arith.constant 0 : i32
      %dma_start3A_35 = tpu.memref_slice %arg6[%scan3A_34, %dma_start3A] : memref<80x128xi32, #tpu.memory_space<vmem>> -> memref<1x128xi32, #tpu.memory_space<vmem>>
      %dma_start3A_36 = tpu.memref_squeeze %dma_start3A_35 : memref<1x128xi32, #tpu.memory_space<vmem>> -> memref<128xi32, #tpu.memory_space<vmem>>
      %dma_start3A_37 = arith.constant 0 : i32
      %dma_start3A_38 = arith.constant 0 : i32
      %dma_start3A_39 = tpu.memref_slice %arg2[%dma_start3A_37, %dma_start3A_38] : memref<10000x128xf32, #tpu.memory_space<hbm>> -> memref<10000x128xf32, #tpu.memory_space<hbm>>
      tpu.enqueue_indirect_dma source(%dma_start3A_39 : memref<10000x128xf32, #tpu.memory_space<hbm>>) target(%arg8 : memref<128x128xf32, #tpu.memory_space<vmem>>) offsets(%dma_start3A_36 : memref<128xi32, #tpu.memory_space<vmem>>) semaphore(%arg10 : memref<!tpu.dma_semaphore, #tpu.memory_space<semaphore_mem>>)
      %dma_wait3A = arith.constant 0 : i32
      %dma_wait3A_40 = tpu.memref_slice %arg6[%scan3A_34, %dma_wait3A] : memref<80x128xi32, #tpu.memory_space<vmem>> -> memref<1x128xi32, #tpu.memory_space<vmem>>
      %dma_wait3A_41 = tpu.memref_squeeze %dma_wait3A_40 : memref<1x128xi32, #tpu.memory_space<vmem>> -> memref<128xi32, #tpu.memory_space<vmem>>
      %dma_wait3A_42 = arith.constant 0 : i32
      %dma_wait3A_43 = arith.constant 0 : i32
      %dma_wait3A_44 = tpu.memref_slice %arg2[%dma_wait3A_42, %dma_wait3A_43] : memref<10000x128xf32, #tpu.memory_space<hbm>> -> memref<10000x128xf32, #tpu.memory_space<hbm>>
      tpu.wait_indirect_dma semaphore(%arg10 : memref<!tpu.dma_semaphore, #tpu.memory_space<semaphore_mem>>) src(%dma_wait3A_44 : memref<10000x128xf32, #tpu.memory_space<hbm>>) dst(%arg8 : memref<128x128xf32, #tpu.memory_space<vmem>>)
      "tpu.region"() ({
        %run_scoped3A = tpu.sem_alloc : memref<!tpu.dma_semaphore, #tpu.memory_space<semaphore_mem>>
        %dma_start3A_45 = arith.constant 0 : i32
        %dma_start3A_46 = tpu.memref_slice %arg7[%scan3A_34, %dma_start3A_45] : memref<80x128xi32, #tpu.memory_space<vmem>> -> memref<1x128xi32, #tpu.memory_space<vmem>>
        %dma_start3A_47 = tpu.memref_squeeze %dma_start3A_46 : memref<1x128xi32, #tpu.memory_space<vmem>> -> memref<128xi32, #tpu.memory_space<vmem>>
        %dma_start3A_48 = arith.constant 0 : i32
        %dma_start3A_49 = arith.constant 0 : i32
        %dma_start3A_50 = tpu.memref_slice %arg9[%dma_start3A_48, %dma_start3A_49] : memref<10240x128xf32, #tpu.memory_space<vmem_shared>> -> memref<10240x128xf32, #tpu.memory_space<vmem_shared>>
        tpu.enqueue_indirect_dma source(%arg8 : memref<128x128xf32, #tpu.memory_space<vmem>>) target(%dma_start3A_50 : memref<10240x128xf32, #tpu.memory_space<vmem_shared>>) offsets(%dma_start3A_47 : memref<128xi32, #tpu.memory_space<vmem>>) semaphore(%run_scoped3A : memref<!tpu.dma_semaphore, #tpu.memory_space<semaphore_mem>>) {add = true}
        %dma_wait3A_51 = arith.constant 0 : i32
        %dma_wait3A_52 = tpu.memref_slice %arg7[%scan3A_34, %dma_wait3A_51] : memref<80x128xi32, #tpu.memory_space<vmem>> -> memref<1x128xi32, #tpu.memory_space<vmem>>
        %dma_wait3A_53 = tpu.memref_squeeze %dma_wait3A_52 : memref<1x128xi32, #tpu.memory_space<vmem>> -> memref<128xi32, #tpu.memory_space<vmem>>
        %dma_wait3A_54 = arith.constant 0 : i32
        %dma_wait3A_55 = arith.constant 0 : i32
        %dma_wait3A_56 = tpu.memref_slice %arg9[%dma_wait3A_54, %dma_wait3A_55] : memref<10240x128xf32, #tpu.memory_space<vmem_shared>> -> memref<10240x128xf32, #tpu.memory_space<vmem_shared>>
        tpu.wait_indirect_dma semaphore(%run_scoped3A : memref<!tpu.dma_semaphore, #tpu.memory_space<semaphore_mem>>) src(%arg8 : memref<128x128xf32, #tpu.memory_space<vmem>>) dst(%dma_wait3A_56 : memref<10240x128xf32, #tpu.memory_space<vmem_shared>>)
        tpu.yield
      }) : () -> ()
    }
    %scan3A_23 = arith.constant 80 : i32
    %barrier3A_24 = arith.constant 0 : index
    tpu.barrier barrier_id(%barrier3A_24)
    %mul3A_25 = arith.constant 632 : i32
    %mul3A_26 = arith.muli %arg1, %mul3A_25 : i32
    %multiple_of3A_27 = tpu.assume_multiple %mul3A_26, 8 : i32
    %lt3A = arith.constant 15 : i32
    %lt3A_28 = arith.cmpi slt, %arg1, %lt3A : i32
    %convert_element_type3A = arith.extui %lt3A_28 : i1 to i32
    %cond3A = arith.constant 0 : i32
    %cond3A_29 = arith.cmpi ne, %convert_element_type3A, %cond3A : i32
    scf.if %cond3A_29 {
      "tpu.region"() ({
        %run_scoped3A = tpu.sem_alloc : memref<!tpu.dma_semaphore, #tpu.memory_space<semaphore_mem>>
        %dma_start3A = arith.constant 0 : i32
        %dma_start3A_34 = arith.constant 0 : i32
        %dma_start3A_35 = tpu.memref_slice %arg5[%arg0, %dma_start3A, %dma_start3A_34] : memref<2x10000x128xf32, #tpu.memory_space<hbm>> -> memref<1x10000x128xf32, #tpu.memory_space<hbm>>
        %dma_start3A_36 = tpu.memref_squeeze %dma_start3A_35 : memref<1x10000x128xf32, #tpu.memory_space<hbm>> -> memref<10000x128xf32, #tpu.memory_space<hbm>>
        %dma_start3A_37 = arith.constant 0 : i32
        %dma_start3A_38 = tpu.memref_slice %dma_start3A_36[%multiple_of3A_27, %dma_start3A_37] : memref<10000x128xf32, #tpu.memory_space<hbm>> -> memref<632x128xf32, #tpu.memory_space<hbm>>
        %dma_start3A_39 = arith.constant 0 : i32
        %dma_start3A_40 = tpu.memref_slice %arg9[%multiple_of3A_27, %dma_start3A_39] : memref<10240x128xf32, #tpu.memory_space<vmem_shared>> -> memref<632x128xf32, #tpu.memory_space<vmem_shared>>
        tpu.enqueue_dma source(%dma_start3A_40 : memref<632x128xf32, #tpu.memory_space<vmem_shared>>) target(%dma_start3A_38 : memref<632x128xf32, #tpu.memory_space<hbm>>) target_semaphore(%run_scoped3A : memref<!tpu.dma_semaphore, #tpu.memory_space<semaphore_mem>>)
        %dma_wait3A = arith.constant 0 : i32
        %dma_wait3A_41 = arith.constant 0 : i32
        %dma_wait3A_42 = tpu.memref_slice %arg5[%arg0, %dma_wait3A, %dma_wait3A_41] : memref<2x10000x128xf32, #tpu.memory_space<hbm>> -> memref<1x10000x128xf32, #tpu.memory_space<hbm>>
        %dma_wait3A_43 = tpu.memref_squeeze %dma_wait3A_42 : memref<1x10000x128xf32, #tpu.memory_space<hbm>> -> memref<10000x128xf32, #tpu.memory_space<hbm>>
        %dma_wait3A_44 = arith.constant 0 : i32
        %dma_wait3A_45 = tpu.memref_slice %dma_wait3A_43[%multiple_of3A_27, %dma_wait3A_44] : memref<10000x128xf32, #tpu.memory_space<hbm>> -> memref<632x128xf32, #tpu.memory_space<hbm>>
        %dma_wait3A_46 = arith.constant 0 : i32
        %dma_wait3A_47 = tpu.memref_slice %arg9[%multiple_of3A_27, %dma_wait3A_46] : memref<10240x128xf32, #tpu.memory_space<vmem_shared>> -> memref<632x128xf32, #tpu.memory_space<vmem_shared>>
        tpu.wait_dma2 semaphore(%run_scoped3A : memref<!tpu.dma_semaphore, #tpu.memory_space<semaphore_mem>>) src(%dma_wait3A_47 : memref<632x128xf32, #tpu.memory_space<vmem_shared>>) dst(%dma_wait3A_45 : memref<632x128xf32, #tpu.memory_space<hbm>>)
        tpu.yield
      }) : () -> ()
    } else {
    }
    %eq3A = arith.constant 15 : i32
    %eq3A_30 = arith.cmpi eq, %arg1, %eq3A : i32
    %convert_element_type3A_31 = arith.extui %eq3A_30 : i1 to i32
    %cond3A_32 = arith.constant 0 : i32
    %cond3A_33 = arith.cmpi ne, %convert_element_type3A_31, %cond3A_32 : i32
    scf.if %cond3A_33 {
      "tpu.region"() ({
        %run_scoped3A = tpu.sem_alloc : memref<!tpu.dma_semaphore, #tpu.memory_space<semaphore_mem>>
        %dma_start3A = arith.constant 0 : i32
        %dma_start3A_34 = arith.constant 0 : i32
        %dma_start3A_35 = tpu.memref_slice %arg5[%arg0, %dma_start3A, %dma_start3A_34] : memref<2x10000x128xf32, #tpu.memory_space<hbm>> -> memref<1x10000x128xf32, #tpu.memory_space<hbm>>
        %dma_start3A_36 = tpu.memref_squeeze %dma_start3A_35 : memref<1x10000x128xf32, #tpu.memory_space<hbm>> -> memref<10000x128xf32, #tpu.memory_space<hbm>>
        %dma_start3A_37 = arith.constant 9480 : i32
        %dma_start3A_38 = arith.constant 0 : i32
        %dma_start3A_39 = tpu.memref_slice %dma_start3A_36[%dma_start3A_37, %dma_start3A_38] : memref<10000x128xf32, #tpu.memory_space<hbm>> -> memref<520x128xf32, #tpu.memory_space<hbm>>
        %dma_start3A_40 = arith.constant 9480 : i32
        %dma_start3A_41 = arith.constant 0 : i32
        %dma_start3A_42 = tpu.memref_slice %arg9[%dma_start3A_40, %dma_start3A_41] : memref<10240x128xf32, #tpu.memory_space<vmem_shared>> -> memref<520x128xf32, #tpu.memory_space<vmem_shared>>
        tpu.enqueue_dma source(%dma_start3A_42 : memref<520x128xf32, #tpu.memory_space<vmem_shared>>) target(%dma_start3A_39 : memref<520x128xf32, #tpu.memory_space<hbm>>) target_semaphore(%run_scoped3A : memref<!tpu.dma_semaphore, #tpu.memory_space<semaphore_mem>>)
        %dma_wait3A = arith.constant 0 : i32
        %dma_wait3A_43 = arith.constant 0 : i32
        %dma_wait3A_44 = tpu.memref_slice %arg5[%arg0, %dma_wait3A, %dma_wait3A_43] : memref<2x10000x128xf32, #tpu.memory_space<hbm>> -> memref<1x10000x128xf32, #tpu.memory_space<hbm>>
        %dma_wait3A_45 = tpu.memref_squeeze %dma_wait3A_44 : memref<1x10000x128xf32, #tpu.memory_space<hbm>> -> memref<10000x128xf32, #tpu.memory_space<hbm>>
        %dma_wait3A_46 = arith.constant 9480 : i32
        %dma_wait3A_47 = arith.constant 0 : i32
        %dma_wait3A_48 = tpu.memref_slice %dma_wait3A_45[%dma_wait3A_46, %dma_wait3A_47] : memref<10000x128xf32, #tpu.memory_space<hbm>> -> memref<520x128xf32, #tpu.memory_space<hbm>>
        %dma_wait3A_49 = arith.constant 9480 : i32
        %dma_wait3A_50 = arith.constant 0 : i32
        %dma_wait3A_51 = tpu.memref_slice %arg9[%dma_wait3A_49, %dma_wait3A_50] : memref<10240x128xf32, #tpu.memory_space<vmem_shared>> -> memref<520x128xf32, #tpu.memory_space<vmem_shared>>
        tpu.wait_dma2 semaphore(%run_scoped3A : memref<!tpu.dma_semaphore, #tpu.memory_space<semaphore_mem>>) src(%dma_wait3A_51 : memref<520x128xf32, #tpu.memory_space<vmem_shared>>) dst(%dma_wait3A_48 : memref<520x128xf32, #tpu.memory_space<hbm>>)
        tpu.yield
      }) : () -> ()
    } else {
    }
    return
  }
}

#map = affine_map<(d0, d1) -> (0, 0)>
#map1 = affine_map<(d0, d1) -> (0, 0, 0)>
module attributes {stable_mosaic.version = 14 : i64} {
  func.func @_sc_spmm_body(%arg0: i32, %arg1: i32, %arg2: memref<10000x128xf32, #tpu.memory_space<hbm>>, %arg3: memref<32x80x128xi32, #tpu.memory_space<hbm>>, %arg4: memref<32x80x128xi32, #tpu.memory_space<hbm>>, %arg5: memref<2x10000x128xf32, #tpu.memory_space<hbm>>, %arg6: memref<80x128xi32, #tpu.memory_space<vmem>>, %arg7: memref<80x128xi32, #tpu.memory_space<vmem>>, %arg8: memref<128x128xf32, #tpu.memory_space<vmem>>, %arg9: memref<10240x128xf32, #tpu.memory_space<vmem_shared>>, %arg10: memref<!tpu.dma_semaphore, #tpu.memory_space<semaphore_mem>>) attributes {dimension_semantics = [#tpu.dimension_semantics<core_parallel>, #tpu.dimension_semantics<subcore_parallel>], iteration_bounds = array<i64: 2, 16>, scalar_prefetch = 0 : i64, scratch_operands = 5 : i64, tpu.core_type = #tpu.core_type<sc_vector_subcore>, window_params = [{transform_indices = #map}, {transform_indices = #map1}, {transform_indices = #map1}, {transform_indices = #map1}]} {
    %mul3A = arith.constant 16 : i32
    %mul3A_0 = arith.muli %arg0, %mul3A : i32
    %add3A = arith.addi %mul3A_0, %arg1 : i32
    %mul3A_1 = arith.constant 640 : i32
    %mul3A_2 = arith.muli %arg1, %mul3A_1 : i32
    %multiple_of3A = tpu.assume_multiple %mul3A_2, 128 : i32
    "tpu.region"() ({
      %run_scoped3A = tpu.sem_alloc : memref<!tpu.dma_semaphore, #tpu.memory_space<semaphore_mem>>
      %dma_start3A = arith.constant 0 : i32
      %dma_start3A_34 = arith.constant 0 : i32
      %dma_start3A_35 = tpu.memref_slice %arg3[%add3A, %dma_start3A, %dma_start3A_34] : memref<32x80x128xi32, #tpu.memory_space<hbm>> -> memref<1x80x128xi32, #tpu.memory_space<hbm>>
      %dma_start3A_36 = tpu.memref_squeeze %dma_start3A_35 : memref<1x80x128xi32, #tpu.memory_space<hbm>> -> memref<80x128xi32, #tpu.memory_space<hbm>>
      %dma_start3A_37 = arith.constant 0 : i32
      %dma_start3A_38 = arith.constant 0 : i32
      %dma_start3A_39 = tpu.memref_slice %arg3[%add3A, %dma_start3A_37, %dma_start3A_38] : memref<32x80x128xi32, #tpu.memory_space<hbm>> -> memref<1x80x128xi32, #tpu.memory_space<hbm>>
      %dma_start3A_40 = tpu.memref_squeeze %dma_start3A_39 : memref<1x80x128xi32, #tpu.memory_space<hbm>> -> memref<80x128xi32, #tpu.memory_space<hbm>>
      tpu.enqueue_dma source(%dma_start3A_40 : memref<80x128xi32, #tpu.memory_space<hbm>>) target(%arg6 : memref<80x128xi32, #tpu.memory_space<vmem>>) target_semaphore(%run_scoped3A : memref<!tpu.dma_semaphore, #tpu.memory_space<semaphore_mem>>)
      %dma_wait3A = arith.constant 0 : i32
      %dma_wait3A_41 = arith.constant 0 : i32
      %dma_wait3A_42 = tpu.memref_slice %arg3[%add3A, %dma_wait3A, %dma_wait3A_41] : memref<32x80x128xi32, #tpu.memory_space<hbm>> -> memref<1x80x128xi32, #tpu.memory_space<hbm>>
      %dma_wait3A_43 = tpu.memref_squeeze %dma_wait3A_42 : memref<1x80x128xi32, #tpu.memory_space<hbm>> -> memref<80x128xi32, #tpu.memory_space<hbm>>
      %dma_wait3A_44 = arith.constant 0 : i32
      %dma_wait3A_45 = arith.constant 0 : i32
      %dma_wait3A_46 = tpu.memref_slice %arg3[%add3A, %dma_wait3A_44, %dma_wait3A_45] : memref<32x80x128xi32, #tpu.memory_space<hbm>> -> memref<1x80x128xi32, #tpu.memory_space<hbm>>
      %dma_wait3A_47 = tpu.memref_squeeze %dma_wait3A_46 : memref<1x80x128xi32, #tpu.memory_space<hbm>> -> memref<80x128xi32, #tpu.memory_space<hbm>>
      tpu.wait_dma2 semaphore(%run_scoped3A : memref<!tpu.dma_semaphore, #tpu.memory_space<semaphore_mem>>) src(%dma_wait3A_47 : memref<80x128xi32, #tpu.memory_space<hbm>>) dst(%arg6 : memref<80x128xi32, #tpu.memory_space<vmem>>)
      tpu.yield
    }) : () -> ()
    "tpu.region"() ({
      %run_scoped3A = tpu.sem_alloc : memref<!tpu.dma_semaphore, #tpu.memory_space<semaphore_mem>>
      %dma_start3A = arith.constant 0 : i32
      %dma_start3A_34 = arith.constant 0 : i32
      %dma_start3A_35 = tpu.memref_slice %arg4[%add3A, %dma_start3A, %dma_start3A_34] : memref<32x80x128xi32, #tpu.memory_space<hbm>> -> memref<1x80x128xi32, #tpu.memory_space<hbm>>
      %dma_start3A_36 = tpu.memref_squeeze %dma_start3A_35 : memref<1x80x128xi32, #tpu.memory_space<hbm>> -> memref<80x128xi32, #tpu.memory_space<hbm>>
      %dma_start3A_37 = arith.constant 0 : i32
      %dma_start3A_38 = arith.constant 0 : i32
      %dma_start3A_39 = tpu.memref_slice %arg4[%add3A, %dma_start3A_37, %dma_start3A_38] : memref<32x80x128xi32, #tpu.memory_space<hbm>> -> memref<1x80x128xi32, #tpu.memory_space<hbm>>
      %dma_start3A_40 = tpu.memref_squeeze %dma_start3A_39 : memref<1x80x128xi32, #tpu.memory_space<hbm>> -> memref<80x128xi32, #tpu.memory_space<hbm>>
      tpu.enqueue_dma source(%dma_start3A_40 : memref<80x128xi32, #tpu.memory_space<hbm>>) target(%arg7 : memref<80x128xi32, #tpu.memory_space<vmem>>) target_semaphore(%run_scoped3A : memref<!tpu.dma_semaphore, #tpu.memory_space<semaphore_mem>>)
      %dma_wait3A = arith.constant 0 : i32
      %dma_wait3A_41 = arith.constant 0 : i32
      %dma_wait3A_42 = tpu.memref_slice %arg4[%add3A, %dma_wait3A, %dma_wait3A_41] : memref<32x80x128xi32, #tpu.memory_space<hbm>> -> memref<1x80x128xi32, #tpu.memory_space<hbm>>
      %dma_wait3A_43 = tpu.memref_squeeze %dma_wait3A_42 : memref<1x80x128xi32, #tpu.memory_space<hbm>> -> memref<80x128xi32, #tpu.memory_space<hbm>>
      %dma_wait3A_44 = arith.constant 0 : i32
      %dma_wait3A_45 = arith.constant 0 : i32
      %dma_wait3A_46 = tpu.memref_slice %arg4[%add3A, %dma_wait3A_44, %dma_wait3A_45] : memref<32x80x128xi32, #tpu.memory_space<hbm>> -> memref<1x80x128xi32, #tpu.memory_space<hbm>>
      %dma_wait3A_47 = tpu.memref_squeeze %dma_wait3A_46 : memref<1x80x128xi32, #tpu.memory_space<hbm>> -> memref<80x128xi32, #tpu.memory_space<hbm>>
      tpu.wait_dma2 semaphore(%run_scoped3A : memref<!tpu.dma_semaphore, #tpu.memory_space<semaphore_mem>>) src(%dma_wait3A_47 : memref<80x128xi32, #tpu.memory_space<hbm>>) dst(%arg7 : memref<80x128xi32, #tpu.memory_space<vmem>>)
      tpu.yield
    }) : () -> ()
    %scan3A = arith.constant 0 : i32
    %scan3A_3 = arith.constant 0 : i32
    %scan3A_4 = arith.constant 128 : i32
    %scan3A_5 = arith.addi %scan3A_3, %scan3A_4 : i32
    %scan3A_6 = arith.constant 1 : i32
    scf.for %scan3A_34 = %scan3A_3 to %scan3A_5 step %scan3A_6  : i32 {
      %broadcast_in_dim3A = arith.constant 0.000000e+00 : f32
      %broadcast_in_dim3A_35 = vector.broadcast %broadcast_in_dim3A : f32 to vector<16xf32>
      %swap3A = arith.index_cast %scan3A_34 : i32 to index
      %swap3A_36 = arith.constant 0 : index
      %swap3A_37 = tpu.vector_load %arg8[%swap3A, %swap3A_36] {strides = array<i32>} : memref<128x128xf32, #tpu.memory_space<vmem>>, vector<1x16xf32>,
      %swap3A_38 = vector.shape_cast %swap3A_37 : vector<1x16xf32> to vector<16xf32>
      %swap3A_39 = vector.shape_cast %broadcast_in_dim3A_35 : vector<16xf32> to vector<1x16xf32>
      tpu.vector_store %arg8[%swap3A, %swap3A_36], %swap3A_39 {strides = array<i32>} : memref<128x128xf32, #tpu.memory_space<vmem>>, vector<1x16xf32>,
      %broadcast_in_dim3A_40 = arith.constant 0.000000e+00 : f32
      %broadcast_in_dim3A_41 = vector.broadcast %broadcast_in_dim3A_40 : f32 to vector<16xf32>
      %swap3A_42 = arith.index_cast %scan3A_34 : i32 to index
      %swap3A_43 = arith.constant 16 : index
      %swap3A_44 = tpu.vector_load %arg8[%swap3A_42, %swap3A_43] {strides = array<i32>} : memref<128x128xf32, #tpu.memory_space<vmem>>, vector<1x16xf32>,
      %swap3A_45 = vector.shape_cast %swap3A_44 : vector<1x16xf32> to vector<16xf32>
      %swap3A_46 = vector.shape_cast %broadcast_in_dim3A_41 : vector<16xf32> to vector<1x16xf32>
      tpu.vector_store %arg8[%swap3A_42, %swap3A_43], %swap3A_46 {strides = array<i32>} : memref<128x128xf32, #tpu.memory_space<vmem>>, vector<1x16xf32>,
      %broadcast_in_dim3A_47 = arith.constant 0.000000e+00 : f32
      %broadcast_in_dim3A_48 = vector.broadcast %broadcast_in_dim3A_47 : f32 to vector<16xf32>
      %swap3A_49 = arith.index_cast %scan3A_34 : i32 to index
      %swap3A_50 = arith.constant 32 : index
      %swap3A_51 = tpu.vector_load %arg8[%swap3A_49, %swap3A_50] {strides = array<i32>} : memref<128x128xf32, #tpu.memory_space<vmem>>, vector<1x16xf32>,
      %swap3A_52 = vector.shape_cast %swap3A_51 : vector<1x16xf32> to vector<16xf32>
      %swap3A_53 = vector.shape_cast %broadcast_in_dim3A_48 : vector<16xf32> to vector<1x16xf32>
      tpu.vector_store %arg8[%swap3A_49, %swap3A_50], %swap3A_53 {strides = array<i32>} : memref<128x128xf32, #tpu.memory_space<vmem>>, vector<1x16xf32>,
      %broadcast_in_dim3A_54 = arith.constant 0.000000e+00 : f32
      %broadcast_in_dim3A_55 = vector.broadcast %broadcast_in_dim3A_54 : f32 to vector<16xf32>
      %swap3A_56 = arith.index_cast %scan3A_34 : i32 to index
      %swap3A_57 = arith.constant 48 : index
      %swap3A_58 = tpu.vector_load %arg8[%swap3A_56, %swap3A_57] {strides = array<i32>} : memref<128x128xf32, #tpu.memory_space<vmem>>, vector<1x16xf32>,
      %swap3A_59 = vector.shape_cast %swap3A_58 : vector<1x16xf32> to vector<16xf32>
      %swap3A_60 = vector.shape_cast %broadcast_in_dim3A_55 : vector<16xf32> to vector<1x16xf32>
      tpu.vector_store %arg8[%swap3A_56, %swap3A_57], %swap3A_60 {strides = array<i32>} : memref<128x128xf32, #tpu.memory_space<vmem>>, vector<1x16xf32>,
      %broadcast_in_dim3A_61 = arith.constant 0.000000e+00 : f32
      %broadcast_in_dim3A_62 = vector.broadcast %broadcast_in_dim3A_61 : f32 to vector<16xf32>
      %swap3A_63 = arith.index_cast %scan3A_34 : i32 to index
      %swap3A_64 = arith.constant 64 : index
      %swap3A_65 = tpu.vector_load %arg8[%swap3A_63, %swap3A_64] {strides = array<i32>} : memref<128x128xf32, #tpu.memory_space<vmem>>, vector<1x16xf32>,
      %swap3A_66 = vector.shape_cast %swap3A_65 : vector<1x16xf32> to vector<16xf32>
      %swap3A_67 = vector.shape_cast %broadcast_in_dim3A_62 : vector<16xf32> to vector<1x16xf32>
      tpu.vector_store %arg8[%swap3A_63, %swap3A_64], %swap3A_67 {strides = array<i32>} : memref<128x128xf32, #tpu.memory_space<vmem>>, vector<1x16xf32>,
      %broadcast_in_dim3A_68 = arith.constant 0.000000e+00 : f32
      %broadcast_in_dim3A_69 = vector.broadcast %broadcast_in_dim3A_68 : f32 to vector<16xf32>
      %swap3A_70 = arith.index_cast %scan3A_34 : i32 to index
      %swap3A_71 = arith.constant 80 : index
      %swap3A_72 = tpu.vector_load %arg8[%swap3A_70, %swap3A_71] {strides = array<i32>} : memref<128x128xf32, #tpu.memory_space<vmem>>, vector<1x16xf32>,
      %swap3A_73 = vector.shape_cast %swap3A_72 : vector<1x16xf32> to vector<16xf32>
      %swap3A_74 = vector.shape_cast %broadcast_in_dim3A_69 : vector<16xf32> to vector<1x16xf32>
      tpu.vector_store %arg8[%swap3A_70, %swap3A_71], %swap3A_74 {strides = array<i32>} : memref<128x128xf32, #tpu.memory_space<vmem>>, vector<1x16xf32>,
      %broadcast_in_dim3A_75 = arith.constant 0.000000e+00 : f32
      %broadcast_in_dim3A_76 = vector.broadcast %broadcast_in_dim3A_75 : f32 to vector<16xf32>
      %swap3A_77 = arith.index_cast %scan3A_34 : i32 to index
      %swap3A_78 = arith.constant 96 : index
      %swap3A_79 = tpu.vector_load %arg8[%swap3A_77, %swap3A_78] {strides = array<i32>} : memref<128x128xf32, #tpu.memory_space<vmem>>, vector<1x16xf32>,
      %swap3A_80 = vector.shape_cast %swap3A_79 : vector<1x16xf32> to vector<16xf32>
      %swap3A_81 = vector.shape_cast %broadcast_in_dim3A_76 : vector<16xf32> to vector<1x16xf32>
      tpu.vector_store %arg8[%swap3A_77, %swap3A_78], %swap3A_81 {strides = array<i32>} : memref<128x128xf32, #tpu.memory_space<vmem>>, vector<1x16xf32>,
      %broadcast_in_dim3A_82 = arith.constant 0.000000e+00 : f32
      %broadcast_in_dim3A_83 = vector.broadcast %broadcast_in_dim3A_82 : f32 to vector<16xf32>
      %swap3A_84 = arith.index_cast %scan3A_34 : i32 to index
      %swap3A_85 = arith.constant 112 : index
      %swap3A_86 = tpu.vector_load %arg8[%swap3A_84, %swap3A_85] {strides = array<i32>} : memref<128x128xf32, #tpu.memory_space<vmem>>, vector<1x16xf32>,
      %swap3A_87 = vector.shape_cast %swap3A_86 : vector<1x16xf32> to vector<16xf32>
      %swap3A_88 = vector.shape_cast %broadcast_in_dim3A_83 : vector<16xf32> to vector<1x16xf32>
      tpu.vector_store %arg8[%swap3A_84, %swap3A_85], %swap3A_88 {strides = array<i32>} : memref<128x128xf32, #tpu.memory_space<vmem>>, vector<1x16xf32>,
    }
    %scan3A_7 = arith.constant 128 : i32
    %add3A_8 = arith.constant 0 : i32
    %add3A_9 = arith.addi %multiple_of3A, %add3A_8 : i32
    "tpu.region"() ({
      %run_scoped3A = tpu.sem_alloc : memref<!tpu.dma_semaphore, #tpu.memory_space<semaphore_mem>>
      %dma_start3A = arith.constant 0 : i32
      %dma_start3A_34 = tpu.memref_slice %arg9[%add3A_9, %dma_start3A] : memref<10240x128xf32, #tpu.memory_space<vmem_shared>> -> memref<128x128xf32, #tpu.memory_space<vmem_shared>>
      %dma_start3A_35 = arith.constant 0 : i32
      %dma_start3A_36 = tpu.memref_slice %arg9[%add3A_9, %dma_start3A_35] : memref<10240x128xf32, #tpu.memory_space<vmem_shared>> -> memref<128x128xf32, #tpu.memory_space<vmem_shared>>
      tpu.enqueue_dma source(%arg8 : memref<128x128xf32, #tpu.memory_space<vmem>>) target(%dma_start3A_36 : memref<128x128xf32, #tpu.memory_space<vmem_shared>>) target_semaphore(%run_scoped3A : memref<!tpu.dma_semaphore, #tpu.memory_space<semaphore_mem>>)
      %dma_wait3A = arith.constant 0 : i32
      %dma_wait3A_37 = tpu.memref_slice %arg9[%add3A_9, %dma_wait3A] : memref<10240x128xf32, #tpu.memory_space<vmem_shared>> -> memref<128x128xf32, #tpu.memory_space<vmem_shared>>
      %dma_wait3A_38 = arith.constant 0 : i32
      %dma_wait3A_39 = tpu.memref_slice %arg9[%add3A_9, %dma_wait3A_38] : memref<10240x128xf32, #tpu.memory_space<vmem_shared>> -> memref<128x128xf32, #tpu.memory_space<vmem_shared>>
      tpu.wait_dma2 semaphore(%run_scoped3A : memref<!tpu.dma_semaphore, #tpu.memory_space<semaphore_mem>>) src(%arg8 : memref<128x128xf32, #tpu.memory_space<vmem>>) dst(%dma_wait3A_39 : memref<128x128xf32, #tpu.memory_space<vmem_shared>>)
      tpu.yield
    }) : () -> ()
    %add3A_10 = arith.constant 128 : i32
    %add3A_11 = arith.addi %multiple_of3A, %add3A_10 : i32
    "tpu.region"() ({
      %run_scoped3A = tpu.sem_alloc : memref<!tpu.dma_semaphore, #tpu.memory_space<semaphore_mem>>
      %dma_start3A = arith.constant 0 : i32
      %dma_start3A_34 = tpu.memref_slice %arg9[%add3A_11, %dma_start3A] : memref<10240x128xf32, #tpu.memory_space<vmem_shared>> -> memref<128x128xf32, #tpu.memory_space<vmem_shared>>
      %dma_start3A_35 = arith.constant 0 : i32
      %dma_start3A_36 = tpu.memref_slice %arg9[%add3A_11, %dma_start3A_35] : memref<10240x128xf32, #tpu.memory_space<vmem_shared>> -> memref<128x128xf32, #tpu.memory_space<vmem_shared>>
      tpu.enqueue_dma source(%arg8 : memref<128x128xf32, #tpu.memory_space<vmem>>) target(%dma_start3A_36 : memref<128x128xf32, #tpu.memory_space<vmem_shared>>) target_semaphore(%run_scoped3A : memref<!tpu.dma_semaphore, #tpu.memory_space<semaphore_mem>>)
      %dma_wait3A = arith.constant 0 : i32
      %dma_wait3A_37 = tpu.memref_slice %arg9[%add3A_11, %dma_wait3A] : memref<10240x128xf32, #tpu.memory_space<vmem_shared>> -> memref<128x128xf32, #tpu.memory_space<vmem_shared>>
      %dma_wait3A_38 = arith.constant 0 : i32
      %dma_wait3A_39 = tpu.memref_slice %arg9[%add3A_11, %dma_wait3A_38] : memref<10240x128xf32, #tpu.memory_space<vmem_shared>> -> memref<128x128xf32, #tpu.memory_space<vmem_shared>>
      tpu.wait_dma2 semaphore(%run_scoped3A : memref<!tpu.dma_semaphore, #tpu.memory_space<semaphore_mem>>) src(%arg8 : memref<128x128xf32, #tpu.memory_space<vmem>>) dst(%dma_wait3A_39 : memref<128x128xf32, #tpu.memory_space<vmem_shared>>)
      tpu.yield
    }) : () -> ()
    %add3A_12 = arith.constant 256 : i32
    %add3A_13 = arith.addi %multiple_of3A, %add3A_12 : i32
    "tpu.region"() ({
      %run_scoped3A = tpu.sem_alloc : memref<!tpu.dma_semaphore, #tpu.memory_space<semaphore_mem>>
      %dma_start3A = arith.constant 0 : i32
      %dma_start3A_34 = tpu.memref_slice %arg9[%add3A_13, %dma_start3A] : memref<10240x128xf32, #tpu.memory_space<vmem_shared>> -> memref<128x128xf32, #tpu.memory_space<vmem_shared>>
      %dma_start3A_35 = arith.constant 0 : i32
      %dma_start3A_36 = tpu.memref_slice %arg9[%add3A_13, %dma_start3A_35] : memref<10240x128xf32, #tpu.memory_space<vmem_shared>> -> memref<128x128xf32, #tpu.memory_space<vmem_shared>>
      tpu.enqueue_dma source(%arg8 : memref<128x128xf32, #tpu.memory_space<vmem>>) target(%dma_start3A_36 : memref<128x128xf32, #tpu.memory_space<vmem_shared>>) target_semaphore(%run_scoped3A : memref<!tpu.dma_semaphore, #tpu.memory_space<semaphore_mem>>)
      %dma_wait3A = arith.constant 0 : i32
      %dma_wait3A_37 = tpu.memref_slice %arg9[%add3A_13, %dma_wait3A] : memref<10240x128xf32, #tpu.memory_space<vmem_shared>> -> memref<128x128xf32, #tpu.memory_space<vmem_shared>>
      %dma_wait3A_38 = arith.constant 0 : i32
      %dma_wait3A_39 = tpu.memref_slice %arg9[%add3A_13, %dma_wait3A_38] : memref<10240x128xf32, #tpu.memory_space<vmem_shared>> -> memref<128x128xf32, #tpu.memory_space<vmem_shared>>
      tpu.wait_dma2 semaphore(%run_scoped3A : memref<!tpu.dma_semaphore, #tpu.memory_space<semaphore_mem>>) src(%arg8 : memref<128x128xf32, #tpu.memory_space<vmem>>) dst(%dma_wait3A_39 : memref<128x128xf32, #tpu.memory_space<vmem_shared>>)
      tpu.yield
    }) : () -> ()
    %add3A_14 = arith.constant 384 : i32
    %add3A_15 = arith.addi %multiple_of3A, %add3A_14 : i32
    "tpu.region"() ({
      %run_scoped3A = tpu.sem_alloc : memref<!tpu.dma_semaphore, #tpu.memory_space<semaphore_mem>>
      %dma_start3A = arith.constant 0 : i32
      %dma_start3A_34 = tpu.memref_slice %arg9[%add3A_15, %dma_start3A] : memref<10240x128xf32, #tpu.memory_space<vmem_shared>> -> memref<128x128xf32, #tpu.memory_space<vmem_shared>>
      %dma_start3A_35 = arith.constant 0 : i32
      %dma_start3A_36 = tpu.memref_slice %arg9[%add3A_15, %dma_start3A_35] : memref<10240x128xf32, #tpu.memory_space<vmem_shared>> -> memref<128x128xf32, #tpu.memory_space<vmem_shared>>
      tpu.enqueue_dma source(%arg8 : memref<128x128xf32, #tpu.memory_space<vmem>>) target(%dma_start3A_36 : memref<128x128xf32, #tpu.memory_space<vmem_shared>>) target_semaphore(%run_scoped3A : memref<!tpu.dma_semaphore, #tpu.memory_space<semaphore_mem>>)
      %dma_wait3A = arith.constant 0 : i32
      %dma_wait3A_37 = tpu.memref_slice %arg9[%add3A_15, %dma_wait3A] : memref<10240x128xf32, #tpu.memory_space<vmem_shared>> -> memref<128x128xf32, #tpu.memory_space<vmem_shared>>
      %dma_wait3A_38 = arith.constant 0 : i32
      %dma_wait3A_39 = tpu.memref_slice %arg9[%add3A_15, %dma_wait3A_38] : memref<10240x128xf32, #tpu.memory_space<vmem_shared>> -> memref<128x128xf32, #tpu.memory_space<vmem_shared>>
      tpu.wait_dma2 semaphore(%run_scoped3A : memref<!tpu.dma_semaphore, #tpu.memory_space<semaphore_mem>>) src(%arg8 : memref<128x128xf32, #tpu.memory_space<vmem>>) dst(%dma_wait3A_39 : memref<128x128xf32, #tpu.memory_space<vmem_shared>>)
      tpu.yield
    }) : () -> ()
    %add3A_16 = arith.constant 512 : i32
    %add3A_17 = arith.addi %multiple_of3A, %add3A_16 : i32
    "tpu.region"() ({
      %run_scoped3A = tpu.sem_alloc : memref<!tpu.dma_semaphore, #tpu.memory_space<semaphore_mem>>
      %dma_start3A = arith.constant 0 : i32
      %dma_start3A_34 = tpu.memref_slice %arg9[%add3A_17, %dma_start3A] : memref<10240x128xf32, #tpu.memory_space<vmem_shared>> -> memref<128x128xf32, #tpu.memory_space<vmem_shared>>
      %dma_start3A_35 = arith.constant 0 : i32
      %dma_start3A_36 = tpu.memref_slice %arg9[%add3A_17, %dma_start3A_35] : memref<10240x128xf32, #tpu.memory_space<vmem_shared>> -> memref<128x128xf32, #tpu.memory_space<vmem_shared>>
      tpu.enqueue_dma source(%arg8 : memref<128x128xf32, #tpu.memory_space<vmem>>) target(%dma_start3A_36 : memref<128x128xf32, #tpu.memory_space<vmem_shared>>) target_semaphore(%run_scoped3A : memref<!tpu.dma_semaphore, #tpu.memory_space<semaphore_mem>>)
      %dma_wait3A = arith.constant 0 : i32
      %dma_wait3A_37 = tpu.memref_slice %arg9[%add3A_17, %dma_wait3A] : memref<10240x128xf32, #tpu.memory_space<vmem_shared>> -> memref<128x128xf32, #tpu.memory_space<vmem_shared>>
      %dma_wait3A_38 = arith.constant 0 : i32
      %dma_wait3A_39 = tpu.memref_slice %arg9[%add3A_17, %dma_wait3A_38] : memref<10240x128xf32, #tpu.memory_space<vmem_shared>> -> memref<128x128xf32, #tpu.memory_space<vmem_shared>>
      tpu.wait_dma2 semaphore(%run_scoped3A : memref<!tpu.dma_semaphore, #tpu.memory_space<semaphore_mem>>) src(%arg8 : memref<128x128xf32, #tpu.memory_space<vmem>>) dst(%dma_wait3A_39 : memref<128x128xf32, #tpu.memory_space<vmem_shared>>)
      tpu.yield
    }) : () -> ()
    %barrier3A = arith.constant 0 : index
    tpu.barrier barrier_id(%barrier3A)
    %scan3A_18 = arith.constant 0 : i32
    %scan3A_19 = arith.constant 0 : i32
    %scan3A_20 = arith.constant 80 : i32
    %scan3A_21 = arith.addi %scan3A_19, %scan3A_20 : i32
    %scan3A_22 = arith.constant 1 : i32
    scf.for %scan3A_34 = %scan3A_19 to %scan3A_21 step %scan3A_22  : i32 {
      %dma_start3A = arith.constant 0 : i32
      %dma_start3A_35 = tpu.memref_slice %arg6[%scan3A_34, %dma_start3A] : memref<80x128xi32, #tpu.memory_space<vmem>> -> memref<1x128xi32, #tpu.memory_space<vmem>>
      %dma_start3A_36 = tpu.memref_squeeze %dma_start3A_35 : memref<1x128xi32, #tpu.memory_space<vmem>> -> memref<128xi32, #tpu.memory_space<vmem>>
      %dma_start3A_37 = arith.constant 0 : i32
      %dma_start3A_38 = arith.constant 0 : i32
      %dma_start3A_39 = tpu.memref_slice %arg2[%dma_start3A_37, %dma_start3A_38] : memref<10000x128xf32, #tpu.memory_space<hbm>> -> memref<10000x128xf32, #tpu.memory_space<hbm>>
      tpu.enqueue_indirect_dma source(%dma_start3A_39 : memref<10000x128xf32, #tpu.memory_space<hbm>>) target(%arg8 : memref<128x128xf32, #tpu.memory_space<vmem>>) offsets(%dma_start3A_36 : memref<128xi32, #tpu.memory_space<vmem>>) semaphore(%arg10 : memref<!tpu.dma_semaphore, #tpu.memory_space<semaphore_mem>>)
      %dma_wait3A = arith.constant 0 : i32
      %dma_wait3A_40 = tpu.memref_slice %arg6[%scan3A_34, %dma_wait3A] : memref<80x128xi32, #tpu.memory_space<vmem>> -> memref<1x128xi32, #tpu.memory_space<vmem>>
      %dma_wait3A_41 = tpu.memref_squeeze %dma_wait3A_40 : memref<1x128xi32, #tpu.memory_space<vmem>> -> memref<128xi32, #tpu.memory_space<vmem>>
      %dma_wait3A_42 = arith.constant 0 : i32
      %dma_wait3A_43 = arith.constant 0 : i32
      %dma_wait3A_44 = tpu.memref_slice %arg2[%dma_wait3A_42, %dma_wait3A_43] : memref<10000x128xf32, #tpu.memory_space<hbm>> -> memref<10000x128xf32, #tpu.memory_space<hbm>>
      tpu.wait_indirect_dma semaphore(%arg10 : memref<!tpu.dma_semaphore, #tpu.memory_space<semaphore_mem>>) src(%dma_wait3A_44 : memref<10000x128xf32, #tpu.memory_space<hbm>>) dst(%arg8 : memref<128x128xf32, #tpu.memory_space<vmem>>)
      "tpu.region"() ({
        %run_scoped3A = tpu.sem_alloc : memref<!tpu.dma_semaphore, #tpu.memory_space<semaphore_mem>>
        %dma_start3A_45 = arith.constant 0 : i32
        %dma_start3A_46 = tpu.memref_slice %arg7[%scan3A_34, %dma_start3A_45] : memref<80x128xi32, #tpu.memory_space<vmem>> -> memref<1x128xi32, #tpu.memory_space<vmem>>
        %dma_start3A_47 = tpu.memref_squeeze %dma_start3A_46 : memref<1x128xi32, #tpu.memory_space<vmem>> -> memref<128xi32, #tpu.memory_space<vmem>>
        %dma_start3A_48 = arith.constant 0 : i32
        %dma_start3A_49 = arith.constant 0 : i32
        %dma_start3A_50 = tpu.memref_slice %arg9[%dma_start3A_48, %dma_start3A_49] : memref<10240x128xf32, #tpu.memory_space<vmem_shared>> -> memref<10240x128xf32, #tpu.memory_space<vmem_shared>>
        tpu.enqueue_indirect_dma source(%arg8 : memref<128x128xf32, #tpu.memory_space<vmem>>) target(%dma_start3A_50 : memref<10240x128xf32, #tpu.memory_space<vmem_shared>>) offsets(%dma_start3A_47 : memref<128xi32, #tpu.memory_space<vmem>>) semaphore(%run_scoped3A : memref<!tpu.dma_semaphore, #tpu.memory_space<semaphore_mem>>) {add = true}
        %dma_wait3A_51 = arith.constant 0 : i32
        %dma_wait3A_52 = tpu.memref_slice %arg7[%scan3A_34, %dma_wait3A_51] : memref<80x128xi32, #tpu.memory_space<vmem>> -> memref<1x128xi32, #tpu.memory_space<vmem>>
        %dma_wait3A_53 = tpu.memref_squeeze %dma_wait3A_52 : memref<1x128xi32, #tpu.memory_space<vmem>> -> memref<128xi32, #tpu.memory_space<vmem>>
        %dma_wait3A_54 = arith.constant 0 : i32
        %dma_wait3A_55 = arith.constant 0 : i32
        %dma_wait3A_56 = tpu.memref_slice %arg9[%dma_wait3A_54, %dma_wait3A_55] : memref<10240x128xf32, #tpu.memory_space<vmem_shared>> -> memref<10240x128xf32, #tpu.memory_space<vmem_shared>>
        tpu.wait_indirect_dma semaphore(%run_scoped3A : memref<!tpu.dma_semaphore, #tpu.memory_space<semaphore_mem>>) src(%arg8 : memref<128x128xf32, #tpu.memory_space<vmem>>) dst(%dma_wait3A_56 : memref<10240x128xf32, #tpu.memory_space<vmem_shared>>)
        tpu.yield
      }) : () -> ()
    }
    %scan3A_23 = arith.constant 80 : i32
    %barrier3A_24 = arith.constant 0 : index
    tpu.barrier barrier_id(%barrier3A_24)
    %mul3A_25 = arith.constant 632 : i32
    %mul3A_26 = arith.muli %arg1, %mul3A_25 : i32
    %multiple_of3A_27 = tpu.assume_multiple %mul3A_26, 8 : i32
    %lt3A = arith.constant 15 : i32
    %lt3A_28 = arith.cmpi slt, %arg1, %lt3A : i32
    %convert_element_type3A = arith.extui %lt3A_28 : i1 to i32
    %cond3A = arith.constant 0 : i32
    %cond3A_29 = arith.cmpi ne, %convert_element_type3A, %cond3A : i32
    scf.if %cond3A_29 {
      "tpu.region"() ({
        %run_scoped3A = tpu.sem_alloc : memref<!tpu.dma_semaphore, #tpu.memory_space<semaphore_mem>>
        %dma_start3A = arith.constant 0 : i32
        %dma_start3A_34 = arith.constant 0 : i32
        %dma_start3A_35 = tpu.memref_slice %arg5[%arg0, %dma_start3A, %dma_start3A_34] : memref<2x10000x128xf32, #tpu.memory_space<hbm>> -> memref<1x10000x128xf32, #tpu.memory_space<hbm>>
        %dma_start3A_36 = tpu.memref_squeeze %dma_start3A_35 : memref<1x10000x128xf32, #tpu.memory_space<hbm>> -> memref<10000x128xf32, #tpu.memory_space<hbm>>
        %dma_start3A_37 = arith.constant 0 : i32
        %dma_start3A_38 = tpu.memref_slice %dma_start3A_36[%multiple_of3A_27, %dma_start3A_37] : memref<10000x128xf32, #tpu.memory_space<hbm>> -> memref<632x128xf32, #tpu.memory_space<hbm>>
        %dma_start3A_39 = arith.constant 0 : i32
        %dma_start3A_40 = tpu.memref_slice %arg9[%multiple_of3A_27, %dma_start3A_39] : memref<10240x128xf32, #tpu.memory_space<vmem_shared>> -> memref<632x128xf32, #tpu.memory_space<vmem_shared>>
        tpu.enqueue_dma source(%dma_start3A_40 : memref<632x128xf32, #tpu.memory_space<vmem_shared>>) target(%dma_start3A_38 : memref<632x128xf32, #tpu.memory_space<hbm>>) target_semaphore(%run_scoped3A : memref<!tpu.dma_semaphore, #tpu.memory_space<semaphore_mem>>)
        %dma_wait3A = arith.constant 0 : i32
        %dma_wait3A_41 = arith.constant 0 : i32
        %dma_wait3A_42 = tpu.memref_slice %arg5[%arg0, %dma_wait3A, %dma_wait3A_41] : memref<2x10000x128xf32, #tpu.memory_space<hbm>> -> memref<1x10000x128xf32, #tpu.memory_space<hbm>>
        %dma_wait3A_43 = tpu.memref_squeeze %dma_wait3A_42 : memref<1x10000x128xf32, #tpu.memory_space<hbm>> -> memref<10000x128xf32, #tpu.memory_space<hbm>>
        %dma_wait3A_44 = arith.constant 0 : i32
        %dma_wait3A_45 = tpu.memref_slice %dma_wait3A_43[%multiple_of3A_27, %dma_wait3A_44] : memref<10000x128xf32, #tpu.memory_space<hbm>> -> memref<632x128xf32, #tpu.memory_space<hbm>>
        %dma_wait3A_46 = arith.constant 0 : i32
        %dma_wait3A_47 = tpu.memref_slice %arg9[%multiple_of3A_27, %dma_wait3A_46] : memref<10240x128xf32, #tpu.memory_space<vmem_shared>> -> memref<632x128xf32, #tpu.memory_space<vmem_shared>>
        tpu.wait_dma2 semaphore(%run_scoped3A : memref<!tpu.dma_semaphore, #tpu.memory_space<semaphore_mem>>) src(%dma_wait3A_47 : memref<632x128xf32, #tpu.memory_space<vmem_shared>>) dst(%dma_wait3A_45 : memref<632x128xf32, #tpu.memory_space<hbm>>)
        tpu.yield
      }) : () -> ()
    } else {
    }
    %eq3A = arith.constant 15 : i32
    %eq3A_30 = arith.cmpi eq, %arg1, %eq3A : i32
    %convert_element_type3A_31 = arith.extui %eq3A_30 : i1 to i32
    %cond3A_32 = arith.constant 0 : i32
    %cond3A_33 = arith.cmpi ne, %convert_element_type3A_31, %cond3A_32 : i32
    scf.if %cond3A_33 {
      "tpu.region"() ({
        %run_scoped3A = tpu.sem_alloc : memref<!tpu.dma_semaphore, #tpu.memory_space<semaphore_mem>>
        %dma_start3A = arith.constant 0 : i32
        %dma_start3A_34 = arith.constant 0 : i32
        %dma_start3A_35 = tpu.memref_slice %arg5[%arg0, %dma_start3A, %dma_start3A_34] : memref<2x10000x128xf32, #tpu.memory_space<hbm>> -> memref<1x10000x128xf32, #tpu.memory_space<hbm>>
        %dma_start3A_36 = tpu.memref_squeeze %dma_start3A_35 : memref<1x10000x128xf32, #tpu.memory_space<hbm>> -> memref<10000x128xf32, #tpu.memory_space<hbm>>
        %dma_start3A_37 = arith.constant 9480 : i32
        %dma_start3A_38 = arith.constant 0 : i32
        %dma_start3A_39 = tpu.memref_slice %dma_start3A_36[%dma_start3A_37, %dma_start3A_38] : memref<10000x128xf32, #tpu.memory_space<hbm>> -> memref<520x128xf32, #tpu.memory_space<hbm>>
        %dma_start3A_40 = arith.constant 9480 : i32
        %dma_start3A_41 = arith.constant 0 : i32
        %dma_start3A_42 = tpu.memref_slice %arg9[%dma_start3A_40, %dma_start3A_41] : memref<10240x128xf32, #tpu.memory_space<vmem_shared>> -> memref<520x128xf32, #tpu.memory_space<vmem_shared>>
        tpu.enqueue_dma source(%dma_start3A_42 : memref<520x128xf32, #tpu.memory_space<vmem_shared>>) target(%dma_start3A_39 : memref<520x128xf32, #tpu.memory_space<hbm>>) target_semaphore(%run_scoped3A : memref<!tpu.dma_semaphore, #tpu.memory_space<semaphore_mem>>)
        %dma_wait3A = arith.constant 0 : i32
        %dma_wait3A_43 = arith.constant 0 : i32
        %dma_wait3A_44 = tpu.memref_slice %arg5[%arg0, %dma_wait3A, %dma_wait3A_43] : memref<2x10000x128xf32, #tpu.memory_space<hbm>> -> memref<1x10000x128xf32, #tpu.memory_space<hbm>>
        %dma_wait3A_45 = tpu.memref_squeeze %dma_wait3A_44 : memref<1x10000x128xf32, #tpu.memory_space<hbm>> -> memref<10000x128xf32, #tpu.memory_space<hbm>>
        %dma_wait3A_46 = arith.constant 9480 : i32
        %dma_wait3A_47 = arith.constant 0 : i32
        %dma_wait3A_48 = tpu.memref_slice %dma_wait3A_45[%dma_wait3A_46, %dma_wait3A_47] : memref<10000x128xf32, #tpu.memory_space<hbm>> -> memref<520x128xf32, #tpu.memory_space<hbm>>
        %dma_wait3A_49 = arith.constant 9480 : i32
        %dma_wait3A_50 = arith.constant 0 : i32
        %dma_wait3A_51 = tpu.memref_slice %arg9[%dma_wait3A_49, %dma_wait3A_50] : memref<10240x128xf32, #tpu.memory_space<vmem_shared>> -> memref<520x128xf32, #tpu.memory_space<vmem_shared>>
        tpu.wait_dma2 semaphore(%run_scoped3A : memref<!tpu.dma_semaphore, #tpu.memory_space<semaphore_mem>>) src(%dma_wait3A_51 : memref<520x128xf32, #tpu.memory_space<vmem_shared>>) dst(%dma_wait3A_48 : memref<520x128xf32, #tpu.memory_space<hbm>>)
        tpu.yield
      }) : () -> ()
    } else {
    }
    return
  }
}

module attributes {stable_mosaic.version = 14 : i64} {
  func.func @_tc_scale_body(%arg0: i32, %arg1: memref<2x2000x1xf32, #tpu.memory_space<vmem>>, %arg2: memref<2000x128xf32, #tpu.memory_space<vmem>>, %arg3: memref<2000x128xf32, #tpu.memory_space<vmem>>) attributes {dimension_semantics = [#tpu.dimension_semantics<arbitrary>], iteration_bounds = array<i64: 5>, scalar_prefetch = 0 : i64, scratch_operands = 0 : i64, tpu.core_type = #tpu.core_type<tc>, window_params = [{transform_indices = @transform_0, window_bounds = array<i64: 2, 2000, 1>}, {transform_indices = @transform_1, window_bounds = array<i64: 2000, 128>}, {transform_indices = @transform_2, window_bounds = array<i64: 2000, 128>}]} {
    %get3A = arith.constant 0 : index
    %get3A_0 = arith.constant 0 : index
    %get3A_1 = vector.load %arg2[%get3A, %get3A_0] : memref<2000x128xf32, #tpu.memory_space<vmem>>, vector<2000x128xf32>
    %get3A_2 = arith.constant 0 : index
    %get3A_3 = arith.constant 0 : index
    %get3A_4 = arith.constant 0 : index
    %get3A_5 = vector.load %arg1[%get3A_2, %get3A_3, %get3A_4] : memref<2x2000x1xf32, #tpu.memory_space<vmem>>, vector<1x2000x1xf32>
    %get3A_6 = vector.shape_cast %get3A_5 : vector<1x2000x1xf32> to vector<2000x1xf32>
    %get3A_7 = arith.constant 1 : index
    %get3A_8 = arith.constant 0 : index
    %get3A_9 = arith.constant 0 : index
    %get3A_10 = vector.load %arg1[%get3A_7, %get3A_8, %get3A_9] : memref<2x2000x1xf32, #tpu.memory_space<vmem>>, vector<1x2000x1xf32>
    %get3A_11 = vector.shape_cast %get3A_10 : vector<1x2000x1xf32> to vector<2000x1xf32>
    %add3A = arith.addf %get3A_6, %get3A_11 : vector<2000x1xf32>
    %max3A = arith.constant 1.000000e+00 : f32
    %max3A_12 = vector.broadcast %max3A : f32 to vector<2000x1xf32>
    %max3A_13 = arith.maximumf %add3A, %max3A_12 : vector<2000x1xf32>
    %rsqrt3A = math.rsqrt %max3A_13 : vector<2000x1xf32>
    %mul3A = vector.broadcast %rsqrt3A : vector<2000x1xf32> to vector<2000x128xf32>
    %mul3A_14 = arith.mulf %get3A_1, %mul3A : vector<2000x128xf32>
    %swap3A = arith.constant 0 : index
    %swap3A_15 = arith.constant 0 : index
    %swap3A_16 = vector.load %arg3[%swap3A, %swap3A_15] : memref<2000x128xf32, #tpu.memory_space<vmem>>, vector<2000x128xf32>
    tpu.vector_store %arg3[%swap3A, %swap3A_15], %mul3A_14 {strides = array<i32>} : memref<2000x128xf32, #tpu.memory_space<vmem>>, vector<2000x128xf32>,
    return
  }
  func.func @transform_0(%arg0: i32) -> (i32, i32, i32) {
    %c0_i32 = arith.constant 0 : i32
    %c0_i32_0 = arith.constant 0 : i32
    %c0_i32_1 = arith.constant 0 : i32
    return %c0_i32, %arg0, %c0_i32_0 : i32, i32, i32
  }
  func.func @transform_1(%arg0: i32) -> (i32, i32) {
    %c0_i32 = arith.constant 0 : i32
    %c0_i32_0 = arith.constant 0 : i32
    return %arg0, %c0_i32 : i32, i32
  }
  func.func @transform_2(%arg0: i32) -> (i32, i32) {
    %c0_i32 = arith.constant 0 : i32
    %c0_i32_0 = arith.constant 0 : i32
    return %arg0, %c0_i32 : i32, i32
  }
}

module attributes {stable_mosaic.version = 14 : i64} {
  func.func @_tc_mid_body(%arg0: i32, %arg1: memref<2x2000x1xf32, #tpu.memory_space<vmem>>, %arg2: memref<2x2000x128xf32, #tpu.memory_space<vmem>>, %arg3: memref<2000x128xf32, #tpu.memory_space<vmem>>) attributes {dimension_semantics = [#tpu.dimension_semantics<arbitrary>], iteration_bounds = array<i64: 5>, scalar_prefetch = 0 : i64, scratch_operands = 0 : i64, tpu.core_type = #tpu.core_type<tc>, window_params = [{transform_indices = @transform_0, window_bounds = array<i64: 2, 2000, 1>}, {transform_indices = @transform_1, window_bounds = array<i64: 2, 2000, 128>}, {transform_indices = @transform_2, window_bounds = array<i64: 2000, 128>}]} {
    %get3A = arith.constant 0 : index
    %get3A_0 = arith.constant 0 : index
    %get3A_1 = arith.constant 0 : index
    %get3A_2 = vector.load %arg1[%get3A, %get3A_0, %get3A_1] : memref<2x2000x1xf32, #tpu.memory_space<vmem>>, vector<1x2000x1xf32>
    %get3A_3 = vector.shape_cast %get3A_2 : vector<1x2000x1xf32> to vector<2000x1xf32>
    %get3A_4 = arith.constant 1 : index
    %get3A_5 = arith.constant 0 : index
    %get3A_6 = arith.constant 0 : index
    %get3A_7 = vector.load %arg1[%get3A_4, %get3A_5, %get3A_6] : memref<2x2000x1xf32, #tpu.memory_space<vmem>>, vector<1x2000x1xf32>
    %get3A_8 = vector.shape_cast %get3A_7 : vector<1x2000x1xf32> to vector<2000x1xf32>
    %add3A = arith.addf %get3A_3, %get3A_8 : vector<2000x1xf32>
    %max3A = arith.constant 1.000000e+00 : f32
    %max3A_9 = vector.broadcast %max3A : f32 to vector<2000x1xf32>
    %max3A_10 = arith.maximumf %add3A, %max3A_9 : vector<2000x1xf32>
    %rsqrt3A = math.rsqrt %max3A_10 : vector<2000x1xf32>
    %get3A_11 = arith.constant 0 : index
    %get3A_12 = arith.constant 0 : index
    %get3A_13 = arith.constant 0 : index
    %get3A_14 = vector.load %arg2[%get3A_11, %get3A_12, %get3A_13] : memref<2x2000x128xf32, #tpu.memory_space<vmem>>, vector<1x2000x128xf32>
    %get3A_15 = vector.shape_cast %get3A_14 : vector<1x2000x128xf32> to vector<2000x128xf32>
    %get3A_16 = arith.constant 1 : index
    %get3A_17 = arith.constant 0 : index
    %get3A_18 = arith.constant 0 : index
    %get3A_19 = vector.load %arg2[%get3A_16, %get3A_17, %get3A_18] : memref<2x2000x128xf32, #tpu.memory_space<vmem>>, vector<1x2000x128xf32>
    %get3A_20 = vector.shape_cast %get3A_19 : vector<1x2000x128xf32> to vector<2000x128xf32>
    %add3A_21 = arith.addf %get3A_15, %get3A_20 : vector<2000x128xf32>
    %mul3A = vector.broadcast %rsqrt3A : vector<2000x1xf32> to vector<2000x128xf32>
    %mul3A_22 = arith.mulf %add3A_21, %mul3A : vector<2000x128xf32>
    %mul3A_23 = vector.broadcast %rsqrt3A : vector<2000x1xf32> to vector<2000x128xf32>
    %mul3A_24 = arith.mulf %mul3A_22, %mul3A_23 : vector<2000x128xf32>
    %swap3A = arith.constant 0 : index
    %swap3A_25 = arith.constant 0 : index
    %swap3A_26 = vector.load %arg3[%swap3A, %swap3A_25] : memref<2000x128xf32, #tpu.memory_space<vmem>>, vector<2000x128xf32>
    tpu.vector_store %arg3[%swap3A, %swap3A_25], %mul3A_24 {strides = array<i32>} : memref<2000x128xf32, #tpu.memory_space<vmem>>, vector<2000x128xf32>,
    return
  }
  func.func @transform_0(%arg0: i32) -> (i32, i32, i32) {
    %c0_i32 = arith.constant 0 : i32
    %c0_i32_0 = arith.constant 0 : i32
    %c0_i32_1 = arith.constant 0 : i32
    return %c0_i32, %arg0, %c0_i32_0 : i32, i32, i32
  }
  func.func @transform_1(%arg0: i32) -> (i32, i32, i32) {
    %c0_i32 = arith.constant 0 : i32
    %c0_i32_0 = arith.constant 0 : i32
    %c0_i32_1 = arith.constant 0 : i32
    return %c0_i32, %arg0, %c0_i32_0 : i32, i32, i32
  }
  func.func @transform_2(%arg0: i32) -> (i32, i32) {
    %c0_i32 = arith.constant 0 : i32
    %c0_i32_0 = arith.constant 0 : i32
    return %arg0, %c0_i32 : i32, i32
  }
}

module attributes {stable_mosaic.version = 14 : i64} {
  func.func @_tc_combine_body(%arg0: i32, %arg1: memref<2x2000x1xf32, #tpu.memory_space<vmem>>, %arg2: memref<2000x128xf32, #tpu.memory_space<vmem>>, %arg3: memref<2x2000x128xf32, #tpu.memory_space<vmem>>, %arg4: memref<2x2000x128xf32, #tpu.memory_space<vmem>>, %arg5: memref<3x128x128xf32, #tpu.memory_space<vmem>>, %arg6: memref<1x128xf32, #tpu.memory_space<vmem>>, %arg7: memref<2000x128xf32, #tpu.memory_space<vmem>>, %arg8: memref<2000x128xf32, #tpu.memory_space<vmem>>) attributes {dimension_semantics = [#tpu.dimension_semantics<arbitrary>], iteration_bounds = array<i64: 5>, scalar_prefetch = 0 : i64, scratch_operands = 0 : i64, tpu.core_type = #tpu.core_type<tc>, window_params = [{transform_indices = @transform_0, window_bounds = array<i64: 2, 2000, 1>}, {transform_indices = @transform_1, window_bounds = array<i64: 2000, 128>}, {transform_indices = @transform_2, window_bounds = array<i64: 2, 2000, 128>}, {transform_indices = @transform_3, window_bounds = array<i64: 2, 2000, 128>}, {pipeline_mode = #tpu.pipeline_mode<synchronous>, transform_indices = @transform_4, window_bounds = array<i64: 3, 128, 128>}, {pipeline_mode = #tpu.pipeline_mode<synchronous>, transform_indices = @transform_5, window_bounds = array<i64: 1, 128>}, {transform_indices = @transform_6, window_bounds = array<i64: 2000, 128>}, {transform_indices = @transform_7, window_bounds = array<i64: 2000, 128>}]} {
    %get3A = arith.constant 0 : index
    %get3A_0 = arith.constant 0 : index
    %get3A_1 = arith.constant 0 : index
    %get3A_2 = vector.load %arg1[%get3A, %get3A_0, %get3A_1] : memref<2x2000x1xf32, #tpu.memory_space<vmem>>, vector<1x2000x1xf32>
    %get3A_3 = vector.shape_cast %get3A_2 : vector<1x2000x1xf32> to vector<2000x1xf32>
    %get3A_4 = arith.constant 1 : index
    %get3A_5 = arith.constant 0 : index
    %get3A_6 = arith.constant 0 : index
    %get3A_7 = vector.load %arg1[%get3A_4, %get3A_5, %get3A_6] : memref<2x2000x1xf32, #tpu.memory_space<vmem>>, vector<1x2000x1xf32>
    %get3A_8 = vector.shape_cast %get3A_7 : vector<1x2000x1xf32> to vector<2000x1xf32>
    %add3A = arith.addf %get3A_3, %get3A_8 : vector<2000x1xf32>
    %max3A = arith.constant 1.000000e+00 : f32
    %max3A_9 = vector.broadcast %max3A : f32 to vector<2000x1xf32>
    %max3A_10 = arith.maximumf %add3A, %max3A_9 : vector<2000x1xf32>
    %rsqrt3A = math.rsqrt %max3A_10 : vector<2000x1xf32>
    %get3A_11 = arith.constant 0 : index
    %get3A_12 = arith.constant 0 : index
    %get3A_13 = vector.load %arg2[%get3A_11, %get3A_12] : memref<2000x128xf32, #tpu.memory_space<vmem>>, vector<2000x128xf32>
    %get3A_14 = arith.constant 0 : index
    %get3A_15 = arith.constant 0 : index
    %get3A_16 = arith.constant 0 : index
    %get3A_17 = vector.load %arg3[%get3A_14, %get3A_15, %get3A_16] : memref<2x2000x128xf32, #tpu.memory_space<vmem>>, vector<1x2000x128xf32>
    %get3A_18 = vector.shape_cast %get3A_17 : vector<1x2000x128xf32> to vector<2000x128xf32>
    %get3A_19 = arith.constant 1 : index
    %get3A_20 = arith.constant 0 : index
    %get3A_21 = arith.constant 0 : index
    %get3A_22 = vector.load %arg3[%get3A_19, %get3A_20, %get3A_21] : memref<2x2000x128xf32, #tpu.memory_space<vmem>>, vector<1x2000x128xf32>
    %get3A_23 = vector.shape_cast %get3A_22 : vector<1x2000x128xf32> to vector<2000x128xf32>
    %add3A_24 = arith.addf %get3A_18, %get3A_23 : vector<2000x128xf32>
    %mul3A = vector.broadcast %rsqrt3A : vector<2000x1xf32> to vector<2000x128xf32>
    %mul3A_25 = arith.mulf %add3A_24, %mul3A : vector<2000x128xf32>
    %neg3A = arith.constant 0.000000e+00 : f32
    %neg3A_26 = vector.broadcast %neg3A : f32 to vector<2000x128xf32>
    %neg3A_27 = arith.subf %neg3A_26, %mul3A_25 : vector<2000x128xf32>
    %get3A_28 = arith.constant 0 : index
    %get3A_29 = arith.constant 0 : index
    %get3A_30 = arith.constant 0 : index
    %get3A_31 = vector.load %arg4[%get3A_28, %get3A_29, %get3A_30] : memref<2x2000x128xf32, #tpu.memory_space<vmem>>, vector<1x2000x128xf32>
    %get3A_32 = vector.shape_cast %get3A_31 : vector<1x2000x128xf32> to vector<2000x128xf32>
    %get3A_33 = arith.constant 1 : index
    %get3A_34 = arith.constant 0 : index
    %get3A_35 = arith.constant 0 : index
    %get3A_36 = vector.load %arg4[%get3A_33, %get3A_34, %get3A_35] : memref<2x2000x128xf32, #tpu.memory_space<vmem>>, vector<1x2000x128xf32>
    %get3A_37 = vector.shape_cast %get3A_36 : vector<1x2000x128xf32> to vector<2000x128xf32>
    %add3A_38 = arith.addf %get3A_32, %get3A_37 : vector<2000x128xf32>
    %mul3A_39 = vector.broadcast %rsqrt3A : vector<2000x1xf32> to vector<2000x128xf32>
    %mul3A_40 = arith.mulf %add3A_38, %mul3A_39 : vector<2000x128xf32>
    %mul3A_41 = arith.constant 2.000000e+00 : f32
    %mul3A_42 = vector.broadcast %mul3A_41 : f32 to vector<2000x128xf32>
    %mul3A_43 = arith.mulf %mul3A_42, %mul3A_40 : vector<2000x128xf32>
    %sub3A = arith.subf %mul3A_43, %get3A_13 : vector<2000x128xf32>
    %get3A_44 = arith.constant 0 : index
    %get3A_45 = arith.constant 0 : index
    %get3A_46 = arith.constant 0 : index
    %get3A_47 = vector.load %arg5[%get3A_44, %get3A_45, %get3A_46] : memref<3x128x128xf32, #tpu.memory_space<vmem>>, vector<1x128x128xf32>
    %get3A_48 = vector.shape_cast %get3A_47 : vector<1x128x128xf32> to vector<128x128xf32>
    %dot_general3A = arith.constant dense<0.000000e+00> : vector<2000x128xf32>
    %dot_general3A_49 = tpu.matmul %get3A_13, %get3A_48, %dot_general3A {dimension_numbers = #tpu.dot_dimension_numbers<[1], [0], [0], [1], [0, 0, 1, 1], [], []>, transpose_lhs_hint = false} : vector<2000x128xf32>, vector<128x128xf32>, vector<2000x128xf32> -> vector<2000x128xf32>
    %get3A_50 = arith.constant 1 : index
    %get3A_51 = arith.constant 0 : index
    %get3A_52 = arith.constant 0 : index
    %get3A_53 = vector.load %arg5[%get3A_50, %get3A_51, %get3A_52] : memref<3x128x128xf32, #tpu.memory_space<vmem>>, vector<1x128x128xf32>
    %get3A_54 = vector.shape_cast %get3A_53 : vector<1x128x128xf32> to vector<128x128xf32>
    %dot_general3A_55 = arith.constant dense<0.000000e+00> : vector<2000x128xf32>
    %dot_general3A_56 = tpu.matmul %neg3A_27, %get3A_54, %dot_general3A_55 {dimension_numbers = #tpu.dot_dimension_numbers<[1], [0], [0], [1], [0, 0, 1, 1], [], []>, transpose_lhs_hint = false} : vector<2000x128xf32>, vector<128x128xf32>, vector<2000x128xf32> -> vector<2000x128xf32>
    %add3A_57 = arith.addf %dot_general3A_49, %dot_general3A_56 : vector<2000x128xf32>
    %get3A_58 = arith.constant 2 : index
    %get3A_59 = arith.constant 0 : index
    %get3A_60 = arith.constant 0 : index
    %get3A_61 = vector.load %arg5[%get3A_58, %get3A_59, %get3A_60] : memref<3x128x128xf32, #tpu.memory_space<vmem>>, vector<1x128x128xf32>
    %get3A_62 = vector.shape_cast %get3A_61 : vector<1x128x128xf32> to vector<128x128xf32>
    %dot_general3A_63 = arith.constant dense<0.000000e+00> : vector<2000x128xf32>
    %dot_general3A_64 = tpu.matmul %sub3A, %get3A_62, %dot_general3A_63 {dimension_numbers = #tpu.dot_dimension_numbers<[1], [0], [0], [1], [0, 0, 1, 1], [], []>, transpose_lhs_hint = false} : vector<2000x128xf32>, vector<128x128xf32>, vector<2000x128xf32> -> vector<2000x128xf32>
    %add3A_65 = arith.addf %add3A_57, %dot_general3A_64 : vector<2000x128xf32>
    %get3A_66 = arith.constant 0 : index
    %get3A_67 = arith.constant 0 : index
    %get3A_68 = vector.load %arg6[%get3A_66, %get3A_67] : memref<1x128xf32, #tpu.memory_space<vmem>>, vector<1x128xf32>
    %add3A_69 = vector.broadcast %get3A_68 : vector<1x128xf32> to vector<2000x128xf32>
    %add3A_70 = arith.addf %add3A_65, %add3A_69 : vector<2000x128xf32>
    %ge3A = arith.constant 0.000000e+00 : f32
    %ge3A_71 = vector.broadcast %ge3A : f32 to vector<2000x128xf32>
    %ge3A_72 = arith.cmpf oge, %add3A_70, %ge3A_71 : vector<2000x128xf32>
    %mul3A_73 = arith.constant 0.00999999977 : f32
    %mul3A_74 = vector.broadcast %mul3A_73 : f32 to vector<2000x128xf32>
    %mul3A_75 = arith.mulf %mul3A_74, %add3A_70 : vector<2000x128xf32>
    %select_n3A = arith.select %ge3A_72, %add3A_70, %mul3A_75 : vector<2000x128xi1>, vector<2000x128xf32>
    %swap3A = arith.constant 0 : index
    %swap3A_76 = arith.constant 0 : index
    %swap3A_77 = vector.load %arg7[%swap3A, %swap3A_76] : memref<2000x128xf32, #tpu.memory_space<vmem>>, vector<2000x128xf32>
    tpu.vector_store %arg7[%swap3A, %swap3A_76], %select_n3A {strides = array<i32>} : memref<2000x128xf32, #tpu.memory_space<vmem>>, vector<2000x128xf32>,
    %mul3A_78 = vector.broadcast %rsqrt3A : vector<2000x1xf32> to vector<2000x128xf32>
    %mul3A_79 = arith.mulf %select_n3A, %mul3A_78 : vector<2000x128xf32>
    %swap3A_80 = arith.constant 0 : index
    %swap3A_81 = arith.constant 0 : index
    %swap3A_82 = vector.load %arg8[%swap3A_80, %swap3A_81] : memref<2000x128xf32, #tpu.memory_space<vmem>>, vector<2000x128xf32>
    tpu.vector_store %arg8[%swap3A_80, %swap3A_81], %mul3A_79 {strides = array<i32>} : memref<2000x128xf32, #tpu.memory_space<vmem>>, vector<2000x128xf32>,
    return
  }
  func.func @transform_0(%arg0: i32) -> (i32, i32, i32) {
    %c0_i32 = arith.constant 0 : i32
    %c0_i32_0 = arith.constant 0 : i32
    %c0_i32_1 = arith.constant 0 : i32
    return %c0_i32, %arg0, %c0_i32_0 : i32, i32, i32
  }
  func.func @transform_1(%arg0: i32) -> (i32, i32) {
    %c0_i32 = arith.constant 0 : i32
    %c0_i32_0 = arith.constant 0 : i32
    return %arg0, %c0_i32 : i32, i32
  }
  func.func @transform_2(%arg0: i32) -> (i32, i32, i32) {
    %c0_i32 = arith.constant 0 : i32
    %c0_i32_0 = arith.constant 0 : i32
    %c0_i32_1 = arith.constant 0 : i32
    return %c0_i32, %arg0, %c0_i32_0 : i32, i32, i32
  }
  func.func @transform_3(%arg0: i32) -> (i32, i32, i32) {
    %c0_i32 = arith.constant 0 : i32
    %c0_i32_0 = arith.constant 0 : i32
    %c0_i32_1 = arith.constant 0 : i32
    return %c0_i32, %arg0, %c0_i32_0 : i32, i32, i32
  }
  func.func @transform_4(%arg0: i32) -> (i32, i32, i32) {
    %c0_i32 = arith.constant 0 : i32
    %c0_i32_0 = arith.constant 0 : i32
    %c0_i32_1 = arith.constant 0 : i32
    %c0_i32_2 = arith.constant 0 : i32
    return %c0_i32, %c0_i32_0, %c0_i32_1 : i32, i32, i32
  }
  func.func @transform_5(%arg0: i32) -> (i32, i32) {
    %c0_i32 = arith.constant 0 : i32
    %c0_i32_0 = arith.constant 0 : i32
    %c0_i32_1 = arith.constant 0 : i32
    return %c0_i32, %c0_i32_0 : i32, i32
  }
  func.func @transform_6(%arg0: i32) -> (i32, i32) {
    %c0_i32 = arith.constant 0 : i32
    %c0_i32_0 = arith.constant 0 : i32
    return %arg0, %c0_i32 : i32, i32
  }
  func.func @transform_7(%arg0: i32) -> (i32, i32) {
    %c0_i32 = arith.constant 0 : i32
    %c0_i32_0 = arith.constant 0 : i32
    return %arg0, %c0_i32 : i32, i32
  }
}

module attributes {stable_mosaic.version = 14 : i64} {
  func.func @_tc_final_body(%arg0: i32, %arg1: memref<2x2000x1xf32, #tpu.memory_space<vmem>>, %arg2: memref<2000x128xf32, #tpu.memory_space<vmem>>, %arg3: memref<2x2000x128xf32, #tpu.memory_space<vmem>>, %arg4: memref<2x2000x128xf32, #tpu.memory_space<vmem>>, %arg5: memref<3x128x128xf32, #tpu.memory_space<vmem>>, %arg6: memref<1x128xf32, #tpu.memory_space<vmem>>, %arg7: memref<128x1xf32, #tpu.memory_space<vmem>>, %arg8: memref<1x1xf32, #tpu.memory_space<vmem>>, %arg9: memref<2000x1xf32, #tpu.memory_space<vmem>>) attributes {dimension_semantics = [#tpu.dimension_semantics<arbitrary>], iteration_bounds = array<i64: 5>, scalar_prefetch = 0 : i64, scratch_operands = 0 : i64, tpu.core_type = #tpu.core_type<tc>, window_params = [{transform_indices = @transform_0, window_bounds = array<i64: 2, 2000, 1>}, {transform_indices = @transform_1, window_bounds = array<i64: 2000, 128>}, {transform_indices = @transform_2, window_bounds = array<i64: 2, 2000, 128>}, {transform_indices = @transform_3, window_bounds = array<i64: 2, 2000, 128>}, {pipeline_mode = #tpu.pipeline_mode<synchronous>, transform_indices = @transform_4, window_bounds = array<i64: 3, 128, 128>}, {pipeline_mode = #tpu.pipeline_mode<synchronous>, transform_indices = @transform_5, window_bounds = array<i64: 1, 128>}, {pipeline_mode = #tpu.pipeline_mode<synchronous>, transform_indices = @transform_6, window_bounds = array<i64: 128, 1>}, {pipeline_mode = #tpu.pipeline_mode<synchronous>, transform_indices = @transform_7, window_bounds = array<i64: 1, 1>}, {transform_indices = @transform_8, window_bounds = array<i64: 2000, 1>}]} {
    %get3A = arith.constant 0 : index
    %get3A_0 = arith.constant 0 : index
    %get3A_1 = arith.constant 0 : index
    %get3A_2 = vector.load %arg1[%get3A, %get3A_0, %get3A_1] : memref<2x2000x1xf32, #tpu.memory_space<vmem>>, vector<1x2000x1xf32>
    %get3A_3 = vector.shape_cast %get3A_2 : vector<1x2000x1xf32> to vector<2000x1xf32>
    %get3A_4 = arith.constant 1 : index
    %get3A_5 = arith.constant 0 : index
    %get3A_6 = arith.constant 0 : index
    %get3A_7 = vector.load %arg1[%get3A_4, %get3A_5, %get3A_6] : memref<2x2000x1xf32, #tpu.memory_space<vmem>>, vector<1x2000x1xf32>
    %get3A_8 = vector.shape_cast %get3A_7 : vector<1x2000x1xf32> to vector<2000x1xf32>
    %add3A = arith.addf %get3A_3, %get3A_8 : vector<2000x1xf32>
    %max3A = arith.constant 1.000000e+00 : f32
    %max3A_9 = vector.broadcast %max3A : f32 to vector<2000x1xf32>
    %max3A_10 = arith.maximumf %add3A, %max3A_9 : vector<2000x1xf32>
    %rsqrt3A = math.rsqrt %max3A_10 : vector<2000x1xf32>
    %get3A_11 = arith.constant 0 : index
    %get3A_12 = arith.constant 0 : index
    %get3A_13 = vector.load %arg2[%get3A_11, %get3A_12] : memref<2000x128xf32, #tpu.memory_space<vmem>>, vector<2000x128xf32>
    %get3A_14 = arith.constant 0 : index
    %get3A_15 = arith.constant 0 : index
    %get3A_16 = arith.constant 0 : index
    %get3A_17 = vector.load %arg3[%get3A_14, %get3A_15, %get3A_16] : memref<2x2000x128xf32, #tpu.memory_space<vmem>>, vector<1x2000x128xf32>
    %get3A_18 = vector.shape_cast %get3A_17 : vector<1x2000x128xf32> to vector<2000x128xf32>
    %get3A_19 = arith.constant 1 : index
    %get3A_20 = arith.constant 0 : index
    %get3A_21 = arith.constant 0 : index
    %get3A_22 = vector.load %arg3[%get3A_19, %get3A_20, %get3A_21] : memref<2x2000x128xf32, #tpu.memory_space<vmem>>, vector<1x2000x128xf32>
    %get3A_23 = vector.shape_cast %get3A_22 : vector<1x2000x128xf32> to vector<2000x128xf32>
    %add3A_24 = arith.addf %get3A_18, %get3A_23 : vector<2000x128xf32>
    %mul3A = vector.broadcast %rsqrt3A : vector<2000x1xf32> to vector<2000x128xf32>
    %mul3A_25 = arith.mulf %add3A_24, %mul3A : vector<2000x128xf32>
    %neg3A = arith.constant 0.000000e+00 : f32
    %neg3A_26 = vector.broadcast %neg3A : f32 to vector<2000x128xf32>
    %neg3A_27 = arith.subf %neg3A_26, %mul3A_25 : vector<2000x128xf32>
    %get3A_28 = arith.constant 0 : index
    %get3A_29 = arith.constant 0 : index
    %get3A_30 = arith.constant 0 : index
    %get3A_31 = vector.load %arg4[%get3A_28, %get3A_29, %get3A_30] : memref<2x2000x128xf32, #tpu.memory_space<vmem>>, vector<1x2000x128xf32>
    %get3A_32 = vector.shape_cast %get3A_31 : vector<1x2000x128xf32> to vector<2000x128xf32>
    %get3A_33 = arith.constant 1 : index
    %get3A_34 = arith.constant 0 : index
    %get3A_35 = arith.constant 0 : index
    %get3A_36 = vector.load %arg4[%get3A_33, %get3A_34, %get3A_35] : memref<2x2000x128xf32, #tpu.memory_space<vmem>>, vector<1x2000x128xf32>
    %get3A_37 = vector.shape_cast %get3A_36 : vector<1x2000x128xf32> to vector<2000x128xf32>
    %add3A_38 = arith.addf %get3A_32, %get3A_37 : vector<2000x128xf32>
    %mul3A_39 = vector.broadcast %rsqrt3A : vector<2000x1xf32> to vector<2000x128xf32>
    %mul3A_40 = arith.mulf %add3A_38, %mul3A_39 : vector<2000x128xf32>
    %mul3A_41 = arith.constant 2.000000e+00 : f32
    %mul3A_42 = vector.broadcast %mul3A_41 : f32 to vector<2000x128xf32>
    %mul3A_43 = arith.mulf %mul3A_42, %mul3A_40 : vector<2000x128xf32>
    %sub3A = arith.subf %mul3A_43, %get3A_13 : vector<2000x128xf32>
    %get3A_44 = arith.constant 0 : index
    %get3A_45 = arith.constant 0 : index
    %get3A_46 = arith.constant 0 : index
    %get3A_47 = vector.load %arg5[%get3A_44, %get3A_45, %get3A_46] : memref<3x128x128xf32, #tpu.memory_space<vmem>>, vector<1x128x128xf32>
    %get3A_48 = vector.shape_cast %get3A_47 : vector<1x128x128xf32> to vector<128x128xf32>
    %dot_general3A = arith.constant dense<0.000000e+00> : vector<2000x128xf32>
    %dot_general3A_49 = tpu.matmul %get3A_13, %get3A_48, %dot_general3A {dimension_numbers = #tpu.dot_dimension_numbers<[1], [0], [0], [1], [0, 0, 1, 1], [], []>, transpose_lhs_hint = false} : vector<2000x128xf32>, vector<128x128xf32>, vector<2000x128xf32> -> vector<2000x128xf32>
    %get3A_50 = arith.constant 1 : index
    %get3A_51 = arith.constant 0 : index
    %get3A_52 = arith.constant 0 : index
    %get3A_53 = vector.load %arg5[%get3A_50, %get3A_51, %get3A_52] : memref<3x128x128xf32, #tpu.memory_space<vmem>>, vector<1x128x128xf32>
    %get3A_54 = vector.shape_cast %get3A_53 : vector<1x128x128xf32> to vector<128x128xf32>
    %dot_general3A_55 = arith.constant dense<0.000000e+00> : vector<2000x128xf32>
    %dot_general3A_56 = tpu.matmul %neg3A_27, %get3A_54, %dot_general3A_55 {dimension_numbers = #tpu.dot_dimension_numbers<[1], [0], [0], [1], [0, 0, 1, 1], [], []>, transpose_lhs_hint = false} : vector<2000x128xf32>, vector<128x128xf32>, vector<2000x128xf32> -> vector<2000x128xf32>
    %add3A_57 = arith.addf %dot_general3A_49, %dot_general3A_56 : vector<2000x128xf32>
    %get3A_58 = arith.constant 2 : index
    %get3A_59 = arith.constant 0 : index
    %get3A_60 = arith.constant 0 : index
    %get3A_61 = vector.load %arg5[%get3A_58, %get3A_59, %get3A_60] : memref<3x128x128xf32, #tpu.memory_space<vmem>>, vector<1x128x128xf32>
    %get3A_62 = vector.shape_cast %get3A_61 : vector<1x128x128xf32> to vector<128x128xf32>
    %dot_general3A_63 = arith.constant dense<0.000000e+00> : vector<2000x128xf32>
    %dot_general3A_64 = tpu.matmul %sub3A, %get3A_62, %dot_general3A_63 {dimension_numbers = #tpu.dot_dimension_numbers<[1], [0], [0], [1], [0, 0, 1, 1], [], []>, transpose_lhs_hint = false} : vector<2000x128xf32>, vector<128x128xf32>, vector<2000x128xf32> -> vector<2000x128xf32>
    %add3A_65 = arith.addf %add3A_57, %dot_general3A_64 : vector<2000x128xf32>
    %get3A_66 = arith.constant 0 : index
    %get3A_67 = arith.constant 0 : index
    %get3A_68 = vector.load %arg6[%get3A_66, %get3A_67] : memref<1x128xf32, #tpu.memory_space<vmem>>, vector<1x128xf32>
    %add3A_69 = vector.broadcast %get3A_68 : vector<1x128xf32> to vector<2000x128xf32>
    %add3A_70 = arith.addf %add3A_65, %add3A_69 : vector<2000x128xf32>
    %ge3A = arith.constant 0.000000e+00 : f32
    %ge3A_71 = vector.broadcast %ge3A : f32 to vector<2000x128xf32>
    %ge3A_72 = arith.cmpf oge, %add3A_70, %ge3A_71 : vector<2000x128xf32>
    %mul3A_73 = arith.constant 0.00999999977 : f32
    %mul3A_74 = vector.broadcast %mul3A_73 : f32 to vector<2000x128xf32>
    %mul3A_75 = arith.mulf %mul3A_74, %add3A_70 : vector<2000x128xf32>
    %select_n3A = arith.select %ge3A_72, %add3A_70, %mul3A_75 : vector<2000x128xi1>, vector<2000x128xf32>
    %get3A_76 = arith.constant 0 : index
    %get3A_77 = arith.constant 0 : index
    %get3A_78 = vector.load %arg7[%get3A_76, %get3A_77] : memref<128x1xf32, #tpu.memory_space<vmem>>, vector<128x1xf32>
    %dot_general3A_79 = arith.constant dense<0.000000e+00> : vector<2000x1xf32>
    %dot_general3A_80 = tpu.matmul %select_n3A, %get3A_78, %dot_general3A_79 {dimension_numbers = #tpu.dot_dimension_numbers<[1], [0], [0], [1], [0, 0, 1, 1], [], []>, transpose_lhs_hint = false} : vector<2000x128xf32>, vector<128x1xf32>, vector<2000x1xf32> -> vector<2000x1xf32>
    %get3A_81 = arith.constant 0 : index
    %get3A_82 = arith.constant 0 : index
    %get3A_83 = vector.load %arg8[%get3A_81, %get3A_82] : memref<1x1xf32, #tpu.memory_space<vmem>>, vector<1x1xf32>
    %add3A_84 = vector.broadcast %get3A_83 : vector<1x1xf32> to vector<2000x1xf32>
    %add3A_85 = arith.addf %dot_general3A_80, %add3A_84 : vector<2000x1xf32>
    %swap3A = arith.constant 0 : index
    %swap3A_86 = arith.constant 0 : index
    %swap3A_87 = vector.load %arg9[%swap3A, %swap3A_86] : memref<2000x1xf32, #tpu.memory_space<vmem>>, vector<2000x1xf32>
    tpu.vector_store %arg9[%swap3A, %swap3A_86], %add3A_85 {strides = array<i32>} : memref<2000x1xf32, #tpu.memory_space<vmem>>, vector<2000x1xf32>,
    return
  }
  func.func @transform_0(%arg0: i32) -> (i32, i32, i32) {
    %c0_i32 = arith.constant 0 : i32
    %c0_i32_0 = arith.constant 0 : i32
    %c0_i32_1 = arith.constant 0 : i32
    return %c0_i32, %arg0, %c0_i32_0 : i32, i32, i32
  }
  func.func @transform_1(%arg0: i32) -> (i32, i32) {
    %c0_i32 = arith.constant 0 : i32
    %c0_i32_0 = arith.constant 0 : i32
    return %arg0, %c0_i32 : i32, i32
  }
  func.func @transform_2(%arg0: i32) -> (i32, i32, i32) {
    %c0_i32 = arith.constant 0 : i32
    %c0_i32_0 = arith.constant 0 : i32
    %c0_i32_1 = arith.constant 0 : i32
    return %c0_i32, %arg0, %c0_i32_0 : i32, i32, i32
  }
  func.func @transform_3(%arg0: i32) -> (i32, i32, i32) {
    %c0_i32 = arith.constant 0 : i32
    %c0_i32_0 = arith.constant 0 : i32
    %c0_i32_1 = arith.constant 0 : i32
    return %c0_i32, %arg0, %c0_i32_0 : i32, i32, i32
  }
  func.func @transform_4(%arg0: i32) -> (i32, i32, i32) {
    %c0_i32 = arith.constant 0 : i32
    %c0_i32_0 = arith.constant 0 : i32
    %c0_i32_1 = arith.constant 0 : i32
    %c0_i32_2 = arith.constant 0 : i32
    return %c0_i32, %c0_i32_0, %c0_i32_1 : i32, i32, i32
  }
  func.func @transform_5(%arg0: i32) -> (i32, i32) {
    %c0_i32 = arith.constant 0 : i32
    %c0_i32_0 = arith.constant 0 : i32
    %c0_i32_1 = arith.constant 0 : i32
    return %c0_i32, %c0_i32_0 : i32, i32
  }
  func.func @transform_6(%arg0: i32) -> (i32, i32) {
    %c0_i32 = arith.constant 0 : i32
    %c0_i32_0 = arith.constant 0 : i32
    %c0_i32_1 = arith.constant 0 : i32
    return %c0_i32, %c0_i32_0 : i32, i32
  }
  func.func @transform_7(%arg0: i32) -> (i32, i32) {
    %c0_i32 = arith.constant 0 : i32
    %c0_i32_0 = arith.constant 0 : i32
    %c0_i32_1 = arith.constant 0 : i32
    return %c0_i32, %c0_i32_0 : i32, i32
  }
  func.func @transform_8(%arg0: i32) -> (i32, i32) {
    %c0_i32 = arith.constant 0 : i32
    %c0_i32_0 = arith.constant 0 : i32
    return %arg0, %c0_i32 : i32, i32
  }
}

</mosaic_0001>

<sc_bundles>
// kernel: kernel.12.cloned.1.call-start
scs
__scs_entry_jumppad:
0x0: {  	(pc) =	sbr.rel $0x88, $3  }
0x1: {  	(tag) =	ssettag $0x0;
	lr =	simm.s32 $0x1  }
0x2: {  	[smem:$0x3F99] =	sst lr;
	_ =	strace $0xD0000000  }
0x3: {  	_ = 	snop  }
0x4: {  	_ = 	snop  }
0x5: {  	_ = 	snop  }
0x6: {  	_ = 	snop  }
0x7: {  	_ = 	snop  }
__scs_overlays_trampoline_lowered:
0x8: {  	[smem:$0x3FA8] =	sst s0  }
0x9: {  	[smem:$0x3FA9] =	sst s1  }
0xa: {  	[smem:$0x3FAA] =	sst s2  }
0xb: {  	[smem:$0x3FAB] =	sst s3  }
0xc: {  	[smem:$0x3FAC] =	sst s4  }
0xd: {  	[smem:$0x3FAD] =	sst s5  }
0xe: {  	[smem:$0x3FAE] =	sst s6  }
0xf: {  	[smem:$0x3FAF] =	sst s7  }
0x10: {  	[smem:$0x3FB0] =	sst s8  }
0x11: {  	[smem:$0x3FB1] =	sst s9;
	s0 =	simm.s32 @!p0 $0x0  }
0x12: {  	s1 =	sld [smem:$0x3F97];
	s0 =	simm.s32 @p0 $0x1  }
0x13: {  	[smem:$0x3FB2] =	sst s0;
	s0 =	simm.s32 @!p1 $0x0  }
0x14: {  	s2 =	sld [smem:$0x3F96];
	s0 =	simm.s32 @p1 $0x1  }
0x15: {  	[smem:$0x3FB3] =	sst s0;
	s0 =	simm.s32 @!p2 $0x0  }
0x16: {  	s3 =	sld [smem:$0x3FDB];
	s0 =	simm.s32 @p2 $0x1  }
0x17: {  	s4 =	simm.s32 $0x1BF5;
	[smem:$0x3FB5] =	sst s0  }
0x18: {  	s0 =	sld [smem:$0x3F98];
	_ =	swait.ge [sflag:s4], $0x0  }
0x19: {  	s7 =	sld [smem:$0x3F99]  }
0x1a: {  	s8 =	sadd.s32 $0xFFFFE003, lr  }
0x1b: {  	s9 =	sadd.s32 $0xFFFFFEF7, lr;
	s5 =	simm.s32 $0xFFFFFFFF;
	p2 =	slt.u32 s8, $0xFFFFF086  }
0x1c: {  	p1 =	slt.u32 s9, $0xF7A;
	s5 =	simm.s32 @!p2 $0x0  }
0x1d: {  	s5 =	simm.s32 @p1 $0x1;
	p0 =	seq.s32 s7, s2  }
0x1e: {  	s7 =	smul.u32 @!p0 $0xF7A, s2;
	p2 =	seq.s32 @!p0 s5, $0x0  }
0x1f: {  	s9 =	smul.u32 $0xF7A, s1;
	s8 =	simm.s32 @!p0 $0x1BF5;
	p2 =	por !p2, p0  }
0x20: {  	[sflag:s8] =	ssyncset.s32 @!p0 $0xFFFFF086;
	s6 =	sadd.s32 @!p0 s3, s7;
	s7 =	simm.s32 @!p0 $0x108  }
0x21: {  	s3 =	sadd.s32 s3, s9;
	s6 =	sadd.s32 @!p0 $0x88, s6;
	s7 =	simm.s32 @p2 $0x1082  }
0x22: {  	[simem:s7], [sflag:s8] =	dma.local @!p0 [hbm:s6], $0xF7A  }
0x23: {  	s9 =	sor.u32 $0xD0000000, s2;
	s6 =	simm.s32 $0x108;
	_ =	swait.ge @!p0 [sflag:s8], $0x0  }
0x24: {  	s3 =	sadd.s32 $0x88, s3;
	s6 =	simm.s32 @!p1 $0x1082;
	[sflag:s4] =	ssyncset.s32 $0xFFFFF086  }
0x25: {  	[simem:s6], [sflag:s4] =	dma.local [hbm:s3], $0xF7A  }
0x26: {  	[smem:$0x3F99] =	sst s1;
	(tag) =	ssettag s2;
	_ =	strace s9  }
0x27: {  	s1 =	sld [smem:$0x3FA9]  }
0x28: {  	s2 =	sld [smem:$0x3FAA]  }
0x29: {  	s4 =	sld [smem:$0x3FAC]  }
0x2a: {  	p0 =	seq.s32 s5, $0x0;
	s5 =	sld [smem:$0x3FAD]  }
0x2b: {  	s6 =	sld [smem:$0x3FAE]  }
0x2c: {  	s7 =	sld [smem:$0x3FAF]  }
0x2d: {  	s3 =	simm.s32 $0x108;
	s8 =	sld [smem:$0x3FB0]  }
0x2e: {  	s3 =	simm.s32 @!p0 $0x1082;
	s9 =	sld [smem:$0x3FB1]  }
0x2f: {  	lr =	sadd.s32 s0, s3;
	s0 =	sld [smem:$0x3FA8]  }
0x30: {  	s3 =	sld [smem:$0x3FAB]  }
0x31: {  	[smem:$0x3FB4] =	sst s10  }
0x32: {  	s10 =	sld [smem:$0x3FB2];
	_ =	sdelay $0x3  }
0x33: {  	p0 =	seq.s32 s10, $0x1;
	s10 =	sld [smem:$0x3FB4];
	_ =	sdelay $0x3  }
0x34: {  	[smem:$0x3FB4] =	sst s10  }
0x35: {  	s10 =	sld [smem:$0x3FB3];
	_ =	sdelay $0x3  }
0x36: {  	p1 =	seq.s32 s10, $0x1;
	s10 =	sld [smem:$0x3FB4];
	_ =	sdelay $0x3  }
0x37: {  	[smem:$0x3FB4] =	sst s10  }
0x38: {  	s10 =	sld [smem:$0x3FB5]  }
0x39: {  	_ = 	snop;
	(pc) =	sbr.ind lr, $3  }
0x3a: {  	_ = 	snop  }
0x3b: {  	_ = 	snop  }
0x3c: {  	p2 =	seq.s32 s10, $0x1;
	s10 =	sld [smem:$0x3FB4]  }
0x3d: {  	_ =	shalt  }
0x3e: {  	_ =	shalt  }
0x3f: {  	_ =	shalt  }
0x40: {  	_ =	shalt  }
0x41: {  	_ =	shalt  }
0x42: {  	_ =	shalt  }
0x43: {  	_ =	shalt  }
0x44: {  	_ =	shalt  }
0x45: {  	_ =	shalt  }
0x46: {  	_ =	shalt  }
0x47: {  	_ =	shalt  }
0x48: {  	_ =	shalt  }
0x49: {  	_ =	shalt  }
0x4a: {  	_ =	shalt  }
0x4b: {  	_ =	shalt  }
0x4c: {  	_ =	shalt  }
0x4d: {  	_ =	shalt  }
0x4e: {  	_ =	shalt  }
0x4f: {  	_ =	shalt  }
0x50: {  	_ =	shalt  }
0x51: {  	_ =	shalt  }
0x52: {  	_ =	shalt  }
0x53: {  	_ =	shalt  }
0x54: {  	_ =	shalt  }
0x55: {  	_ =	shalt  }
0x56: {  	_ =	shalt  }
0x57: {  	_ =	shalt  }
0x58: {  	_ =	shalt  }
0x59: {  	_ =	shalt  }
0x5a: {  	_ =	shalt  }
0x5b: {  	_ =	shalt  }
0x5c: {  	_ =	shalt  }
0x5d: {  	_ =	shalt  }
0x5e: {  	_ =	shalt  }
0x5f: {  	_ =	shalt  }
0x60: {  	_ =	shalt  }
0x61: {  	_ =	shalt  }
0x62: {  	_ =	shalt  }
0x63: {  	_ =	shalt  }
0x64: {  	_ =	shalt  }
0x65: {  	_ =	shalt  }
0x66: {  	_ =	shalt  }
0x67: {  	_ =	shalt  }
0x68: {  	_ =	shalt  }
0x69: {  	_ =	shalt  }
0x6a: {  	_ =	shalt  }
0x6b: {  	_ =	shalt  }
0x6c: {  	_ =	shalt  }
0x6d: {  	_ =	shalt  }
0x6e: {  	_ =	shalt  }
0x6f: {  	_ =	shalt  }
0x70: {  	_ =	shalt  }
0x71: {  	_ =	shalt  }
0x72: {  	_ =	shalt  }
0x73: {  	_ =	shalt  }
0x74: {  	_ =	shalt  }
0x75: {  	_ =	shalt  }
0x76: {  	_ =	shalt  }
0x77: {  	_ =	shalt  }
0x78: {  	_ =	shalt  }
0x79: {  	_ =	shalt  }
0x7a: {  	_ =	shalt  }
0x7b: {  	_ =	shalt  }
0x7c: {  	_ =	shalt  }
0x7d: {  	_ =	shalt  }
0x7e: {  	_ =	shalt  }
0x7f: {  	_ =	shalt  }
0x80: {  	_ =	shalt  }
0x81: {  	_ =	shalt  }
0x82: {  	_ =	shalt  }
0x83: {  	_ =	shalt  }
0x84: {  	_ =	shalt  }
0x85: {  	_ =	shalt  }
0x86: {  	_ =	shalt  }
0x87: {  	_ =	shalt  }
.Lfunc_end0:
.L_simem_size_0:
called_computation_lowered:
.L_overlay_start_0:
0x88: {  	s2 =	sld [smem:$0x3FD9]  }
0x89: {  	s3 =	sld [smem:$0x3FFE];
	_ =	sdelay $0x1  }
0x8a: {  	s1 =	srdreg.scid  }
0x8b: {  	s0 =	sand.u32 $0x1, s1  }
0x8c: {  	s16 =	sshll.u32 s0, $0xA;
	s2 =	sadd.s32 s3, s2  }
0x8d: {  	s2 =	sadd.s32 s2, s16  }
0x8e: {  	[smem:$0x3FC0] =	sst s2  }
0x8f: {  	_ = 	snop  }
0x90: {  	(tm) =	ssettm $0x1  }
0x91: {  	s17 =	sld [smem:$0x3FFB];
	_ =	sdelay $0x3  }
0x92: {  	_ =	strace s17  }
0x93: {  	s2 =	sld [smem:$0x3FFC];
	_ =	sdelay $0x3  }
0x94: {  	_ =	strace s2  }
0x95: {  	s2 =	sld [smem:$0x3FFD];
	_ =	sdelay $0x3  }
0x96: {  	_ =	strace s2  }
0x97: {  	_ =	strace $0x8FFFFFFF  }
0x98: {  	s18 =	sld [smem:$0x3FDB];
	_ =	sdelay $0x1  }
0x99: {  	s19 =	simm.s32 $_scs_section_size  }
0x9a: {  	s4 =	simm.s32 $_size__tile_overlayer_lowered;
	s5 =	simm.s32 $_tile_overlayer_lowered  }
0x9b: {  	s22 =	simm.s32 $0x1BFF;
	s21 =	sshll.u32 s5, $0x1;
	s2 =	sadd.s32 s19, s18  }
0x9c: {  	s6 =	simm.s32 $0x0;
	s20 =	sshll.u32 s4, $0x1;
	s4 =	sadd.s32 s21, s2  }
0x9d: {  	[timem:s6], [sflag:s22] =	dma.local [hbm:s4], s20  }
0x9e: {  	_ =	swait.ge [sflag:s22], s20  }
0x9f: {  	s3 =	ssub.s32 $0x0, s20;
	[sflag:s22] =	ssyncset.done $0x0  }
0xa0: {  	[sflag:s22] =	ssyncadd.s32 s3;
	_ =	sdelay $0x1  }
0xa1: {  	s23 =	simm.s32 $0x1B8B  }
0xa2: {  	_ =	swait.ge [sflag:s23], $0x1  }
0xa3: {  	[sflag:s23] =	ssyncset.done $0x0  }
0xa4: {  	s25 =	simm.s32 $0x1B8E;
	s24 =	sld [smem:$0x3FFE];
	[sflag:s23] =	ssyncadd.s32 $0xFFFFFFFF  }
0xa5: {  	s26 =	simm.s32 $execute0_lowered;
	[smem:$0x3FD2] =	sst s25  }
0xa6: {  	s4 =	sshll.u32 s26, $0x1;
	_ =	strace $0x80000046;
	[dreg:$0x1] =	wrdreg $0xFFFFFFFF  }
0xa7: {  	s28 =	simm.s32 $_size_execute0_lowered;
	s2 =	sadd.s32 s2, s4;
	[dreg:$0x0] =	wrdreg $0x0  }
0xa8: {  	s4 =	sshll.u32 s28, $0x1;
	[dreg:$0x2] =	wrdreg s2  }
0xa9: {  	[dreg:$0x3] =	wrdreg s4  }
0xaa: {  	[dreg:$0x4] =	wrdreg $0xC0  }
0xab: {  	_ =	task [dreg:s6], $0x5FFFF  }
0xac: {  	[dreg:$0x1] =	wrdreg $0xFFFFFFFF  }
0xad: {  	[dreg:$0x0] =	wrdreg $0x60  }
0xae: {  	[dreg:$0x2] =	wrdreg s24  }
0xaf: {  	[dreg:$0x3] =	wrdreg $0x28800  }
0xb0: {  	[dreg:$0x4] =	wrdreg $0x9  }
0xb1: {  	_ =	task.clear_ibuf [dreg:s6], $0x5FFFF;
	_ =	strace $0x90000046  }
0xb2: {  	s29 =	simm.s32 $0x9;
	_ =	strace $0x80000048  }
0xb3: {  	_ =	swait.ge [sflag:s29], $0x1  }
0xb4: {  	[sflag:s29] =	ssyncadd.s32 $0xFFFFFFFF  }
0xb5: {  	_ =	strace $0x90000048  }
0xb6: {  	_ =	sfence  }
0xb7: {  	s30 =	sld [smem:$0x0];
	_ =	sdelay $0x2  }
0xb8: {  	s31 =	sshll.u32 s1, $0xD;
	s1 =	sshrl.u32 s1, $0x2  }
0xb9: {  	s3 =	sand.u32 $0x4000, s31;
	s1 =	sadd.s32 s1, s30  }
0xba: {  	s0 =	sor.u32 s3, s0;
	s1 =	sshll.u32 s1, $0x11  }
0xbb: {  	s0 =	sor.u32 s1, s0  }
0xbc: {  	s0 =	sadd.s32 $0x8F2B, s0  }
0xbd: {  	[sflag:s0] =	ssyncadd.remote.s32 $0x1  }
0xbe: {  	_ =	sfence.sel $0xFFFF  }
0xbf: {  	[dreg:$0x0] =	wrdreg $0xFFFFFFFF;
	(pc) =	sbr.abs _section_cstart, $3  }
0xc0: {  	[dreg:$0x1] =	wrdreg $0xFFFFFFFF  }
0xc1: {  	_ =	task.clear_ibuf [dreg:s6], $0x2FFFF;
	_ =	strace $0x9FFFFFFF  }
0xc2: {  	(tm) =	ssettm $0x7FFFFFFF  }
0xc3: {  	_ =	shalt  }
tec
execute0_lowered:
.L_overlay_start_1:
0x0: {  	(tag) =	ssettag $0x1  }
0x1: {  	s0 =	srdreg.scid;
	s5 =	rddreg [dreg:$0x0]  }
0x2: {  	s2 =	rddreg [dreg:$0x1];
	s3 =	simm.s32 $0x0;
	s12 =	simm.s32 $0x2800  }
0x3: {  	s13 =	simm.s32 $0x0;
	s4 =	sand.u32 $0x1, s0;
	s0 =	stileid.u32  }
0x4: {  	[smem:$0x7FF] =	sst s3;
	s1 =	sshll.u32 s4, $0x4;
	s7 =	smul.u32 $0x280, s0  }
0x5: {  	s8 =	smul.u32 $0x2800, s4;
	s4 =	ssub.s32 $0x2, s4;
	s1 =	sor.u32 s0, s1  }
0x6: {  	s31 =	sshll.u32 s0, $0x6;
	s10 =	sshrl.u32 s4, $0x1;
	s6 =	smul.u32 $0x500, s1  }
0x7: {  	s1 =	rddreg [dreg:$0x2];
	_ =	strace $0x80000047;
	s8 =	sadd.s32 s7, s8  }
0x8: {  	s9 =	sshrl.u32 s7, $0x3;
	s10 =	ssub.s32 s4, s10;
	s11 =	sadd.s32 s7, s2  }
0x9: {  	s8 =	sshrl.u32 s8, $0x3;
	s9 =	sadd.s32 s9, s5;
	s7 =	smax.u32 s10, $0x1  }
0xa: {  	s10 =	sshrl.u32 s11, $0x3;
	s11 =	simm.s32 $0x80;
	s6 =	sadd.s32 s6, s5  }
0xb: {  	s8 =	sadd.s32 s8, s5;
	s5 =	sadd.s32 $0x17800, s9;
	s9 =	sor.u32 $0x1C01, s31  }
0xc: {  	v0 =	vimm.f32 $1.000000000e+00;
	s4 =	sadd.s32 $0x3800, s6;
	s6 =	sadd.s32 $0x17E00, s8;
	s8 =	simm.s32 $0x1  }
.LBB2_1:
0xd: {  	[tilespmem:s3], [sflag:$0x1] =	stream.linear.gather [hbm4b:s4+s3], $0x2800, $0x38;
	[tilespmem:$0x2B00] =	vst v63  }
0xe: {  	_ =	swait.ge [sflag:s8], $0x2800  }
0xf: {  	[sflag:s8] =	ssyncset.done $0x0  }
0x10: {  	[sflag:s8] =	ssyncadd.s32 $0xFFFFD800  }
0x11: {  	[tilespmem:$0x2800] =	vst v0  }
0x12: {  	[tilespmem:$0x2810] =	vst v0  }
0x13: {  	[tilespmem:$0x2820] =	vst v0  }
0x14: {  	[tilespmem:$0x2830] =	vst v0  }
0x15: {  	[tilespmem:$0x2840] =	vst v0  }
0x16: {  	[tilespmem:$0x2850] =	vst v0  }
0x17: {  	[tilespmem:$0x2860] =	vst v0  }
0x18: {  	[tilespmem:$0x2870] =	vst v0  }
0x19: {  	[spmem:s10], [sflag:s9] =	dma.local [hbm:s5], $0x50  }
0x1a: {  	_ =	swait.ge [sflag:s8], $0x50  }
0x1b: {  	[sflag:s8] =	ssyncset.done $0x0  }
0x1c: {  	[sflag:s8] =	ssyncadd.s32 $0xFFFFFFB0  }
0x1d: {  	s14 =	simm.s32 $0x0;
	[bflag:$0x0] =	sbarrier.arrive $0xFFFF  }
0x1e: {  	[spmem:s2] =	stream.indirect.scatter.add.f32 [tilespmem:s12], [sflag:$0x1], $0x1, s14, s11, $0xb8;
	[tilespmem:$0x2B00] =	vst v63  }
0x1f: {  	_ =	swait.ge [sflag:s8], $0x80  }
0x20: {  	s14 =	simm.s32 $0x200;
	[sflag:s8] =	ssyncset.done $0x0  }
.LBB2_2:
0x21: {  	s15 =	sshra.s32 s14, $0x2;
	[sflag:s8] =	ssyncadd.s32 $0xFFFFFF80;
	p0 =	sne.s32 s14, $0x9E00  }
0x22: {  	[spmem:s2] =	stream.indirect.scatter.add.f32 [tilespmem:s12], [sflag:$0x1], $0x1, s15, s11, $0xb8;
	[tilespmem:$0x2B00] =	vst v63  }
.Ltmp0:
0x23: {  	_ = 	snop;
	(pc) =	sbr.rel @p0 .LBB2_2-.Ltmp0, $4  }
0x24: {  	_ = 	snop  }
0x25: {  	s14 =	sadd.s32 $0x200, s14  }
0x26: {  	_ =	swait.ge [sflag:s8], $0x80  }
0x27: {  	[sflag:s8] =	ssyncset.done $0x0  }
0x28: {  	s13 =	sadd.s32 $0x1, s13  }
0x29: {  	[sflag:s8] =	ssyncadd.s32 $0xFFFFFF80;
	p0 =	sne.s32 s13, s7  }
.Ltmp1:
0x2a: {  	[bflag:$0x0] =	sbarrier.arrive $0xFFFF;
	(pc) =	sbr.rel @p0 .LBB2_1-.Ltmp1, $4  }
0x2b: {  	[hbm:s6], [sflag:s9] =	dma.local [spmem:s10], $0x50  }
0x2c: {  	_ =	swait.ge [sflag:s8], $0x50  }
0x2d: {  	[sflag:s8] =	ssyncset.done $0x0  }
0x2e: {  	[sflag:s8] =	ssyncadd.s32 $0xFFFFFFB0  }
0x2f: {  	_ =	sfence.sel $0x180000  }
0x30: {  	[bflag:$0x0] =	sbarrier.arrive $0xFFFF  }
0x31: {  	p0 =	sne.s32 s0, $0x0;
	_ =	strace $0x90000047  }
0x32: {  	s0 =	sadd.s32 @!p0 $0x100000, s1;
	[bflag:$0x2] =	sbarrier.arrive $0xFFFF  }
0x33: {  	[sflag:s0] =	ssyncadd.tile.s32 @!p0 $0x1;
	_ =	shalt  }
.Lfunc_end2:
_tile_overlayer_lowered:
.L_overlay_start_2:
0x34: {  	(tag) =	ssettag $0x2  }
0x35: {  	s0 =	rddreg [dreg:$0x0];
	s2 =	stileid.u32  }
0x36: {  	s1 =	rddreg [dreg:$0x1];
	p0 =	sne.s32 s2, $0x0  }
0x37: {  	s3 =	rddreg [dreg:$0x2];
	[bflag:$0x3] =	sbarrier.arrive $0xFFFF;
	s2 =	simm.s32 @!p0 $0x1C01  }
0x38: {  	[timem:s3], [sflag:s2] =	dma.local @!p0 [hbm:s0], s1  }
0x39: {  	s0 =	simm.s32 @!p0 $0x1  }
0x3a: {  	_ =	swait.ge @!p0 [sflag:s0], s1  }
0x3b: {  	s1 =	ssub.s32 @!p0 $0x0, s1;
	[sflag:s0] =	ssyncset.done @!p0 $0x0  }
0x3c: {  	[sflag:s0] =	ssyncadd.s32 @!p0 s1  }
0x3d: {  	[bflag:$0x3] =	sbarrier.arrive $0xFFFF  }
0x3e: {  	_ =	shalt  }

// kernel: kernel.15.cloned.1.call-start
scs
__scs_entry_jumppad:
0x0: {  	(pc) =	sbr.rel $0x88, $3  }
0x1: {  	(tag) =	ssettag $0x0;
	lr =	simm.s32 $0x1  }
0x2: {  	[smem:$0x3F99] =	sst lr;
	_ =	strace $0xD0000000  }
0x3: {  	_ = 	snop  }
0x4: {  	_ = 	snop  }
0x5: {  	_ = 	snop  }
0x6: {  	_ = 	snop  }
0x7: {  	_ = 	snop  }
__scs_overlays_trampoline_lowered:
0x8: {  	[smem:$0x3FA8] =	sst s0  }
0x9: {  	[smem:$0x3FA9] =	sst s1  }
0xa: {  	[smem:$0x3FAA] =	sst s2  }
0xb: {  	[smem:$0x3FAB] =	sst s3  }
0xc: {  	[smem:$0x3FAC] =	sst s4  }
0xd: {  	[smem:$0x3FAD] =	sst s5  }
0xe: {  	[smem:$0x3FAE] =	sst s6  }
0xf: {  	[smem:$0x3FAF] =	sst s7  }
0x10: {  	[smem:$0x3FB0] =	sst s8  }
0x11: {  	[smem:$0x3FB1] =	sst s9;
	s0 =	simm.s32 @!p0 $0x0  }
0x12: {  	s1 =	sld [smem:$0x3F97];
	s0 =	simm.s32 @p0 $0x1  }
0x13: {  	[smem:$0x3FB2] =	sst s0;
	s0 =	simm.s32 @!p1 $0x0  }
0x14: {  	s2 =	sld [smem:$0x3F96];
	s0 =	simm.s32 @p1 $0x1  }
0x15: {  	[smem:$0x3FB3] =	sst s0;
	s0 =	simm.s32 @!p2 $0x0  }
0x16: {  	s3 =	sld [smem:$0x3FDB];
	s0 =	simm.s32 @p2 $0x1  }
0x17: {  	s4 =	simm.s32 $0x1BF5;
	[smem:$0x3FB5] =	sst s0  }
0x18: {  	s0 =	sld [smem:$0x3F98];
	_ =	swait.ge [sflag:s4], $0x0  }
0x19: {  	s7 =	sld [smem:$0x3F99]  }
0x1a: {  	s8 =	sadd.s32 $0xFFFFE003, lr  }
0x1b: {  	s9 =	sadd.s32 $0xFFFFFEF7, lr;
	s5 =	simm.s32 $0xFFFFFFFF;
	p2 =	slt.u32 s8, $0xFFFFF086  }
0x1c: {  	p1 =	slt.u32 s9, $0xF7A;
	s5 =	simm.s32 @!p2 $0x0  }
0x1d: {  	s5 =	simm.s32 @p1 $0x1;
	p0 =	seq.s32 s7, s2  }
0x1e: {  	s7 =	smul.u32 @!p0 $0xF7A, s2;
	p2 =	seq.s32 @!p0 s5, $0x0  }
0x1f: {  	s9 =	smul.u32 $0xF7A, s1;
	s8 =	simm.s32 @!p0 $0x1BF5;
	p2 =	por !p2, p0  }
0x20: {  	[sflag:s8] =	ssyncset.s32 @!p0 $0xFFFFF086;
	s6 =	sadd.s32 @!p0 s3, s7;
	s7 =	simm.s32 @!p0 $0x108  }
0x21: {  	s3 =	sadd.s32 s3, s9;
	s6 =	sadd.s32 @!p0 $0x88, s6;
	s7 =	simm.s32 @p2 $0x1082  }
0x22: {  	[simem:s7], [sflag:s8] =	dma.local @!p0 [hbm:s6], $0xF7A  }
0x23: {  	s9 =	sor.u32 $0xD0000000, s2;
	s6 =	simm.s32 $0x108;
	_ =	swait.ge @!p0 [sflag:s8], $0x0  }
0x24: {  	s3 =	sadd.s32 $0x88, s3;
	s6 =	simm.s32 @!p1 $0x1082;
	[sflag:s4] =	ssyncset.s32 $0xFFFFF086  }
0x25: {  	[simem:s6], [sflag:s4] =	dma.local [hbm:s3], $0xF7A  }
0x26: {  	[smem:$0x3F99] =	sst s1;
	(tag) =	ssettag s2;
	_ =	strace s9  }
0x27: {  	s1 =	sld [smem:$0x3FA9]  }
0x28: {  	s2 =	sld [smem:$0x3FAA]  }
0x29: {  	s4 =	sld [smem:$0x3FAC]  }
0x2a: {  	p0 =	seq.s32 s5, $0x0;
	s5 =	sld [smem:$0x3FAD]  }
0x2b: {  	s6 =	sld [smem:$0x3FAE]  }
0x2c: {  	s7 =	sld [smem:$0x3FAF]  }
0x2d: {  	s3 =	simm.s32 $0x108;
	s8 =	sld [smem:$0x3FB0]  }
0x2e: {  	s3 =	simm.s32 @!p0 $0x1082;
	s9 =	sld [smem:$0x3FB1]  }
0x2f: {  	lr =	sadd.s32 s0, s3;
	s0 =	sld [smem:$0x3FA8]  }
0x30: {  	s3 =	sld [smem:$0x3FAB]  }
0x31: {  	[smem:$0x3FB4] =	sst s10  }
0x32: {  	s10 =	sld [smem:$0x3FB2];
	_ =	sdelay $0x3  }
0x33: {  	p0 =	seq.s32 s10, $0x1;
	s10 =	sld [smem:$0x3FB4];
	_ =	sdelay $0x3  }
0x34: {  	[smem:$0x3FB4] =	sst s10  }
0x35: {  	s10 =	sld [smem:$0x3FB3];
	_ =	sdelay $0x3  }
0x36: {  	p1 =	seq.s32 s10, $0x1;
	s10 =	sld [smem:$0x3FB4];
	_ =	sdelay $0x3  }
0x37: {  	[smem:$0x3FB4] =	sst s10  }
0x38: {  	s10 =	sld [smem:$0x3FB5]  }
0x39: {  	_ = 	snop;
	(pc) =	sbr.ind lr, $3  }
0x3a: {  	_ = 	snop  }
0x3b: {  	_ = 	snop  }
0x3c: {  	p2 =	seq.s32 s10, $0x1;
	s10 =	sld [smem:$0x3FB4]  }
0x3d: {  	_ =	shalt  }
0x3e: {  	_ =	shalt  }
0x3f: {  	_ =	shalt  }
0x40: {  	_ =	shalt  }
0x41: {  	_ =	shalt  }
0x42: {  	_ =	shalt  }
0x43: {  	_ =	shalt  }
0x44: {  	_ =	shalt  }
0x45: {  	_ =	shalt  }
0x46: {  	_ =	shalt  }
0x47: {  	_ =	shalt  }
0x48: {  	_ =	shalt  }
0x49: {  	_ =	shalt  }
0x4a: {  	_ =	shalt  }
0x4b: {  	_ =	shalt  }
0x4c: {  	_ =	shalt  }
0x4d: {  	_ =	shalt  }
0x4e: {  	_ =	shalt  }
0x4f: {  	_ =	shalt  }
0x50: {  	_ =	shalt  }
0x51: {  	_ =	shalt  }
0x52: {  	_ =	shalt  }
0x53: {  	_ =	shalt  }
0x54: {  	_ =	shalt  }
0x55: {  	_ =	shalt  }
0x56: {  	_ =	shalt  }
0x57: {  	_ =	shalt  }
0x58: {  	_ =	shalt  }
0x59: {  	_ =	shalt  }
0x5a: {  	_ =	shalt  }
0x5b: {  	_ =	shalt  }
0x5c: {  	_ =	shalt  }
0x5d: {  	_ =	shalt  }
0x5e: {  	_ =	shalt  }
0x5f: {  	_ =	shalt  }
0x60: {  	_ =	shalt  }
0x61: {  	_ =	shalt  }
0x62: {  	_ =	shalt  }
0x63: {  	_ =	shalt  }
0x64: {  	_ =	shalt  }
0x65: {  	_ =	shalt  }
0x66: {  	_ =	shalt  }
0x67: {  	_ =	shalt  }
0x68: {  	_ =	shalt  }
0x69: {  	_ =	shalt  }
0x6a: {  	_ =	shalt  }
0x6b: {  	_ =	shalt  }
0x6c: {  	_ =	shalt  }
0x6d: {  	_ =	shalt  }
0x6e: {  	_ =	shalt  }
0x6f: {  	_ =	shalt  }
0x70: {  	_ =	shalt  }
0x71: {  	_ =	shalt  }
0x72: {  	_ =	shalt  }
0x73: {  	_ =	shalt  }
0x74: {  	_ =	shalt  }
0x75: {  	_ =	shalt  }
0x76: {  	_ =	shalt  }
0x77: {  	_ =	shalt  }
0x78: {  	_ =	shalt  }
0x79: {  	_ =	shalt  }
0x7a: {  	_ =	shalt  }
0x7b: {  	_ =	shalt  }
0x7c: {  	_ =	shalt  }
0x7d: {  	_ =	shalt  }
0x7e: {  	_ =	shalt  }
0x7f: {  	_ =	shalt  }
0x80: {  	_ =	shalt  }
0x81: {  	_ =	shalt  }
0x82: {  	_ =	shalt  }
0x83: {  	_ =	shalt  }
0x84: {  	_ =	shalt  }
0x85: {  	_ =	shalt  }
0x86: {  	_ =	shalt  }
0x87: {  	_ =	shalt  }
.Lfunc_end0:
.L_simem_size_0:
called_computation.1_lowered:
.L_overlay_start_0:
0x88: {  	s2 =	sld [smem:$0x3FD9]  }
0x89: {  	s3 =	sld [smem:$0x3FFE];
	_ =	sdelay $0x1  }
0x8a: {  	s1 =	srdreg.scid  }
0x8b: {  	s0 =	sand.u32 $0x1, s1  }
0x8c: {  	s16 =	sshll.u32 s0, $0xA;
	s2 =	sadd.s32 s3, s2  }
0x8d: {  	s2 =	sadd.s32 s2, s16  }
0x8e: {  	[smem:$0x3FC0] =	sst s2  }
0x8f: {  	_ = 	snop  }
0x90: {  	(tm) =	ssettm $0x1  }
0x91: {  	s17 =	sld [smem:$0x3FFB];
	_ =	sdelay $0x3  }
0x92: {  	_ =	strace s17  }
0x93: {  	s2 =	sld [smem:$0x3FFC];
	_ =	sdelay $0x3  }
0x94: {  	_ =	strace s2  }
0x95: {  	s2 =	sld [smem:$0x3FFD];
	_ =	sdelay $0x3  }
0x96: {  	_ =	strace s2  }
0x97: {  	_ =	strace $0x8FFFFFFF  }
0x98: {  	s18 =	sld [smem:$0x3FDB];
	_ =	sdelay $0x1  }
0x99: {  	s19 =	simm.s32 $_scs_section_size  }
0x9a: {  	s4 =	simm.s32 $_size__tile_overlayer_lowered;
	s5 =	simm.s32 $_tile_overlayer_lowered  }
0x9b: {  	s22 =	simm.s32 $0x1BFF;
	s21 =	sshll.u32 s5, $0x1;
	s2 =	sadd.s32 s19, s18  }
0x9c: {  	s6 =	simm.s32 $0x0;
	s20 =	sshll.u32 s4, $0x1;
	s4 =	sadd.s32 s21, s2  }
0x9d: {  	[timem:s6], [sflag:s22] =	dma.local [hbm:s4], s20  }
0x9e: {  	_ =	swait.ge [sflag:s22], s20  }
0x9f: {  	s3 =	ssub.s32 $0x0, s20;
	[sflag:s22] =	ssyncset.done $0x0  }
0xa0: {  	[sflag:s22] =	ssyncadd.s32 s3;
	_ =	sdelay $0x1  }
0xa1: {  	s23 =	simm.s32 $0x1B8B  }
0xa2: {  	_ =	swait.ge [sflag:s23], $0x1  }
0xa3: {  	[sflag:s23] =	ssyncset.done $0x0  }
0xa4: {  	s25 =	simm.s32 $0x1B8E;
	s24 =	sld [smem:$0x3FFE];
	[sflag:s23] =	ssyncadd.s32 $0xFFFFFFFF  }
0xa5: {  	s26 =	simm.s32 $execute0_lowered;
	[smem:$0x3FD2] =	sst s25  }
0xa6: {  	s4 =	sshll.u32 s26, $0x1;
	_ =	strace $0x80000049;
	[dreg:$0x1] =	wrdreg $0xFFFFFFFF  }
0xa7: {  	s28 =	simm.s32 $_size_execute0_lowered;
	s2 =	sadd.s32 s2, s4;
	[dreg:$0x0] =	wrdreg $0x0  }
0xa8: {  	s4 =	sshll.u32 s28, $0x1;
	[dreg:$0x2] =	wrdreg s2  }
0xa9: {  	[dreg:$0x3] =	wrdreg s4  }
0xaa: {  	[dreg:$0x4] =	wrdreg $0xC0  }
0xab: {  	_ =	task [dreg:s6], $0x5FFFF  }
0xac: {  	[dreg:$0x1] =	wrdreg $0xFFFFFFFF  }
0xad: {  	[dreg:$0x0] =	wrdreg $0x60  }
0xae: {  	[dreg:$0x2] =	wrdreg s24  }
0xaf: {  	[dreg:$0x3] =	wrdreg $0x90000  }
0xb0: {  	[dreg:$0x4] =	wrdreg $0x9  }
0xb1: {  	_ =	task.clear_ibuf [dreg:s6], $0x5FFFF;
	_ =	strace $0x90000049  }
0xb2: {  	s29 =	simm.s32 $0x9;
	_ =	strace $0x8000004B  }
0xb3: {  	_ =	swait.ge [sflag:s29], $0x1  }
0xb4: {  	[sflag:s29] =	ssyncadd.s32 $0xFFFFFFFF  }
0xb5: {  	_ =	strace $0x9000004B  }
0xb6: {  	_ =	sfence  }
0xb7: {  	s30 =	sld [smem:$0x0];
	_ =	sdelay $0x2  }
0xb8: {  	s31 =	sshll.u32 s1, $0xD;
	s1 =	sshrl.u32 s1, $0x2  }
0xb9: {  	s3 =	sand.u32 $0x4000, s31;
	s1 =	sadd.s32 s1, s30  }
0xba: {  	s0 =	sor.u32 s3, s0;
	s1 =	sshll.u32 s1, $0x11  }
0xbb: {  	s0 =	sor.u32 s1, s0  }
0xbc: {  	s0 =	sadd.s32 $0x8F2B, s0  }
0xbd: {  	[sflag:s0] =	ssyncadd.remote.s32 $0x1  }
0xbe: {  	_ =	sfence.sel $0xFFFF  }
0xbf: {  	[dreg:$0x0] =	wrdreg $0xFFFFFFFF;
	(pc) =	sbr.abs _section_cstart, $3  }
0xc0: {  	[dreg:$0x1] =	wrdreg $0xFFFFFFFF  }
0xc1: {  	_ =	task.clear_ibuf [dreg:s6], $0x2FFFF;
	_ =	strace $0x9FFFFFFF  }
0xc2: {  	(tm) =	ssettm $0x7FFFFFFF  }
0xc3: {  	_ =	shalt  }
tec
execute0_lowered:
.L_overlay_start_1:
0x0: {  	(tag) =	ssettag $0x1  }
0x1: {  	s5 =	rddreg [dreg:$0x0]  }
0x2: {  	s0 =	srdreg.scid;
	s2 =	rddreg [dreg:$0x1]  }
0x3: {  	s3 =	simm.s32 $0x0;
	s15 =	simm.s32 $0x5000;
	s16 =	simm.s32 $0x80  }
0x4: {  	s17 =	simm.s32 $0x1;
	s4 =	sand.u32 $0x1, s0;
	s0 =	stileid.u32  }
0x5: {  	s23 =	simm.s32 $0x0;
	[smem:$0x7FF] =	sst s3;
	s7 =	smul.u32 $0x27100, s4  }
0x6: {  	s19 =	sadd.s32 $0x128400, s2;
	s1 =	sshll.u32 s4, $0x4;
	s9 =	smul.u32 $0x50000, s0  }
0x7: {  	s8 =	ssub.s32 $0x2, s4;
	s4 =	sadd.s32 $0x65A00, s5;
	s14 =	smul.u32 $0x4F000, s0  }
0x8: {  	s21 =	smul.u32 $0x2780, s0;
	p0 =	seq.s32 s0, $0xF;
	s6 =	sor.u32 s0, s1  }
0x9: {  	s1 =	rddreg [dreg:$0x2];
	_ =	strace $0x8000004A;
	s30 =	sshrl.u32 s8, $0x1  }
0xa: {  	s19 =	sshrl.u32 @p0 s19, $0x3;
	s6 =	smul.u32 $0x500, s6;
	s12 =	sadd.s32 s7, s5  }
0xb: {  	s13 =	ssub.s32 s8, s30;
	s31 =	sshrl.u32 s9, $0x2;
	s14 =	sshrl.u32 s14, $0x2  }
0xc: {  	s20 =	sadd.s32 $0x8CC00, s12;
	s22 =	sadd.s32 s14, s2;
	s12 =	smax.u32 s13, $0x1  }
0xd: {  	s13 =	simm.s32 $0x2;
	s14 =	simm.s32 $0x2800;
	s10 =	sadd.s32 s6, s5  }
0xe: {  	s6 =	sadd.s32 s31, s2;
	s18 =	sadd.s32 @p0 $0x25080, s20;
	s20 =	sadd.s32 @!p0 s21, s20  }
0xf: {  	s21 =	sshll.u32 @!p0 s0, $0x6;
	s22 =	sshrl.u32 @!p0 s22, $0x3;
	s5 =	sadd.s32 $0xD800, s10  }
0x10: {  	s7 =	sadd.s32 $0x3800, s10;
	s8 =	sadd.s32 $0x4000, s6;
	s9 =	sadd.s32 $0x8000, s6  }
0x11: {  	v0 =	vimm.f32 $0.0e+00;
	s10 =	sadd.s32 $0xC000, s6;
	s11 =	sadd.s32 $0x10000, s6;
	s21 =	sor.u32 @!p0 $0x1C02, s21  }
.LBB2_1:
0x12: {  	[tilespmem:s3], [sflag:$0x2] =	stream.linear.gather [hbm4b:s5+s3], $0x2800, $0x38;
	[tilespmem:$0x1D000] =	vst v63  }
0x13: {  	_ =	swait.ge [sflag:s13], $0x2800  }
0x14: {  	[sflag:s13] =	ssyncset.done $0x0  }
0x15: {  	[sflag:s13] =	ssyncadd.s32 $0xFFFFD800  }
0x16: {  	[tilespmem:s14], [sflag:$0x2] =	stream.linear.gather [hbm4b:s7+s3], $0x2800, $0x38;
	[tilespmem:$0x1D000] =	vst v63  }
0x17: {  	_ =	swait.ge [sflag:s13], $0x2800  }
0x18: {  	[sflag:s13] =	ssyncset.done $0x0  }
0x19: {  	s24 =	simm.s32 $0x0;
	s25 =	simm.s32 $0x200;
	[sflag:s13] =	ssyncadd.s32 $0xFFFFD800  }
.LBB2_2:
0x1a: {  	p1 =	sne.s32 s25, $0xFE00;
	[tilespmem:s24+$0x5070] =	vst v0  }
0x1b: {  	[tilespmem:s24+$0x5000] =	vst v0  }
0x1c: {  	[tilespmem:s24+$0x5010] =	vst v0  }
.Ltmp0:
0x1d: {  	[tilespmem:s24+$0x5020] =	vst v0;
	(pc) =	sbr.rel @p1 .LBB2_2-.Ltmp0, $4  }
0x1e: {  	[tilespmem:s24+$0x5030] =	vst v0  }
0x1f: {  	[tilespmem:s24+$0x5040] =	vst v0  }
0x20: {  	[tilespmem:s24+$0x5050] =	vst v0  }
0x21: {  	[tilespmem:s24+$0x5060] =	vst v0;
	s24 =	sshra.s32 s25, $0x2;
	s25 =	sadd.s32 $0x200, s25  }
0x22: {  	[tilespmem:s24+$0x5070] =	vst v0  }
0x23: {  	[tilespmem:s24+$0x5000] =	vst v0  }
0x24: {  	[tilespmem:s24+$0x5010] =	vst v0  }
0x25: {  	[tilespmem:s24+$0x5020] =	vst v0  }
0x26: {  	[tilespmem:s24+$0x5030] =	vst v0  }
0x27: {  	[tilespmem:s24+$0x5040] =	vst v0  }
0x28: {  	[tilespmem:s24+$0x5050] =	vst v0  }
0x29: {  	[tilespmem:s24+$0x5060] =	vst v0  }
0x2a: {  	[spmem:s6] =	stream.linear.scatter [tilespmem:s15], [sflag:$0x2], $0x4000, $0x38;
	[tilespmem:$0x1D000] =	vst v63  }
0x2b: {  	_ =	swait.ge [sflag:s13], $0x4000  }
0x2c: {  	[sflag:s13] =	ssyncset.done $0x0  }
0x2d: {  	[sflag:s13] =	ssyncadd.s32 $0xFFFFC000  }
0x2e: {  	[spmem:s8] =	stream.linear.scatter [tilespmem:s15], [sflag:$0x2], $0x4000, $0x38;
	[tilespmem:$0x1D000] =	vst v63  }
0x2f: {  	_ =	swait.ge [sflag:s13], $0x4000  }
0x30: {  	[sflag:s13] =	ssyncset.done $0x0  }
0x31: {  	[sflag:s13] =	ssyncadd.s32 $0xFFFFC000  }
0x32: {  	[spmem:s9] =	stream.linear.scatter [tilespmem:s15], [sflag:$0x2], $0x4000, $0x38;
	[tilespmem:$0x1D000] =	vst v63  }
0x33: {  	_ =	swait.ge [sflag:s13], $0x4000  }
0x34: {  	[sflag:s13] =	ssyncset.done $0x0  }
0x35: {  	[sflag:s13] =	ssyncadd.s32 $0xFFFFC000  }
0x36: {  	[spmem:s10] =	stream.linear.scatter [tilespmem:s15], [sflag:$0x2], $0x4000, $0x38;
	[tilespmem:$0x1D000] =	vst v63  }
0x37: {  	_ =	swait.ge [sflag:s13], $0x4000  }
0x38: {  	[sflag:s13] =	ssyncset.done $0x0  }
0x39: {  	[sflag:s13] =	ssyncadd.s32 $0xFFFFC000  }
0x3a: {  	[spmem:s11] =	stream.linear.scatter [tilespmem:s15], [sflag:$0x2], $0x4000, $0x38;
	[tilespmem:$0x1D000] =	vst v63  }
0x3b: {  	_ =	swait.ge [sflag:s13], $0x4000  }
0x3c: {  	[sflag:s13] =	ssyncset.done $0x0  }
0x3d: {  	[sflag:s13] =	ssyncadd.s32 $0xFFFFC000  }
0x3e: {  	s30 =	simm.s32 $0x0;
	[bflag:$0x0] =	sbarrier.arrive $0xFFFF  }
0x3f: {  	[tilespmem:s15], [sflag:$0x1] =	stream.indirect.gather [hbm4b:s4+s16], $0x80, s30, s16, $0xb8;
	[tilespmem:$0x1D000] =	vst v63  }
0x40: {  	_ =	swait.ge [sflag:s17], $0x4000  }
0x41: {  	[sflag:s17] =	ssyncset.done $0x0  }
0x42: {  	s31 =	simm.s32 $0x2800;
	[sflag:s17] =	ssyncadd.s32 $0xFFFFC000  }
0x43: {  	[spmem:s2] =	stream.indirect.scatter.add.f32 [tilespmem:s15], [sflag:$0x2], $0x80, s31, s16, $0xb8;
	[tilespmem:$0x1D000] =	vst v63  }
0x44: {  	_ =	swait.ge [sflag:s13], $0x4000  }
0x45: {  	s24 =	simm.s32 $0x200;
	s25 =	simm.s32 $0x400;
	[sflag:s13] =	ssyncset.done $0x0  }
.LBB2_4:
0x46: {  	s26 =	sshra.s32 s24, $0x2  }
0x47: {  	[sflag:s13] =	ssyncadd.s32 $0xFFFFC000;
	s24 =	smov.u32 s25;
	s28 =	sadd.s32 $0x200, s25  }
0x48: {  	[tilespmem:s15], [sflag:$0x1] =	stream.indirect.gather [hbm4b:s4+s16], $0x80, s26, s16, $0xb8;
	[tilespmem:$0x1D000] =	vst v63  }
0x49: {  	p1 =	sne.s32 s25, $0x9E00;
	_ =	swait.ge [sflag:s17], $0x4000  }
.Ltmp1:
0x4a: {  	[sflag:s17] =	ssyncset.done $0x0;
	(pc) =	sbr.rel @p1 .LBB2_4-.Ltmp1, $4  }
0x4b: {  	s25 =	sadd.s32 $0x2800, s26;
	[sflag:s17] =	ssyncadd.s32 $0xFFFFC000  }
0x4c: {  	[spmem:s2] =	stream.indirect.scatter.add.f32 [tilespmem:s15], [sflag:$0x2], $0x80, s25, s16, $0xb8;
	[tilespmem:$0x1D000] =	vst v63  }
0x4d: {  	_ =	swait.ge [sflag:s13], $0x4000  }
0x4e: {  	s25 =	smov.u32 s28;
	[sflag:s13] =	ssyncset.done $0x0  }
0x4f: {  	s24 =	sshra.s32 s24, $0x2;
	[sflag:s13] =	ssyncadd.s32 $0xFFFFC000  }
0x50: {  	[tilespmem:s15], [sflag:$0x1] =	stream.indirect.gather [hbm4b:s4+s16], $0x80, s24, s16, $0xb8;
	[tilespmem:$0x1D000] =	vst v63  }
0x51: {  	_ =	swait.ge [sflag:s17], $0x4000  }
0x52: {  	[sflag:s17] =	ssyncset.done $0x0  }
0x53: {  	s24 =	sadd.s32 $0x2800, s24;
	[sflag:s17] =	ssyncadd.s32 $0xFFFFC000  }
0x54: {  	[spmem:s2] =	stream.indirect.scatter.add.f32 [tilespmem:s15], [sflag:$0x2], $0x80, s24, s16, $0xb8;
	[tilespmem:$0x1D000] =	vst v63  }
0x55: {  	_ =	swait.ge [sflag:s13], $0x4000  }
0x56: {  	[sflag:s13] =	ssyncset.done $0x0  }
0x57: {  	[sflag:s13] =	ssyncadd.s32 $0xFFFFC000  }
0x58: {  	s24 =	simm.s32 @p0 $0x1FC2;
	[bflag:$0x0] =	sbarrier.arrive $0xFFFF  }
0x59: {  	[hbm:s18], [sflag:s24] =	dma.local @p0 [spmem:s19], $0x2080  }
0x5a: {  	s24 =	simm.s32 @p0 $0x2  }
0x5b: {  	s23 =	sadd.s32 $0x1, s23;
	_ =	swait.ge @p0 [sflag:s24], $0x2080  }
0x5c: {  	p1 =	sne.s32 s23, s12;
	[sflag:s24] =	ssyncset.done @p0 $0x0  }
.Ltmp2:
0x5d: {  	[sflag:s24] =	ssyncadd.s32 @p0 $0xFFFFDF80;
	s24 =	simm.s32 @!p0 $0x2;
	(pc) =	sbr.rel @p1 .LBB2_1-.Ltmp2, $4  }
0x5e: {  	[hbm:s20], [sflag:s21] =	dma.local @!p0 [spmem:s22], $0x2780  }
0x5f: {  	_ =	swait.ge @!p0 [sflag:s24], $0x2780  }
0x60: {  	[sflag:s24] =	ssyncset.done @!p0 $0x0  }
0x61: {  	[sflag:s24] =	ssyncadd.s32 @!p0 $0xFFFFD880  }
0x62: {  	_ =	sfence.sel $0x180000  }
0x63: {  	[bflag:$0x0] =	sbarrier.arrive $0xFFFF  }
0x64: {  	p0 =	sne.s32 s0, $0x0;
	_ =	strace $0x9000004A  }
0x65: {  	s0 =	sadd.s32 @!p0 $0x100000, s1;
	[bflag:$0x2] =	sbarrier.arrive $0xFFFF  }
0x66: {  	[sflag:s0] =	ssyncadd.tile.s32 @!p0 $0x1;
	_ =	shalt  }
.Lfunc_end2:
_tile_overlayer_lowered:
.L_overlay_start_2:
0x67: {  	(tag) =	ssettag $0x2  }
0x68: {  	s0 =	rddreg [dreg:$0x0];
	s2 =	stileid.u32  }
0x69: {  	s1 =	rddreg [dreg:$0x1];
	p0 =	sne.s32 s2, $0x0  }
0x6a: {  	s3 =	rddreg [dreg:$0x2];
	[bflag:$0x3] =	sbarrier.arrive $0xFFFF;
	s2 =	simm.s32 @!p0 $0x1C02  }
0x6b: {  	[timem:s3], [sflag:s2] =	dma.local @!p0 [hbm:s0], s1  }
0x6c: {  	s0 =	simm.s32 @!p0 $0x2  }
0x6d: {  	_ =	swait.ge @!p0 [sflag:s0], s1  }
0x6e: {  	s1 =	ssub.s32 @!p0 $0x0, s1;
	[sflag:s0] =	ssyncset.done @!p0 $0x0  }
0x6f: {  	[sflag:s0] =	ssyncadd.s32 @!p0 s1  }
0x70: {  	[bflag:$0x3] =	sbarrier.arrive $0xFFFF  }
0x71: {  	_ =	shalt  }

// kernel: kernel.18.cloned.1.call-start
scs
__scs_entry_jumppad:
0x0: {  	(pc) =	sbr.rel $0x88, $3  }
0x1: {  	(tag) =	ssettag $0x0;
	lr =	simm.s32 $0x1  }
0x2: {  	[smem:$0x3F99] =	sst lr;
	_ =	strace $0xD0000000  }
0x3: {  	_ = 	snop  }
0x4: {  	_ = 	snop  }
0x5: {  	_ = 	snop  }
0x6: {  	_ = 	snop  }
0x7: {  	_ = 	snop  }
__scs_overlays_trampoline_lowered:
0x8: {  	[smem:$0x3FA8] =	sst s0  }
0x9: {  	[smem:$0x3FA9] =	sst s1  }
0xa: {  	[smem:$0x3FAA] =	sst s2  }
0xb: {  	[smem:$0x3FAB] =	sst s3  }
0xc: {  	[smem:$0x3FAC] =	sst s4  }
0xd: {  	[smem:$0x3FAD] =	sst s5  }
0xe: {  	[smem:$0x3FAE] =	sst s6  }
0xf: {  	[smem:$0x3FAF] =	sst s7  }
0x10: {  	[smem:$0x3FB0] =	sst s8  }
0x11: {  	[smem:$0x3FB1] =	sst s9;
	s0 =	simm.s32 @!p0 $0x0  }
0x12: {  	s1 =	sld [smem:$0x3F97];
	s0 =	simm.s32 @p0 $0x1  }
0x13: {  	[smem:$0x3FB2] =	sst s0;
	s0 =	simm.s32 @!p1 $0x0  }
0x14: {  	s2 =	sld [smem:$0x3F96];
	s0 =	simm.s32 @p1 $0x1  }
0x15: {  	[smem:$0x3FB3] =	sst s0;
	s0 =	simm.s32 @!p2 $0x0  }
0x16: {  	s3 =	sld [smem:$0x3FDB];
	s0 =	simm.s32 @p2 $0x1  }
0x17: {  	s4 =	simm.s32 $0x1BF5;
	[smem:$0x3FB5] =	sst s0  }
0x18: {  	s0 =	sld [smem:$0x3F98];
	_ =	swait.ge [sflag:s4], $0x0  }
0x19: {  	s7 =	sld [smem:$0x3F99]  }
0x1a: {  	s8 =	sadd.s32 $0xFFFFE003, lr  }
0x1b: {  	s9 =	sadd.s32 $0xFFFFFEF7, lr;
	s5 =	simm.s32 $0xFFFFFFFF;
	p2 =	slt.u32 s8, $0xFFFFF086  }
0x1c: {  	p1 =	slt.u32 s9, $0xF7A;
	s5 =	simm.s32 @!p2 $0x0  }
0x1d: {  	s5 =	simm.s32 @p1 $0x1;
	p0 =	seq.s32 s7, s2  }
0x1e: {  	s7 =	smul.u32 @!p0 $0xF7A, s2;
	p2 =	seq.s32 @!p0 s5, $0x0  }
0x1f: {  	s9 =	smul.u32 $0xF7A, s1;
	s8 =	simm.s32 @!p0 $0x1BF5;
	p2 =	por !p2, p0  }
0x20: {  	[sflag:s8] =	ssyncset.s32 @!p0 $0xFFFFF086;
	s6 =	sadd.s32 @!p0 s3, s7;
	s7 =	simm.s32 @!p0 $0x108  }
0x21: {  	s3 =	sadd.s32 s3, s9;
	s6 =	sadd.s32 @!p0 $0x88, s6;
	s7 =	simm.s32 @p2 $0x1082  }
0x22: {  	[simem:s7], [sflag:s8] =	dma.local @!p0 [hbm:s6], $0xF7A  }
0x23: {  	s9 =	sor.u32 $0xD0000000, s2;
	s6 =	simm.s32 $0x108;
	_ =	swait.ge @!p0 [sflag:s8], $0x0  }
0x24: {  	s3 =	sadd.s32 $0x88, s3;
	s6 =	simm.s32 @!p1 $0x1082;
	[sflag:s4] =	ssyncset.s32 $0xFFFFF086  }
0x25: {  	[simem:s6], [sflag:s4] =	dma.local [hbm:s3], $0xF7A  }
0x26: {  	[smem:$0x3F99] =	sst s1;
	(tag) =	ssettag s2;
	_ =	strace s9  }
0x27: {  	s1 =	sld [smem:$0x3FA9]  }
0x28: {  	s2 =	sld [smem:$0x3FAA]  }
0x29: {  	s4 =	sld [smem:$0x3FAC]  }
0x2a: {  	p0 =	seq.s32 s5, $0x0;
	s5 =	sld [smem:$0x3FAD]  }
0x2b: {  	s6 =	sld [smem:$0x3FAE]  }
0x2c: {  	s7 =	sld [smem:$0x3FAF]  }
0x2d: {  	s3 =	simm.s32 $0x108;
	s8 =	sld [smem:$0x3FB0]  }
0x2e: {  	s3 =	simm.s32 @!p0 $0x1082;
	s9 =	sld [smem:$0x3FB1]  }
0x2f: {  	lr =	sadd.s32 s0, s3;
	s0 =	sld [smem:$0x3FA8]  }
0x30: {  	s3 =	sld [smem:$0x3FAB]  }
0x31: {  	[smem:$0x3FB4] =	sst s10  }
0x32: {  	s10 =	sld [smem:$0x3FB2];
	_ =	sdelay $0x3  }
0x33: {  	p0 =	seq.s32 s10, $0x1;
	s10 =	sld [smem:$0x3FB4];
	_ =	sdelay $0x3  }
0x34: {  	[smem:$0x3FB4] =	sst s10  }
0x35: {  	s10 =	sld [smem:$0x3FB3];
	_ =	sdelay $0x3  }
0x36: {  	p1 =	seq.s32 s10, $0x1;
	s10 =	sld [smem:$0x3FB4];
	_ =	sdelay $0x3  }
0x37: {  	[smem:$0x3FB4] =	sst s10  }
0x38: {  	s10 =	sld [smem:$0x3FB5]  }
0x39: {  	_ = 	snop;
	(pc) =	sbr.ind lr, $3  }
0x3a: {  	_ = 	snop  }
0x3b: {  	_ = 	snop  }
0x3c: {  	p2 =	seq.s32 s10, $0x1;
	s10 =	sld [smem:$0x3FB4]  }
0x3d: {  	_ =	shalt  }
0x3e: {  	_ =	shalt  }
0x3f: {  	_ =	shalt  }
0x40: {  	_ =	shalt  }
0x41: {  	_ =	shalt  }
0x42: {  	_ =	shalt  }
0x43: {  	_ =	shalt  }
0x44: {  	_ =	shalt  }
0x45: {  	_ =	shalt  }
0x46: {  	_ =	shalt  }
0x47: {  	_ =	shalt  }
0x48: {  	_ =	shalt  }
0x49: {  	_ =	shalt  }
0x4a: {  	_ =	shalt  }
0x4b: {  	_ =	shalt  }
0x4c: {  	_ =	shalt  }
0x4d: {  	_ =	shalt  }
0x4e: {  	_ =	shalt  }
0x4f: {  	_ =	shalt  }
0x50: {  	_ =	shalt  }
0x51: {  	_ =	shalt  }
0x52: {  	_ =	shalt  }
0x53: {  	_ =	shalt  }
0x54: {  	_ =	shalt  }
0x55: {  	_ =	shalt  }
0x56: {  	_ =	shalt  }
0x57: {  	_ =	shalt  }
0x58: {  	_ =	shalt  }
0x59: {  	_ =	shalt  }
0x5a: {  	_ =	shalt  }
0x5b: {  	_ =	shalt  }
0x5c: {  	_ =	shalt  }
0x5d: {  	_ =	shalt  }
0x5e: {  	_ =	shalt  }
0x5f: {  	_ =	shalt  }
0x60: {  	_ =	shalt  }
0x61: {  	_ =	shalt  }
0x62: {  	_ =	shalt  }
0x63: {  	_ =	shalt  }
0x64: {  	_ =	shalt  }
0x65: {  	_ =	shalt  }
0x66: {  	_ =	shalt  }
0x67: {  	_ =	shalt  }
0x68: {  	_ =	shalt  }
0x69: {  	_ =	shalt  }
0x6a: {  	_ =	shalt  }
0x6b: {  	_ =	shalt  }
0x6c: {  	_ =	shalt  }
0x6d: {  	_ =	shalt  }
0x6e: {  	_ =	shalt  }
0x6f: {  	_ =	shalt  }
0x70: {  	_ =	shalt  }
0x71: {  	_ =	shalt  }
0x72: {  	_ =	shalt  }
0x73: {  	_ =	shalt  }
0x74: {  	_ =	shalt  }
0x75: {  	_ =	shalt  }
0x76: {  	_ =	shalt  }
0x77: {  	_ =	shalt  }
0x78: {  	_ =	shalt  }
0x79: {  	_ =	shalt  }
0x7a: {  	_ =	shalt  }
0x7b: {  	_ =	shalt  }
0x7c: {  	_ =	shalt  }
0x7d: {  	_ =	shalt  }
0x7e: {  	_ =	shalt  }
0x7f: {  	_ =	shalt  }
0x80: {  	_ =	shalt  }
0x81: {  	_ =	shalt  }
0x82: {  	_ =	shalt  }
0x83: {  	_ =	shalt  }
0x84: {  	_ =	shalt  }
0x85: {  	_ =	shalt  }
0x86: {  	_ =	shalt  }
0x87: {  	_ =	shalt  }
.Lfunc_end0:
.L_simem_size_0:
called_computation.2_lowered:
.L_overlay_start_0:
0x88: {  	s2 =	sld [smem:$0x3FD9]  }
0x89: {  	s3 =	sld [smem:$0x3FFE];
	_ =	sdelay $0x1  }
0x8a: {  	s1 =	srdreg.scid  }
0x8b: {  	s0 =	sand.u32 $0x1, s1  }
0x8c: {  	s16 =	sshll.u32 s0, $0xA;
	s2 =	sadd.s32 s3, s2  }
0x8d: {  	s2 =	sadd.s32 s2, s16  }
0x8e: {  	[smem:$0x3FC0] =	sst s2  }
0x8f: {  	_ = 	snop  }
0x90: {  	(tm) =	ssettm $0x1  }
0x91: {  	s17 =	sld [smem:$0x3FFB];
	_ =	sdelay $0x3  }
0x92: {  	_ =	strace s17  }
0x93: {  	s2 =	sld [smem:$0x3FFC];
	_ =	sdelay $0x3  }
0x94: {  	_ =	strace s2  }
0x95: {  	s2 =	sld [smem:$0x3FFD];
	_ =	sdelay $0x3  }
0x96: {  	_ =	strace s2  }
0x97: {  	_ =	strace $0x8FFFFFFF  }
0x98: {  	s18 =	sld [smem:$0x3FDB];
	_ =	sdelay $0x1  }
0x99: {  	s19 =	simm.s32 $_scs_section_size  }
0x9a: {  	s4 =	simm.s32 $_size__tile_overlayer_lowered;
	s5 =	simm.s32 $_tile_overlayer_lowered  }
0x9b: {  	s22 =	simm.s32 $0x1BFF;
	s21 =	sshll.u32 s5, $0x1;
	s2 =	sadd.s32 s19, s18  }
0x9c: {  	s6 =	simm.s32 $0x0;
	s20 =	sshll.u32 s4, $0x1;
	s4 =	sadd.s32 s21, s2  }
0x9d: {  	[timem:s6], [sflag:s22] =	dma.local [hbm:s4], s20  }
0x9e: {  	_ =	swait.ge [sflag:s22], s20  }
0x9f: {  	s3 =	ssub.s32 $0x0, s20;
	[sflag:s22] =	ssyncset.done $0x0  }
0xa0: {  	[sflag:s22] =	ssyncadd.s32 s3;
	_ =	sdelay $0x1  }
0xa1: {  	s23 =	simm.s32 $0x1B8B  }
0xa2: {  	_ =	swait.ge [sflag:s23], $0x1  }
0xa3: {  	[sflag:s23] =	ssyncset.done $0x0  }
0xa4: {  	s25 =	simm.s32 $0x1B8E;
	s24 =	sld [smem:$0x3FFE];
	[sflag:s23] =	ssyncadd.s32 $0xFFFFFFFF  }
0xa5: {  	s26 =	simm.s32 $execute0_lowered;
	[smem:$0x3FD2] =	sst s25  }
0xa6: {  	s4 =	sshll.u32 s26, $0x1;
	_ =	strace $0x8000004C;
	[dreg:$0x1] =	wrdreg $0xFFFFFFFF  }
0xa7: {  	s28 =	simm.s32 $_size_execute0_lowered;
	s2 =	sadd.s32 s2, s4;
	[dreg:$0x0] =	wrdreg $0x0  }
0xa8: {  	s4 =	sshll.u32 s28, $0x1;
	[dreg:$0x2] =	wrdreg s2  }
0xa9: {  	[dreg:$0x3] =	wrdreg s4  }
0xaa: {  	[dreg:$0x4] =	wrdreg $0xC0  }
0xab: {  	_ =	task [dreg:s6], $0x5FFFF  }
0xac: {  	[dreg:$0x1] =	wrdreg $0xFFFFFFFF  }
0xad: {  	[dreg:$0x0] =	wrdreg $0x60  }
0xae: {  	[dreg:$0x2] =	wrdreg s24  }
0xaf: {  	[dreg:$0x3] =	wrdreg $0x90000  }
0xb0: {  	[dreg:$0x4] =	wrdreg $0x9  }
0xb1: {  	_ =	task.clear_ibuf [dreg:s6], $0x5FFFF;
	_ =	strace $0x9000004C  }
0xb2: {  	s29 =	simm.s32 $0x9;
	_ =	strace $0x8000004E  }
0xb3: {  	_ =	swait.ge [sflag:s29], $0x1  }
0xb4: {  	[sflag:s29] =	ssyncadd.s32 $0xFFFFFFFF  }
0xb5: {  	_ =	strace $0x9000004E  }
0xb6: {  	_ =	sfence  }
0xb7: {  	s30 =	sld [smem:$0x0];
	_ =	sdelay $0x2  }
0xb8: {  	s31 =	sshll.u32 s1, $0xD;
	s1 =	sshrl.u32 s1, $0x2  }
0xb9: {  	s3 =	sand.u32 $0x4000, s31;
	s1 =	sadd.s32 s1, s30  }
0xba: {  	s0 =	sor.u32 s3, s0;
	s1 =	sshll.u32 s1, $0x11  }
0xbb: {  	s0 =	sor.u32 s1, s0  }
0xbc: {  	s0 =	sadd.s32 $0x8F2B, s0  }
0xbd: {  	[sflag:s0] =	ssyncadd.remote.s32 $0x1  }
0xbe: {  	_ =	sfence.sel $0xFFFF  }
0xbf: {  	[dreg:$0x0] =	wrdreg $0xFFFFFFFF;
	(pc) =	sbr.abs _section_cstart, $3  }
0xc0: {  	[dreg:$0x1] =	wrdreg $0xFFFFFFFF  }
0xc1: {  	_ =	task.clear_ibuf [dreg:s6], $0x2FFFF;
	_ =	strace $0x9FFFFFFF  }
0xc2: {  	(tm) =	ssettm $0x7FFFFFFF  }
0xc3: {  	_ =	shalt  }
tec
execute0_lowered:
.L_overlay_start_1:
0x0: {  	(tag) =	ssettag $0x1  }
0x1: {  	s5 =	rddreg [dreg:$0x0]  }
0x2: {  	s0 =	srdreg.scid;
	s2 =	rddreg [dreg:$0x1]  }
0x3: {  	s3 =	simm.s32 $0x0;
	s15 =	simm.s32 $0x5000;
	s16 =	simm.s32 $0x80  }
0x4: {  	s17 =	simm.s32 $0x1;
	s4 =	sand.u32 $0x1, s0;
	s0 =	stileid.u32  }
0x5: {  	s23 =	simm.s32 $0x0;
	[smem:$0x7FF] =	sst s3;
	s7 =	smul.u32 $0x27100, s4  }
0x6: {  	s19 =	sadd.s32 $0x128400, s2;
	s1 =	sshll.u32 s4, $0x4;
	s9 =	smul.u32 $0x50000, s0  }
0x7: {  	s8 =	ssub.s32 $0x2, s4;
	s4 =	sadd.s32 $0x65A00, s5;
	s14 =	smul.u32 $0x4F000, s0  }
0x8: {  	s21 =	smul.u32 $0x2780, s0;
	p0 =	seq.s32 s0, $0xF;
	s6 =	sor.u32 s0, s1  }
0x9: {  	s1 =	rddreg [dreg:$0x2];
	_ =	strace $0x8000004D;
	s30 =	sshrl.u32 s8, $0x1  }
0xa: {  	s19 =	sshrl.u32 @p0 s19, $0x3;
	s6 =	smul.u32 $0x500, s6;
	s12 =	sadd.s32 s7, s5  }
0xb: {  	s13 =	ssub.s32 s8, s30;
	s31 =	sshrl.u32 s9, $0x2;
	s14 =	sshrl.u32 s14, $0x2  }
0xc: {  	s20 =	sadd.s32 $0xDAE00, s12;
	s22 =	sadd.s32 s14, s2;
	s12 =	smax.u32 s13, $0x1  }
0xd: {  	s13 =	simm.s32 $0x2;
	s14 =	simm.s32 $0x2800;
	s10 =	sadd.s32 s6, s5  }
0xe: {  	s6 =	sadd.s32 s31, s2;
	s18 =	sadd.s32 @p0 $0x25080, s20;
	s20 =	sadd.s32 @!p0 s21, s20  }
0xf: {  	s21 =	sshll.u32 @!p0 s0, $0x6;
	s22 =	sshrl.u32 @!p0 s22, $0x3;
	s5 =	sadd.s32 $0xD800, s10  }
0x10: {  	s7 =	sadd.s32 $0x3800, s10;
	s8 =	sadd.s32 $0x4000, s6;
	s9 =	sadd.s32 $0x8000, s6  }
0x11: {  	v0 =	vimm.f32 $0.0e+00;
	s10 =	sadd.s32 $0xC000, s6;
	s11 =	sadd.s32 $0x10000, s6;
	s21 =	sor.u32 @!p0 $0x1C02, s21  }
.LBB2_1:
0x12: {  	[tilespmem:s3], [sflag:$0x2] =	stream.linear.gather [hbm4b:s5+s3], $0x2800, $0x38;
	[tilespmem:$0x1D000] =	vst v63  }
0x13: {  	_ =	swait.ge [sflag:s13], $0x2800  }
0x14: {  	[sflag:s13] =	ssyncset.done $0x0  }
0x15: {  	[sflag:s13] =	ssyncadd.s32 $0xFFFFD800  }
0x16: {  	[tilespmem:s14], [sflag:$0x2] =	stream.linear.gather [hbm4b:s7+s3], $0x2800, $0x38;
	[tilespmem:$0x1D000] =	vst v63  }
0x17: {  	_ =	swait.ge [sflag:s13], $0x2800  }
0x18: {  	[sflag:s13] =	ssyncset.done $0x0  }
0x19: {  	s24 =	simm.s32 $0x0;
	s25 =	simm.s32 $0x200;
	[sflag:s13] =	ssyncadd.s32 $0xFFFFD800  }
.LBB2_2:
0x1a: {  	p1 =	sne.s32 s25, $0xFE00;
	[tilespmem:s24+$0x5070] =	vst v0  }
0x1b: {  	[tilespmem:s24+$0x5000] =	vst v0  }
0x1c: {  	[tilespmem:s24+$0x5010] =	vst v0  }
.Ltmp0:
0x1d: {  	[tilespmem:s24+$0x5020] =	vst v0;
	(pc) =	sbr.rel @p1 .LBB2_2-.Ltmp0, $4  }
0x1e: {  	[tilespmem:s24+$0x5030] =	vst v0  }
0x1f: {  	[tilespmem:s24+$0x5040] =	vst v0  }
0x20: {  	[tilespmem:s24+$0x5050] =	vst v0  }
0x21: {  	[tilespmem:s24+$0x5060] =	vst v0;
	s24 =	sshra.s32 s25, $0x2;
	s25 =	sadd.s32 $0x200, s25  }
0x22: {  	[tilespmem:s24+$0x5070] =	vst v0  }
0x23: {  	[tilespmem:s24+$0x5000] =	vst v0  }
0x24: {  	[tilespmem:s24+$0x5010] =	vst v0  }
0x25: {  	[tilespmem:s24+$0x5020] =	vst v0  }
0x26: {  	[tilespmem:s24+$0x5030] =	vst v0  }
0x27: {  	[tilespmem:s24+$0x5040] =	vst v0  }
0x28: {  	[tilespmem:s24+$0x5050] =	vst v0  }
0x29: {  	[tilespmem:s24+$0x5060] =	vst v0  }
0x2a: {  	[spmem:s6] =	stream.linear.scatter [tilespmem:s15], [sflag:$0x2], $0x4000, $0x38;
	[tilespmem:$0x1D000] =	vst v63  }
0x2b: {  	_ =	swait.ge [sflag:s13], $0x4000  }
0x2c: {  	[sflag:s13] =	ssyncset.done $0x0  }
0x2d: {  	[sflag:s13] =	ssyncadd.s32 $0xFFFFC000  }
0x2e: {  	[spmem:s8] =	stream.linear.scatter [tilespmem:s15], [sflag:$0x2], $0x4000, $0x38;
	[tilespmem:$0x1D000] =	vst v63  }
0x2f: {  	_ =	swait.ge [sflag:s13], $0x4000  }
0x30: {  	[sflag:s13] =	ssyncset.done $0x0  }
0x31: {  	[sflag:s13] =	ssyncadd.s32 $0xFFFFC000  }
0x32: {  	[spmem:s9] =	stream.linear.scatter [tilespmem:s15], [sflag:$0x2], $0x4000, $0x38;
	[tilespmem:$0x1D000] =	vst v63  }
0x33: {  	_ =	swait.ge [sflag:s13], $0x4000  }
0x34: {  	[sflag:s13] =	ssyncset.done $0x0  }
0x35: {  	[sflag:s13] =	ssyncadd.s32 $0xFFFFC000  }
0x36: {  	[spmem:s10] =	stream.linear.scatter [tilespmem:s15], [sflag:$0x2], $0x4000, $0x38;
	[tilespmem:$0x1D000] =	vst v63  }
0x37: {  	_ =	swait.ge [sflag:s13], $0x4000  }
0x38: {  	[sflag:s13] =	ssyncset.done $0x0  }
0x39: {  	[sflag:s13] =	ssyncadd.s32 $0xFFFFC000  }
0x3a: {  	[spmem:s11] =	stream.linear.scatter [tilespmem:s15], [sflag:$0x2], $0x4000, $0x38;
	[tilespmem:$0x1D000] =	vst v63  }
0x3b: {  	_ =	swait.ge [sflag:s13], $0x4000  }
0x3c: {  	[sflag:s13] =	ssyncset.done $0x0  }
0x3d: {  	[sflag:s13] =	ssyncadd.s32 $0xFFFFC000  }
0x3e: {  	s30 =	simm.s32 $0x0;
	[bflag:$0x0] =	sbarrier.arrive $0xFFFF  }
0x3f: {  	[tilespmem:s15], [sflag:$0x1] =	stream.indirect.gather [hbm4b:s4+s16], $0x80, s30, s16, $0xb8;
	[tilespmem:$0x1D000] =	vst v63  }
0x40: {  	_ =	swait.ge [sflag:s17], $0x4000  }
0x41: {  	[sflag:s17] =	ssyncset.done $0x0  }
0x42: {  	s31 =	simm.s32 $0x2800;
	[sflag:s17] =	ssyncadd.s32 $0xFFFFC000  }
0x43: {  	[spmem:s2] =	stream.indirect.scatter.add.f32 [tilespmem:s15], [sflag:$0x2], $0x80, s31, s16, $0xb8;
	[tilespmem:$0x1D000] =	vst v63  }
0x44: {  	_ =	swait.ge [sflag:s13], $0x4000  }
0x45: {  	s24 =	simm.s32 $0x200;
	s25 =	simm.s32 $0x400;
	[sflag:s13] =	ssyncset.done $0x0  }
.LBB2_4:
0x46: {  	s26 =	sshra.s32 s24, $0x2  }
0x47: {  	[sflag:s13] =	ssyncadd.s32 $0xFFFFC000;
	s24 =	smov.u32 s25;
	s28 =	sadd.s32 $0x200, s25  }
0x48: {  	[tilespmem:s15], [sflag:$0x1] =	stream.indirect.gather [hbm4b:s4+s16], $0x80, s26, s16, $0xb8;
	[tilespmem:$0x1D000] =	vst v63  }
0x49: {  	p1 =	sne.s32 s25, $0x9E00;
	_ =	swait.ge [sflag:s17], $0x4000  }
.Ltmp1:
0x4a: {  	[sflag:s17] =	ssyncset.done $0x0;
	(pc) =	sbr.rel @p1 .LBB2_4-.Ltmp1, $4  }
0x4b: {  	s25 =	sadd.s32 $0x2800, s26;
	[sflag:s17] =	ssyncadd.s32 $0xFFFFC000  }
0x4c: {  	[spmem:s2] =	stream.indirect.scatter.add.f32 [tilespmem:s15], [sflag:$0x2], $0x80, s25, s16, $0xb8;
	[tilespmem:$0x1D000] =	vst v63  }
0x4d: {  	_ =	swait.ge [sflag:s13], $0x4000  }
0x4e: {  	s25 =	smov.u32 s28;
	[sflag:s13] =	ssyncset.done $0x0  }
0x4f: {  	s24 =	sshra.s32 s24, $0x2;
	[sflag:s13] =	ssyncadd.s32 $0xFFFFC000  }
0x50: {  	[tilespmem:s15], [sflag:$0x1] =	stream.indirect.gather [hbm4b:s4+s16], $0x80, s24, s16, $0xb8;
	[tilespmem:$0x1D000] =	vst v63  }
0x51: {  	_ =	swait.ge [sflag:s17], $0x4000  }
0x52: {  	[sflag:s17] =	ssyncset.done $0x0  }
0x53: {  	s24 =	sadd.s32 $0x2800, s24;
	[sflag:s17] =	ssyncadd.s32 $0xFFFFC000  }
0x54: {  	[spmem:s2] =	stream.indirect.scatter.add.f32 [tilespmem:s15], [sflag:$0x2], $0x80, s24, s16, $0xb8;
	[tilespmem:$0x1D000] =	vst v63  }
0x55: {  	_ =	swait.ge [sflag:s13], $0x4000  }
0x56: {  	[sflag:s13] =	ssyncset.done $0x0  }
0x57: {  	[sflag:s13] =	ssyncadd.s32 $0xFFFFC000  }
0x58: {  	s24 =	simm.s32 @p0 $0x1FC2;
	[bflag:$0x0] =	sbarrier.arrive $0xFFFF  }
0x59: {  	[hbm:s18], [sflag:s24] =	dma.local @p0 [spmem:s19], $0x2080  }
0x5a: {  	s24 =	simm.s32 @p0 $0x2  }
0x5b: {  	s23 =	sadd.s32 $0x1, s23;
	_ =	swait.ge @p0 [sflag:s24], $0x2080  }
0x5c: {  	p1 =	sne.s32 s23, s12;
	[sflag:s24] =	ssyncset.done @p0 $0x0  }
.Ltmp2:
0x5d: {  	[sflag:s24] =	ssyncadd.s32 @p0 $0xFFFFDF80;
	s24 =	simm.s32 @!p0 $0x2;
	(pc) =	sbr.rel @p1 .LBB2_1-.Ltmp2, $4  }
0x5e: {  	[hbm:s20], [sflag:s21] =	dma.local @!p0 [spmem:s22], $0x2780  }
0x5f: {  	_ =	swait.ge @!p0 [sflag:s24], $0x2780  }
0x60: {  	[sflag:s24] =	ssyncset.done @!p0 $0x0  }
0x61: {  	[sflag:s24] =	ssyncadd.s32 @!p0 $0xFFFFD880  }
0x62: {  	_ =	sfence.sel $0x180000  }
0x63: {  	[bflag:$0x0] =	sbarrier.arrive $0xFFFF  }
0x64: {  	p0 =	sne.s32 s0, $0x0;
	_ =	strace $0x9000004D  }
0x65: {  	s0 =	sadd.s32 @!p0 $0x100000, s1;
	[bflag:$0x2] =	sbarrier.arrive $0xFFFF  }
0x66: {  	[sflag:s0] =	ssyncadd.tile.s32 @!p0 $0x1;
	_ =	shalt  }
.Lfunc_end2:
_tile_overlayer_lowered:
.L_overlay_start_2:
0x67: {  	(tag) =	ssettag $0x2  }
0x68: {  	s0 =	rddreg [dreg:$0x0];
	s2 =	stileid.u32  }
0x69: {  	s1 =	rddreg [dreg:$0x1];
	p0 =	sne.s32 s2, $0x0  }
0x6a: {  	s3 =	rddreg [dreg:$0x2];
	[bflag:$0x3] =	sbarrier.arrive $0xFFFF;
	s2 =	simm.s32 @!p0 $0x1C02  }
0x6b: {  	[timem:s3], [sflag:s2] =	dma.local @!p0 [hbm:s0], s1  }
0x6c: {  	s0 =	simm.s32 @!p0 $0x2  }
0x6d: {  	_ =	swait.ge @!p0 [sflag:s0], s1  }
0x6e: {  	s1 =	ssub.s32 @!p0 $0x0, s1;
	[sflag:s0] =	ssyncset.done @!p0 $0x0  }
0x6f: {  	[sflag:s0] =	ssyncadd.s32 @!p0 s1  }
0x70: {  	[bflag:$0x3] =	sbarrier.arrive $0xFFFF  }
0x71: {  	_ =	shalt  }

// kernel: kernel.21.cloned.1.call-start
scs
__scs_entry_jumppad:
0x0: {  	(pc) =	sbr.rel $0x88, $3  }
0x1: {  	(tag) =	ssettag $0x0;
	lr =	simm.s32 $0x1  }
0x2: {  	[smem:$0x3F99] =	sst lr;
	_ =	strace $0xD0000000  }
0x3: {  	_ = 	snop  }
0x4: {  	_ = 	snop  }
0x5: {  	_ = 	snop  }
0x6: {  	_ = 	snop  }
0x7: {  	_ = 	snop  }
__scs_overlays_trampoline_lowered:
0x8: {  	[smem:$0x3FA8] =	sst s0  }
0x9: {  	[smem:$0x3FA9] =	sst s1  }
0xa: {  	[smem:$0x3FAA] =	sst s2  }
0xb: {  	[smem:$0x3FAB] =	sst s3  }
0xc: {  	[smem:$0x3FAC] =	sst s4  }
0xd: {  	[smem:$0x3FAD] =	sst s5  }
0xe: {  	[smem:$0x3FAE] =	sst s6  }
0xf: {  	[smem:$0x3FAF] =	sst s7  }
0x10: {  	[smem:$0x3FB0] =	sst s8  }
0x11: {  	[smem:$0x3FB1] =	sst s9;
	s0 =	simm.s32 @!p0 $0x0  }
0x12: {  	s1 =	sld [smem:$0x3F97];
	s0 =	simm.s32 @p0 $0x1  }
0x13: {  	[smem:$0x3FB2] =	sst s0;
	s0 =	simm.s32 @!p1 $0x0  }
0x14: {  	s2 =	sld [smem:$0x3F96];
	s0 =	simm.s32 @p1 $0x1  }
0x15: {  	[smem:$0x3FB3] =	sst s0;
	s0 =	simm.s32 @!p2 $0x0  }
0x16: {  	s3 =	sld [smem:$0x3FDB];
	s0 =	simm.s32 @p2 $0x1  }
0x17: {  	s4 =	simm.s32 $0x1BF5;
	[smem:$0x3FB5] =	sst s0  }
0x18: {  	s0 =	sld [smem:$0x3F98];
	_ =	swait.ge [sflag:s4], $0x0  }
0x19: {  	s7 =	sld [smem:$0x3F99]  }
0x1a: {  	s8 =	sadd.s32 $0xFFFFE003, lr  }
0x1b: {  	s9 =	sadd.s32 $0xFFFFFEF7, lr;
	s5 =	simm.s32 $0xFFFFFFFF;
	p2 =	slt.u32 s8, $0xFFFFF086  }
0x1c: {  	p1 =	slt.u32 s9, $0xF7A;
	s5 =	simm.s32 @!p2 $0x0  }
0x1d: {  	s5 =	simm.s32 @p1 $0x1;
	p0 =	seq.s32 s7, s2  }
0x1e: {  	s7 =	smul.u32 @!p0 $0xF7A, s2;
	p2 =	seq.s32 @!p0 s5, $0x0  }
0x1f: {  	s9 =	smul.u32 $0xF7A, s1;
	s8 =	simm.s32 @!p0 $0x1BF5;
	p2 =	por !p2, p0  }
0x20: {  	[sflag:s8] =	ssyncset.s32 @!p0 $0xFFFFF086;
	s6 =	sadd.s32 @!p0 s3, s7;
	s7 =	simm.s32 @!p0 $0x108  }
0x21: {  	s3 =	sadd.s32 s3, s9;
	s6 =	sadd.s32 @!p0 $0x88, s6;
	s7 =	simm.s32 @p2 $0x1082  }
0x22: {  	[simem:s7], [sflag:s8] =	dma.local @!p0 [hbm:s6], $0xF7A  }
0x23: {  	s9 =	sor.u32 $0xD0000000, s2;
	s6 =	simm.s32 $0x108;
	_ =	swait.ge @!p0 [sflag:s8], $0x0  }
0x24: {  	s3 =	sadd.s32 $0x88, s3;
	s6 =	simm.s32 @!p1 $0x1082;
	[sflag:s4] =	ssyncset.s32 $0xFFFFF086  }
0x25: {  	[simem:s6], [sflag:s4] =	dma.local [hbm:s3], $0xF7A  }
0x26: {  	[smem:$0x3F99] =	sst s1;
	(tag) =	ssettag s2;
	_ =	strace s9  }
0x27: {  	s1 =	sld [smem:$0x3FA9]  }
0x28: {  	s2 =	sld [smem:$0x3FAA]  }
0x29: {  	s4 =	sld [smem:$0x3FAC]  }
0x2a: {  	p0 =	seq.s32 s5, $0x0;
	s5 =	sld [smem:$0x3FAD]  }
0x2b: {  	s6 =	sld [smem:$0x3FAE]  }
0x2c: {  	s7 =	sld [smem:$0x3FAF]  }
0x2d: {  	s3 =	simm.s32 $0x108;
	s8 =	sld [smem:$0x3FB0]  }
0x2e: {  	s3 =	simm.s32 @!p0 $0x1082;
	s9 =	sld [smem:$0x3FB1]  }
0x2f: {  	lr =	sadd.s32 s0, s3;
	s0 =	sld [smem:$0x3FA8]  }
0x30: {  	s3 =	sld [smem:$0x3FAB]  }
0x31: {  	[smem:$0x3FB4] =	sst s10  }
0x32: {  	s10 =	sld [smem:$0x3FB2];
	_ =	sdelay $0x3  }
0x33: {  	p0 =	seq.s32 s10, $0x1;
	s10 =	sld [smem:$0x3FB4];
	_ =	sdelay $0x3  }
0x34: {  	[smem:$0x3FB4] =	sst s10  }
0x35: {  	s10 =	sld [smem:$0x3FB3];
	_ =	sdelay $0x3  }
0x36: {  	p1 =	seq.s32 s10, $0x1;
	s10 =	sld [smem:$0x3FB4];
	_ =	sdelay $0x3  }
0x37: {  	[smem:$0x3FB4] =	sst s10  }
0x38: {  	s10 =	sld [smem:$0x3FB5]  }
0x39: {  	_ = 	snop;
	(pc) =	sbr.ind lr, $3  }
0x3a: {  	_ = 	snop  }
0x3b: {  	_ = 	snop  }
0x3c: {  	p2 =	seq.s32 s10, $0x1;
	s10 =	sld [smem:$0x3FB4]  }
0x3d: {  	_ =	shalt  }
0x3e: {  	_ =	shalt  }
0x3f: {  	_ =	shalt  }
0x40: {  	_ =	shalt  }
0x41: {  	_ =	shalt  }
0x42: {  	_ =	shalt  }
0x43: {  	_ =	shalt  }
0x44: {  	_ =	shalt  }
0x45: {  	_ =	shalt  }
0x46: {  	_ =	shalt  }
0x47: {  	_ =	shalt  }
0x48: {  	_ =	shalt  }
0x49: {  	_ =	shalt  }
0x4a: {  	_ =	shalt  }
0x4b: {  	_ =	shalt  }
0x4c: {  	_ =	shalt  }
0x4d: {  	_ =	shalt  }
0x4e: {  	_ =	shalt  }
0x4f: {  	_ =	shalt  }
0x50: {  	_ =	shalt  }
0x51: {  	_ =	shalt  }
0x52: {  	_ =	shalt  }
0x53: {  	_ =	shalt  }
0x54: {  	_ =	shalt  }
0x55: {  	_ =	shalt  }
0x56: {  	_ =	shalt  }
0x57: {  	_ =	shalt  }
0x58: {  	_ =	shalt  }
0x59: {  	_ =	shalt  }
0x5a: {  	_ =	shalt  }
0x5b: {  	_ =	shalt  }
0x5c: {  	_ =	shalt  }
0x5d: {  	_ =	shalt  }
0x5e: {  	_ =	shalt  }
0x5f: {  	_ =	shalt  }
0x60: {  	_ =	shalt  }
0x61: {  	_ =	shalt  }
0x62: {  	_ =	shalt  }
0x63: {  	_ =	shalt  }
0x64: {  	_ =	shalt  }
0x65: {  	_ =	shalt  }
0x66: {  	_ =	shalt  }
0x67: {  	_ =	shalt  }
0x68: {  	_ =	shalt  }
0x69: {  	_ =	shalt  }
0x6a: {  	_ =	shalt  }
0x6b: {  	_ =	shalt  }
0x6c: {  	_ =	shalt  }
0x6d: {  	_ =	shalt  }
0x6e: {  	_ =	shalt  }
0x6f: {  	_ =	shalt  }
0x70: {  	_ =	shalt  }
0x71: {  	_ =	shalt  }
0x72: {  	_ =	shalt  }
0x73: {  	_ =	shalt  }
0x74: {  	_ =	shalt  }
0x75: {  	_ =	shalt  }
0x76: {  	_ =	shalt  }
0x77: {  	_ =	shalt  }
0x78: {  	_ =	shalt  }
0x79: {  	_ =	shalt  }
0x7a: {  	_ =	shalt  }
0x7b: {  	_ =	shalt  }
0x7c: {  	_ =	shalt  }
0x7d: {  	_ =	shalt  }
0x7e: {  	_ =	shalt  }
0x7f: {  	_ =	shalt  }
0x80: {  	_ =	shalt  }
0x81: {  	_ =	shalt  }
0x82: {  	_ =	shalt  }
0x83: {  	_ =	shalt  }
0x84: {  	_ =	shalt  }
0x85: {  	_ =	shalt  }
0x86: {  	_ =	shalt  }
0x87: {  	_ =	shalt  }
.Lfunc_end0:
.L_simem_size_0:
called_computation.3_lowered:
.L_overlay_start_0:
0x88: {  	s2 =	sld [smem:$0x3FD9]  }
0x89: {  	s3 =	sld [smem:$0x3FFE];
	_ =	sdelay $0x1  }
0x8a: {  	s1 =	srdreg.scid  }
0x8b: {  	s0 =	sand.u32 $0x1, s1  }
0x8c: {  	s16 =	sshll.u32 s0, $0xA;
	s2 =	sadd.s32 s3, s2  }
0x8d: {  	s2 =	sadd.s32 s2, s16  }
0x8e: {  	[smem:$0x3FC0] =	sst s2  }
0x8f: {  	_ = 	snop  }
0x90: {  	(tm) =	ssettm $0x1  }
0x91: {  	s17 =	sld [smem:$0x3FFB];
	_ =	sdelay $0x3  }
0x92: {  	_ =	strace s17  }
0x93: {  	s2 =	sld [smem:$0x3FFC];
	_ =	sdelay $0x3  }
0x94: {  	_ =	strace s2  }
0x95: {  	s2 =	sld [smem:$0x3FFD];
	_ =	sdelay $0x3  }
0x96: {  	_ =	strace s2  }
0x97: {  	_ =	strace $0x8FFFFFFF  }
0x98: {  	s18 =	sld [smem:$0x3FDB];
	_ =	sdelay $0x1  }
0x99: {  	s19 =	simm.s32 $_scs_section_size  }
0x9a: {  	s4 =	simm.s32 $_size__tile_overlayer_lowered;
	s5 =	simm.s32 $_tile_overlayer_lowered  }
0x9b: {  	s22 =	simm.s32 $0x1BFF;
	s21 =	sshll.u32 s5, $0x1;
	s2 =	sadd.s32 s19, s18  }
0x9c: {  	s6 =	simm.s32 $0x0;
	s20 =	sshll.u32 s4, $0x1;
	s4 =	sadd.s32 s21, s2  }
0x9d: {  	[timem:s6], [sflag:s22] =	dma.local [hbm:s4], s20  }
0x9e: {  	_ =	swait.ge [sflag:s22], s20  }
0x9f: {  	s3 =	ssub.s32 $0x0, s20;
	[sflag:s22] =	ssyncset.done $0x0  }
0xa0: {  	[sflag:s22] =	ssyncadd.s32 s3;
	_ =	sdelay $0x1  }
0xa1: {  	s23 =	simm.s32 $0x1B8B  }
0xa2: {  	_ =	swait.ge [sflag:s23], $0x1  }
0xa3: {  	[sflag:s23] =	ssyncset.done $0x0  }
0xa4: {  	s25 =	simm.s32 $0x1B8E;
	s24 =	sld [smem:$0x3FFE];
	[sflag:s23] =	ssyncadd.s32 $0xFFFFFFFF  }
0xa5: {  	s26 =	simm.s32 $execute0_lowered;
	[smem:$0x3FD2] =	sst s25  }
0xa6: {  	s4 =	sshll.u32 s26, $0x1;
	_ =	strace $0x8000004F;
	[dreg:$0x1] =	wrdreg $0xFFFFFFFF  }
0xa7: {  	s28 =	simm.s32 $_size_execute0_lowered;
	s2 =	sadd.s32 s2, s4;
	[dreg:$0x0] =	wrdreg $0x0  }
0xa8: {  	s4 =	sshll.u32 s28, $0x1;
	[dreg:$0x2] =	wrdreg s2  }
0xa9: {  	[dreg:$0x3] =	wrdreg s4  }
0xaa: {  	[dreg:$0x4] =	wrdreg $0xC0  }
0xab: {  	_ =	task [dreg:s6], $0x5FFFF  }
0xac: {  	[dreg:$0x1] =	wrdreg $0xFFFFFFFF  }
0xad: {  	[dreg:$0x0] =	wrdreg $0x60  }
0xae: {  	[dreg:$0x2] =	wrdreg s24  }
0xaf: {  	[dreg:$0x3] =	wrdreg $0x90000  }
0xb0: {  	[dreg:$0x4] =	wrdreg $0x9  }
0xb1: {  	_ =	task.clear_ibuf [dreg:s6], $0x5FFFF;
	_ =	strace $0x9000004F  }
0xb2: {  	s29 =	simm.s32 $0x9;
	_ =	strace $0x80000051  }
0xb3: {  	_ =	swait.ge [sflag:s29], $0x1  }
0xb4: {  	[sflag:s29] =	ssyncadd.s32 $0xFFFFFFFF  }
0xb5: {  	_ =	strace $0x90000051  }
0xb6: {  	_ =	sfence  }
0xb7: {  	s30 =	sld [smem:$0x0];
	_ =	sdelay $0x2  }
0xb8: {  	s31 =	sshll.u32 s1, $0xD;
	s1 =	sshrl.u32 s1, $0x2  }
0xb9: {  	s3 =	sand.u32 $0x4000, s31;
	s1 =	sadd.s32 s1, s30  }
0xba: {  	s0 =	sor.u32 s3, s0;
	s1 =	sshll.u32 s1, $0x11  }
0xbb: {  	s0 =	sor.u32 s1, s0  }
0xbc: {  	s0 =	sadd.s32 $0x8F2B, s0  }
0xbd: {  	[sflag:s0] =	ssyncadd.remote.s32 $0x1  }
0xbe: {  	_ =	sfence.sel $0xFFFF  }
0xbf: {  	[dreg:$0x0] =	wrdreg $0xFFFFFFFF;
	(pc) =	sbr.abs _section_cstart, $3  }
0xc0: {  	[dreg:$0x1] =	wrdreg $0xFFFFFFFF  }
0xc1: {  	_ =	task.clear_ibuf [dreg:s6], $0x2FFFF;
	_ =	strace $0x9FFFFFFF  }
0xc2: {  	(tm) =	ssettm $0x7FFFFFFF  }
0xc3: {  	_ =	shalt  }
tec
execute0_lowered:
.L_overlay_start_1:
0x0: {  	(tag) =	ssettag $0x1  }
0x1: {  	s5 =	rddreg [dreg:$0x0]  }
0x2: {  	s0 =	srdreg.scid;
	s2 =	rddreg [dreg:$0x1]  }
0x3: {  	s3 =	simm.s32 $0x0;
	s15 =	simm.s32 $0x5000;
	s16 =	simm.s32 $0x80  }
0x4: {  	s17 =	simm.s32 $0x1;
	s4 =	sand.u32 $0x1, s0;
	s0 =	stileid.u32  }
0x5: {  	s23 =	simm.s32 $0x0;
	[smem:$0x7FF] =	sst s3;
	s7 =	smul.u32 $0x27100, s4  }
0x6: {  	s19 =	sadd.s32 $0x128400, s2;
	s1 =	sshll.u32 s4, $0x4;
	s9 =	smul.u32 $0x50000, s0  }
0x7: {  	s8 =	ssub.s32 $0x2, s4;
	s4 =	sadd.s32 $0x65A00, s5;
	s14 =	smul.u32 $0x4F000, s0  }
0x8: {  	s21 =	smul.u32 $0x2780, s0;
	p0 =	seq.s32 s0, $0xF;
	s6 =	sor.u32 s0, s1  }
0x9: {  	s1 =	rddreg [dreg:$0x2];
	_ =	strace $0x80000050;
	s30 =	sshrl.u32 s8, $0x1  }
0xa: {  	s19 =	sshrl.u32 @p0 s19, $0x3;
	s6 =	smul.u32 $0x500, s6;
	s12 =	sadd.s32 s7, s5  }
0xb: {  	s13 =	ssub.s32 s8, s30;
	s31 =	sshrl.u32 s9, $0x2;
	s14 =	sshrl.u32 s14, $0x2  }
0xc: {  	s20 =	sadd.s32 $0x8CC00, s12;
	s22 =	sadd.s32 s14, s2;
	s12 =	smax.u32 s13, $0x1  }
0xd: {  	s13 =	simm.s32 $0x2;
	s14 =	simm.s32 $0x2800;
	s10 =	sadd.s32 s6, s5  }
0xe: {  	s6 =	sadd.s32 s31, s2;
	s18 =	sadd.s32 @p0 $0x25080, s20;
	s20 =	sadd.s32 @!p0 s21, s20  }
0xf: {  	s21 =	sshll.u32 @!p0 s0, $0x6;
	s22 =	sshrl.u32 @!p0 s22, $0x3;
	s5 =	sadd.s32 $0xD800, s10  }
0x10: {  	s7 =	sadd.s32 $0x3800, s10;
	s8 =	sadd.s32 $0x4000, s6;
	s9 =	sadd.s32 $0x8000, s6  }
0x11: {  	v0 =	vimm.f32 $0.0e+00;
	s10 =	sadd.s32 $0xC000, s6;
	s11 =	sadd.s32 $0x10000, s6;
	s21 =	sor.u32 @!p0 $0x1C02, s21  }
.LBB2_1:
0x12: {  	[tilespmem:s3], [sflag:$0x2] =	stream.linear.gather [hbm4b:s5+s3], $0x2800, $0x38;
	[tilespmem:$0x1D000] =	vst v63  }
0x13: {  	_ =	swait.ge [sflag:s13], $0x2800  }
0x14: {  	[sflag:s13] =	ssyncset.done $0x0  }
0x15: {  	[sflag:s13] =	ssyncadd.s32 $0xFFFFD800  }
0x16: {  	[tilespmem:s14], [sflag:$0x2] =	stream.linear.gather [hbm4b:s7+s3], $0x2800, $0x38;
	[tilespmem:$0x1D000] =	vst v63  }
0x17: {  	_ =	swait.ge [sflag:s13], $0x2800  }
0x18: {  	[sflag:s13] =	ssyncset.done $0x0  }
0x19: {  	s24 =	simm.s32 $0x0;
	s25 =	simm.s32 $0x200;
	[sflag:s13] =	ssyncadd.s32 $0xFFFFD800  }
.LBB2_2:
0x1a: {  	p1 =	sne.s32 s25, $0xFE00;
	[tilespmem:s24+$0x5070] =	vst v0  }
0x1b: {  	[tilespmem:s24+$0x5000] =	vst v0  }
0x1c: {  	[tilespmem:s24+$0x5010] =	vst v0  }
.Ltmp0:
0x1d: {  	[tilespmem:s24+$0x5020] =	vst v0;
	(pc) =	sbr.rel @p1 .LBB2_2-.Ltmp0, $4  }
0x1e: {  	[tilespmem:s24+$0x5030] =	vst v0  }
0x1f: {  	[tilespmem:s24+$0x5040] =	vst v0  }
0x20: {  	[tilespmem:s24+$0x5050] =	vst v0  }
0x21: {  	[tilespmem:s24+$0x5060] =	vst v0;
	s24 =	sshra.s32 s25, $0x2;
	s25 =	sadd.s32 $0x200, s25  }
0x22: {  	[tilespmem:s24+$0x5070] =	vst v0  }
0x23: {  	[tilespmem:s24+$0x5000] =	vst v0  }
0x24: {  	[tilespmem:s24+$0x5010] =	vst v0  }
0x25: {  	[tilespmem:s24+$0x5020] =	vst v0  }
0x26: {  	[tilespmem:s24+$0x5030] =	vst v0  }
0x27: {  	[tilespmem:s24+$0x5040] =	vst v0  }
0x28: {  	[tilespmem:s24+$0x5050] =	vst v0  }
0x29: {  	[tilespmem:s24+$0x5060] =	vst v0  }
0x2a: {  	[spmem:s6] =	stream.linear.scatter [tilespmem:s15], [sflag:$0x2], $0x4000, $0x38;
	[tilespmem:$0x1D000] =	vst v63  }
0x2b: {  	_ =	swait.ge [sflag:s13], $0x4000  }
0x2c: {  	[sflag:s13] =	ssyncset.done $0x0  }
0x2d: {  	[sflag:s13] =	ssyncadd.s32 $0xFFFFC000  }
0x2e: {  	[spmem:s8] =	stream.linear.scatter [tilespmem:s15], [sflag:$0x2], $0x4000, $0x38;
	[tilespmem:$0x1D000] =	vst v63  }
0x2f: {  	_ =	swait.ge [sflag:s13], $0x4000  }
0x30: {  	[sflag:s13] =	ssyncset.done $0x0  }
0x31: {  	[sflag:s13] =	ssyncadd.s32 $0xFFFFC000  }
0x32: {  	[spmem:s9] =	stream.linear.scatter [tilespmem:s15], [sflag:$0x2], $0x4000, $0x38;
	[tilespmem:$0x1D000] =	vst v63  }
0x33: {  	_ =	swait.ge [sflag:s13], $0x4000  }
0x34: {  	[sflag:s13] =	ssyncset.done $0x0  }
0x35: {  	[sflag:s13] =	ssyncadd.s32 $0xFFFFC000  }
0x36: {  	[spmem:s10] =	stream.linear.scatter [tilespmem:s15], [sflag:$0x2], $0x4000, $0x38;
	[tilespmem:$0x1D000] =	vst v63  }
0x37: {  	_ =	swait.ge [sflag:s13], $0x4000  }
0x38: {  	[sflag:s13] =	ssyncset.done $0x0  }
0x39: {  	[sflag:s13] =	ssyncadd.s32 $0xFFFFC000  }
0x3a: {  	[spmem:s11] =	stream.linear.scatter [tilespmem:s15], [sflag:$0x2], $0x4000, $0x38;
	[tilespmem:$0x1D000] =	vst v63  }
0x3b: {  	_ =	swait.ge [sflag:s13], $0x4000  }
0x3c: {  	[sflag:s13] =	ssyncset.done $0x0  }
0x3d: {  	[sflag:s13] =	ssyncadd.s32 $0xFFFFC000  }
0x3e: {  	s30 =	simm.s32 $0x0;
	[bflag:$0x0] =	sbarrier.arrive $0xFFFF  }
0x3f: {  	[tilespmem:s15], [sflag:$0x1] =	stream.indirect.gather [hbm4b:s4+s16], $0x80, s30, s16, $0xb8;
	[tilespmem:$0x1D000] =	vst v63  }
0x40: {  	_ =	swait.ge [sflag:s17], $0x4000  }
0x41: {  	[sflag:s17] =	ssyncset.done $0x0  }
0x42: {  	s31 =	simm.s32 $0x2800;
	[sflag:s17] =	ssyncadd.s32 $0xFFFFC000  }
0x43: {  	[spmem:s2] =	stream.indirect.scatter.add.f32 [tilespmem:s15], [sflag:$0x2], $0x80, s31, s16, $0xb8;
	[tilespmem:$0x1D000] =	vst v63  }
0x44: {  	_ =	swait.ge [sflag:s13], $0x4000  }
0x45: {  	s24 =	simm.s32 $0x200;
	s25 =	simm.s32 $0x400;
	[sflag:s13] =	ssyncset.done $0x0  }
.LBB2_4:
0x46: {  	s26 =	sshra.s32 s24, $0x2  }
0x47: {  	[sflag:s13] =	ssyncadd.s32 $0xFFFFC000;
	s24 =	smov.u32 s25;
	s28 =	sadd.s32 $0x200, s25  }
0x48: {  	[tilespmem:s15], [sflag:$0x1] =	stream.indirect.gather [hbm4b:s4+s16], $0x80, s26, s16, $0xb8;
	[tilespmem:$0x1D000] =	vst v63  }
0x49: {  	p1 =	sne.s32 s25, $0x9E00;
	_ =	swait.ge [sflag:s17], $0x4000  }
.Ltmp1:
0x4a: {  	[sflag:s17] =	ssyncset.done $0x0;
	(pc) =	sbr.rel @p1 .LBB2_4-.Ltmp1, $4  }
0x4b: {  	s25 =	sadd.s32 $0x2800, s26;
	[sflag:s17] =	ssyncadd.s32 $0xFFFFC000  }
0x4c: {  	[spmem:s2] =	stream.indirect.scatter.add.f32 [tilespmem:s15], [sflag:$0x2], $0x80, s25, s16, $0xb8;
	[tilespmem:$0x1D000] =	vst v63  }
0x4d: {  	_ =	swait.ge [sflag:s13], $0x4000  }
0x4e: {  	s25 =	smov.u32 s28;
	[sflag:s13] =	ssyncset.done $0x0  }
0x4f: {  	s24 =	sshra.s32 s24, $0x2;
	[sflag:s13] =	ssyncadd.s32 $0xFFFFC000  }
0x50: {  	[tilespmem:s15], [sflag:$0x1] =	stream.indirect.gather [hbm4b:s4+s16], $0x80, s24, s16, $0xb8;
	[tilespmem:$0x1D000] =	vst v63  }
0x51: {  	_ =	swait.ge [sflag:s17], $0x4000  }
0x52: {  	[sflag:s17] =	ssyncset.done $0x0  }
0x53: {  	s24 =	sadd.s32 $0x2800, s24;
	[sflag:s17] =	ssyncadd.s32 $0xFFFFC000  }
0x54: {  	[spmem:s2] =	stream.indirect.scatter.add.f32 [tilespmem:s15], [sflag:$0x2], $0x80, s24, s16, $0xb8;
	[tilespmem:$0x1D000] =	vst v63  }
0x55: {  	_ =	swait.ge [sflag:s13], $0x4000  }
0x56: {  	[sflag:s13] =	ssyncset.done $0x0  }
0x57: {  	[sflag:s13] =	ssyncadd.s32 $0xFFFFC000  }
0x58: {  	s24 =	simm.s32 @p0 $0x1FC2;
	[bflag:$0x0] =	sbarrier.arrive $0xFFFF  }
0x59: {  	[hbm:s18], [sflag:s24] =	dma.local @p0 [spmem:s19], $0x2080  }
0x5a: {  	s24 =	simm.s32 @p0 $0x2  }
0x5b: {  	s23 =	sadd.s32 $0x1, s23;
	_ =	swait.ge @p0 [sflag:s24], $0x2080  }
0x5c: {  	p1 =	sne.s32 s23, s12;
	[sflag:s24] =	ssyncset.done @p0 $0x0  }
.Ltmp2:
0x5d: {  	[sflag:s24] =	ssyncadd.s32 @p0 $0xFFFFDF80;
	s24 =	simm.s32 @!p0 $0x2;
	(pc) =	sbr.rel @p1 .LBB2_1-.Ltmp2, $4  }
0x5e: {  	[hbm:s20], [sflag:s21] =	dma.local @!p0 [spmem:s22], $0x2780  }
0x5f: {  	_ =	swait.ge @!p0 [sflag:s24], $0x2780  }
0x60: {  	[sflag:s24] =	ssyncset.done @!p0 $0x0  }
0x61: {  	[sflag:s24] =	ssyncadd.s32 @!p0 $0xFFFFD880  }
0x62: {  	_ =	sfence.sel $0x180000  }
0x63: {  	[bflag:$0x0] =	sbarrier.arrive $0xFFFF  }
0x64: {  	p0 =	sne.s32 s0, $0x0;
	_ =	strace $0x90000050  }
0x65: {  	s0 =	sadd.s32 @!p0 $0x100000, s1;
	[bflag:$0x2] =	sbarrier.arrive $0xFFFF  }
0x66: {  	[sflag:s0] =	ssyncadd.tile.s32 @!p0 $0x1;
	_ =	shalt  }
.Lfunc_end2:
_tile_overlayer_lowered:
.L_overlay_start_2:
0x67: {  	(tag) =	ssettag $0x2  }
0x68: {  	s0 =	rddreg [dreg:$0x0];
	s2 =	stileid.u32  }
0x69: {  	s1 =	rddreg [dreg:$0x1];
	p0 =	sne.s32 s2, $0x0  }
0x6a: {  	s3 =	rddreg [dreg:$0x2];
	[bflag:$0x3] =	sbarrier.arrive $0xFFFF;
	s2 =	simm.s32 @!p0 $0x1C02  }
0x6b: {  	[timem:s3], [sflag:s2] =	dma.local @!p0 [hbm:s0], s1  }
0x6c: {  	s0 =	simm.s32 @!p0 $0x2  }
0x6d: {  	_ =	swait.ge @!p0 [sflag:s0], s1  }
0x6e: {  	s1 =	ssub.s32 @!p0 $0x0, s1;
	[sflag:s0] =	ssyncset.done @!p0 $0x0  }
0x6f: {  	[sflag:s0] =	ssyncadd.s32 @!p0 s1  }
0x70: {  	[bflag:$0x3] =	sbarrier.arrive $0xFFFF  }
0x71: {  	_ =	shalt  }

// kernel: kernel.24.cloned.1.call-start
scs
__scs_entry_jumppad:
0x0: {  	(pc) =	sbr.rel $0x88, $3  }
0x1: {  	(tag) =	ssettag $0x0;
	lr =	simm.s32 $0x1  }
0x2: {  	[smem:$0x3F99] =	sst lr;
	_ =	strace $0xD0000000  }
0x3: {  	_ = 	snop  }
0x4: {  	_ = 	snop  }
0x5: {  	_ = 	snop  }
0x6: {  	_ = 	snop  }
0x7: {  	_ = 	snop  }
__scs_overlays_trampoline_lowered:
0x8: {  	[smem:$0x3FA8] =	sst s0  }
0x9: {  	[smem:$0x3FA9] =	sst s1  }
0xa: {  	[smem:$0x3FAA] =	sst s2  }
0xb: {  	[smem:$0x3FAB] =	sst s3  }
0xc: {  	[smem:$0x3FAC] =	sst s4  }
0xd: {  	[smem:$0x3FAD] =	sst s5  }
0xe: {  	[smem:$0x3FAE] =	sst s6  }
0xf: {  	[smem:$0x3FAF] =	sst s7  }
0x10: {  	[smem:$0x3FB0] =	sst s8  }
0x11: {  	[smem:$0x3FB1] =	sst s9;
	s0 =	simm.s32 @!p0 $0x0  }
0x12: {  	s1 =	sld [smem:$0x3F97];
	s0 =	simm.s32 @p0 $0x1  }
0x13: {  	[smem:$0x3FB2] =	sst s0;
	s0 =	simm.s32 @!p1 $0x0  }
0x14: {  	s2 =	sld [smem:$0x3F96];
	s0 =	simm.s32 @p1 $0x1  }
0x15: {  	[smem:$0x3FB3] =	sst s0;
	s0 =	simm.s32 @!p2 $0x0  }
0x16: {  	s3 =	sld [smem:$0x3FDB];
	s0 =	simm.s32 @p2 $0x1  }
0x17: {  	s4 =	simm.s32 $0x1BF5;
	[smem:$0x3FB5] =	sst s0  }
0x18: {  	s0 =	sld [smem:$0x3F98];
	_ =	swait.ge [sflag:s4], $0x0  }
0x19: {  	s7 =	sld [smem:$0x3F99]  }
0x1a: {  	s8 =	sadd.s32 $0xFFFFE003, lr  }
0x1b: {  	s9 =	sadd.s32 $0xFFFFFEF7, lr;
	s5 =	simm.s32 $0xFFFFFFFF;
	p2 =	slt.u32 s8, $0xFFFFF086  }
0x1c: {  	p1 =	slt.u32 s9, $0xF7A;
	s5 =	simm.s32 @!p2 $0x0  }
0x1d: {  	s5 =	simm.s32 @p1 $0x1;
	p0 =	seq.s32 s7, s2  }
0x1e: {  	s7 =	smul.u32 @!p0 $0xF7A, s2;
	p2 =	seq.s32 @!p0 s5, $0x0  }
0x1f: {  	s9 =	smul.u32 $0xF7A, s1;
	s8 =	simm.s32 @!p0 $0x1BF5;
	p2 =	por !p2, p0  }
0x20: {  	[sflag:s8] =	ssyncset.s32 @!p0 $0xFFFFF086;
	s6 =	sadd.s32 @!p0 s3, s7;
	s7 =	simm.s32 @!p0 $0x108  }
0x21: {  	s3 =	sadd.s32 s3, s9;
	s6 =	sadd.s32 @!p0 $0x88, s6;
	s7 =	simm.s32 @p2 $0x1082  }
0x22: {  	[simem:s7], [sflag:s8] =	dma.local @!p0 [hbm:s6], $0xF7A  }
0x23: {  	s9 =	sor.u32 $0xD0000000, s2;
	s6 =	simm.s32 $0x108;
	_ =	swait.ge @!p0 [sflag:s8], $0x0  }
0x24: {  	s3 =	sadd.s32 $0x88, s3;
	s6 =	simm.s32 @!p1 $0x1082;
	[sflag:s4] =	ssyncset.s32 $0xFFFFF086  }
0x25: {  	[simem:s6], [sflag:s4] =	dma.local [hbm:s3], $0xF7A  }
0x26: {  	[smem:$0x3F99] =	sst s1;
	(tag) =	ssettag s2;
	_ =	strace s9  }
0x27: {  	s1 =	sld [smem:$0x3FA9]  }
0x28: {  	s2 =	sld [smem:$0x3FAA]  }
0x29: {  	s4 =	sld [smem:$0x3FAC]  }
0x2a: {  	p0 =	seq.s32 s5, $0x0;
	s5 =	sld [smem:$0x3FAD]  }
0x2b: {  	s6 =	sld [smem:$0x3FAE]  }
0x2c: {  	s7 =	sld [smem:$0x3FAF]  }
0x2d: {  	s3 =	simm.s32 $0x108;
	s8 =	sld [smem:$0x3FB0]  }
0x2e: {  	s3 =	simm.s32 @!p0 $0x1082;
	s9 =	sld [smem:$0x3FB1]  }
0x2f: {  	lr =	sadd.s32 s0, s3;
	s0 =	sld [smem:$0x3FA8]  }
0x30: {  	s3 =	sld [smem:$0x3FAB]  }
0x31: {  	[smem:$0x3FB4] =	sst s10  }
0x32: {  	s10 =	sld [smem:$0x3FB2];
	_ =	sdelay $0x3  }
0x33: {  	p0 =	seq.s32 s10, $0x1;
	s10 =	sld [smem:$0x3FB4];
	_ =	sdelay $0x3  }
0x34: {  	[smem:$0x3FB4] =	sst s10  }
0x35: {  	s10 =	sld [smem:$0x3FB3];
	_ =	sdelay $0x3  }
0x36: {  	p1 =	seq.s32 s10, $0x1;
	s10 =	sld [smem:$0x3FB4];
	_ =	sdelay $0x3  }
0x37: {  	[smem:$0x3FB4] =	sst s10  }
0x38: {  	s10 =	sld [smem:$0x3FB5]  }
0x39: {  	_ = 	snop;
	(pc) =	sbr.ind lr, $3  }
0x3a: {  	_ = 	snop  }
0x3b: {  	_ = 	snop  }
0x3c: {  	p2 =	seq.s32 s10, $0x1;
	s10 =	sld [smem:$0x3FB4]  }
0x3d: {  	_ =	shalt  }
0x3e: {  	_ =	shalt  }
0x3f: {  	_ =	shalt  }
0x40: {  	_ =	shalt  }
0x41: {  	_ =	shalt  }
0x42: {  	_ =	shalt  }
0x43: {  	_ =	shalt  }
0x44: {  	_ =	shalt  }
0x45: {  	_ =	shalt  }
0x46: {  	_ =	shalt  }
0x47: {  	_ =	shalt  }
0x48: {  	_ =	shalt  }
0x49: {  	_ =	shalt  }
0x4a: {  	_ =	shalt  }
0x4b: {  	_ =	shalt  }
0x4c: {  	_ =	shalt  }
0x4d: {  	_ =	shalt  }
0x4e: {  	_ =	shalt  }
0x4f: {  	_ =	shalt  }
0x50: {  	_ =	shalt  }
0x51: {  	_ =	shalt  }
0x52: {  	_ =	shalt  }
0x53: {  	_ =	shalt  }
0x54: {  	_ =	shalt  }
0x55: {  	_ =	shalt  }
0x56: {  	_ =	shalt  }
0x57: {  	_ =	shalt  }
0x58: {  	_ =	shalt  }
0x59: {  	_ =	shalt  }
0x5a: {  	_ =	shalt  }
0x5b: {  	_ =	shalt  }
0x5c: {  	_ =	shalt  }
0x5d: {  	_ =	shalt  }
0x5e: {  	_ =	shalt  }
0x5f: {  	_ =	shalt  }
0x60: {  	_ =	shalt  }
0x61: {  	_ =	shalt  }
0x62: {  	_ =	shalt  }
0x63: {  	_ =	shalt  }
0x64: {  	_ =	shalt  }
0x65: {  	_ =	shalt  }
0x66: {  	_ =	shalt  }
0x67: {  	_ =	shalt  }
0x68: {  	_ =	shalt  }
0x69: {  	_ =	shalt  }
0x6a: {  	_ =	shalt  }
0x6b: {  	_ =	shalt  }
0x6c: {  	_ =	shalt  }
0x6d: {  	_ =	shalt  }
0x6e: {  	_ =	shalt  }
0x6f: {  	_ =	shalt  }
0x70: {  	_ =	shalt  }
0x71: {  	_ =	shalt  }
0x72: {  	_ =	shalt  }
0x73: {  	_ =	shalt  }
0x74: {  	_ =	shalt  }
0x75: {  	_ =	shalt  }
0x76: {  	_ =	shalt  }
0x77: {  	_ =	shalt  }
0x78: {  	_ =	shalt  }
0x79: {  	_ =	shalt  }
0x7a: {  	_ =	shalt  }
0x7b: {  	_ =	shalt  }
0x7c: {  	_ =	shalt  }
0x7d: {  	_ =	shalt  }
0x7e: {  	_ =	shalt  }
0x7f: {  	_ =	shalt  }
0x80: {  	_ =	shalt  }
0x81: {  	_ =	shalt  }
0x82: {  	_ =	shalt  }
0x83: {  	_ =	shalt  }
0x84: {  	_ =	shalt  }
0x85: {  	_ =	shalt  }
0x86: {  	_ =	shalt  }
0x87: {  	_ =	shalt  }
.Lfunc_end0:
.L_simem_size_0:
called_computation.4_lowered:
.L_overlay_start_0:
0x88: {  	s2 =	sld [smem:$0x3FD9]  }
0x89: {  	s3 =	sld [smem:$0x3FFE];
	_ =	sdelay $0x1  }
0x8a: {  	s1 =	srdreg.scid  }
0x8b: {  	s0 =	sand.u32 $0x1, s1  }
0x8c: {  	s16 =	sshll.u32 s0, $0xA;
	s2 =	sadd.s32 s3, s2  }
0x8d: {  	s2 =	sadd.s32 s2, s16  }
0x8e: {  	[smem:$0x3FC0] =	sst s2  }
0x8f: {  	_ = 	snop  }
0x90: {  	(tm) =	ssettm $0x1  }
0x91: {  	s17 =	sld [smem:$0x3FFB];
	_ =	sdelay $0x3  }
0x92: {  	_ =	strace s17  }
0x93: {  	s2 =	sld [smem:$0x3FFC];
	_ =	sdelay $0x3  }
0x94: {  	_ =	strace s2  }
0x95: {  	s2 =	sld [smem:$0x3FFD];
	_ =	sdelay $0x3  }
0x96: {  	_ =	strace s2  }
0x97: {  	_ =	strace $0x8FFFFFFF  }
0x98: {  	s18 =	sld [smem:$0x3FDB];
	_ =	sdelay $0x1  }
0x99: {  	s19 =	simm.s32 $_scs_section_size  }
0x9a: {  	s4 =	simm.s32 $_size__tile_overlayer_lowered;
	s5 =	simm.s32 $_tile_overlayer_lowered  }
0x9b: {  	s22 =	simm.s32 $0x1BFF;
	s21 =	sshll.u32 s5, $0x1;
	s2 =	sadd.s32 s19, s18  }
0x9c: {  	s6 =	simm.s32 $0x0;
	s20 =	sshll.u32 s4, $0x1;
	s4 =	sadd.s32 s21, s2  }
0x9d: {  	[timem:s6], [sflag:s22] =	dma.local [hbm:s4], s20  }
0x9e: {  	_ =	swait.ge [sflag:s22], s20  }
0x9f: {  	s3 =	ssub.s32 $0x0, s20;
	[sflag:s22] =	ssyncset.done $0x0  }
0xa0: {  	[sflag:s22] =	ssyncadd.s32 s3;
	_ =	sdelay $0x1  }
0xa1: {  	s23 =	simm.s32 $0x1B8B  }
0xa2: {  	_ =	swait.ge [sflag:s23], $0x1  }
0xa3: {  	[sflag:s23] =	ssyncset.done $0x0  }
0xa4: {  	s25 =	simm.s32 $0x1B8E;
	s24 =	sld [smem:$0x3FFE];
	[sflag:s23] =	ssyncadd.s32 $0xFFFFFFFF  }
0xa5: {  	s26 =	simm.s32 $execute0_lowered;
	[smem:$0x3FD2] =	sst s25  }
0xa6: {  	s4 =	sshll.u32 s26, $0x1;
	_ =	strace $0x80000052;
	[dreg:$0x1] =	wrdreg $0xFFFFFFFF  }
0xa7: {  	s28 =	simm.s32 $_size_execute0_lowered;
	s2 =	sadd.s32 s2, s4;
	[dreg:$0x0] =	wrdreg $0x0  }
0xa8: {  	s4 =	sshll.u32 s28, $0x1;
	[dreg:$0x2] =	wrdreg s2  }
0xa9: {  	[dreg:$0x3] =	wrdreg s4  }
0xaa: {  	[dreg:$0x4] =	wrdreg $0xC0  }
0xab: {  	_ =	task [dreg:s6], $0x5FFFF  }
0xac: {  	[dreg:$0x1] =	wrdreg $0xFFFFFFFF  }
0xad: {  	[dreg:$0x0] =	wrdreg $0x60  }
0xae: {  	[dreg:$0x2] =	wrdreg s24  }
0xaf: {  	[dreg:$0x3] =	wrdreg $0x90000  }
0xb0: {  	[dreg:$0x4] =	wrdreg $0x9  }
0xb1: {  	_ =	task.clear_ibuf [dreg:s6], $0x5FFFF;
	_ =	strace $0x90000052  }
0xb2: {  	s29 =	simm.s32 $0x9;
	_ =	strace $0x80000054  }
0xb3: {  	_ =	swait.ge [sflag:s29], $0x1  }
0xb4: {  	[sflag:s29] =	ssyncadd.s32 $0xFFFFFFFF  }
0xb5: {  	_ =	strace $0x90000054  }
0xb6: {  	_ =	sfence  }
0xb7: {  	s30 =	sld [smem:$0x0];
	_ =	sdelay $0x2  }
0xb8: {  	s31 =	sshll.u32 s1, $0xD;
	s1 =	sshrl.u32 s1, $0x2  }
0xb9: {  	s3 =	sand.u32 $0x4000, s31;
	s1 =	sadd.s32 s1, s30  }
0xba: {  	s0 =	sor.u32 s3, s0;
	s1 =	sshll.u32 s1, $0x11  }
0xbb: {  	s0 =	sor.u32 s1, s0  }
0xbc: {  	s0 =	sadd.s32 $0x8F2B, s0  }
0xbd: {  	[sflag:s0] =	ssyncadd.remote.s32 $0x1  }
0xbe: {  	_ =	sfence.sel $0xFFFF  }
0xbf: {  	[dreg:$0x0] =	wrdreg $0xFFFFFFFF;
	(pc) =	sbr.abs _section_cstart, $3  }
0xc0: {  	[dreg:$0x1] =	wrdreg $0xFFFFFFFF  }
0xc1: {  	_ =	task.clear_ibuf [dreg:s6], $0x2FFFF;
	_ =	strace $0x9FFFFFFF  }
0xc2: {  	(tm) =	ssettm $0x7FFFFFFF  }
0xc3: {  	_ =	shalt  }
tec
execute0_lowered:
.L_overlay_start_1:
0x0: {  	(tag) =	ssettag $0x1  }
0x1: {  	s5 =	rddreg [dreg:$0x0]  }
0x2: {  	s0 =	srdreg.scid;
	s2 =	rddreg [dreg:$0x1]  }
0x3: {  	s3 =	simm.s32 $0x0;
	s15 =	simm.s32 $0x5000;
	s16 =	simm.s32 $0x80  }
0x4: {  	s17 =	simm.s32 $0x1;
	s4 =	sand.u32 $0x1, s0;
	s0 =	stileid.u32  }
0x5: {  	s23 =	simm.s32 $0x0;
	[smem:$0x7FF] =	sst s3;
	s7 =	smul.u32 $0x27100, s4  }
0x6: {  	s19 =	sadd.s32 $0x128400, s2;
	s1 =	sshll.u32 s4, $0x4;
	s9 =	smul.u32 $0x50000, s0  }
0x7: {  	s8 =	ssub.s32 $0x2, s4;
	s4 =	sadd.s32 $0x17800, s5;
	s14 =	smul.u32 $0x4F000, s0  }
0x8: {  	s21 =	smul.u32 $0x2780, s0;
	p0 =	seq.s32 s0, $0xF;
	s6 =	sor.u32 s0, s1  }
0x9: {  	s1 =	rddreg [dreg:$0x2];
	_ =	strace $0x80000053;
	s30 =	sshrl.u32 s8, $0x1  }
0xa: {  	s19 =	sshrl.u32 @p0 s19, $0x3;
	s6 =	smul.u32 $0x500, s6;
	s12 =	sadd.s32 s7, s5  }
0xb: {  	s13 =	ssub.s32 s8, s30;
	s31 =	sshrl.u32 s9, $0x2;
	s14 =	sshrl.u32 s14, $0x2  }
0xc: {  	s20 =	sadd.s32 $0xDAE00, s12;
	s22 =	sadd.s32 s14, s2;
	s12 =	smax.u32 s13, $0x1  }
0xd: {  	s13 =	simm.s32 $0x2;
	s14 =	simm.s32 $0x2800;
	s10 =	sadd.s32 s6, s5  }
0xe: {  	s6 =	sadd.s32 s31, s2;
	s18 =	sadd.s32 @p0 $0x25080, s20;
	s20 =	sadd.s32 @!p0 s21, s20  }
0xf: {  	s21 =	sshll.u32 @!p0 s0, $0x6;
	s22 =	sshrl.u32 @!p0 s22, $0x3;
	s5 =	sadd.s32 $0xD800, s10  }
0x10: {  	s7 =	sadd.s32 $0x3800, s10;
	s8 =	sadd.s32 $0x4000, s6;
	s9 =	sadd.s32 $0x8000, s6  }
0x11: {  	v0 =	vimm.f32 $0.0e+00;
	s10 =	sadd.s32 $0xC000, s6;
	s11 =	sadd.s32 $0x10000, s6;
	s21 =	sor.u32 @!p0 $0x1C02, s21  }
.LBB2_1:
0x12: {  	[tilespmem:s3], [sflag:$0x2] =	stream.linear.gather [hbm4b:s5+s3], $0x2800, $0x38;
	[tilespmem:$0x1D000] =	vst v63  }
0x13: {  	_ =	swait.ge [sflag:s13], $0x2800  }
0x14: {  	[sflag:s13] =	ssyncset.done $0x0  }
0x15: {  	[sflag:s13] =	ssyncadd.s32 $0xFFFFD800  }
0x16: {  	[tilespmem:s14], [sflag:$0x2] =	stream.linear.gather [hbm4b:s7+s3], $0x2800, $0x38;
	[tilespmem:$0x1D000] =	vst v63  }
0x17: {  	_ =	swait.ge [sflag:s13], $0x2800  }
0x18: {  	[sflag:s13] =	ssyncset.done $0x0  }
0x19: {  	s24 =	simm.s32 $0x0;
	s25 =	simm.s32 $0x200;
	[sflag:s13] =	ssyncadd.s32 $0xFFFFD800  }
.LBB2_2:
0x1a: {  	p1 =	sne.s32 s25, $0xFE00;
	[tilespmem:s24+$0x5070] =	vst v0  }
0x1b: {  	[tilespmem:s24+$0x5000] =	vst v0  }
0x1c: {  	[tilespmem:s24+$0x5010] =	vst v0  }
.Ltmp0:
0x1d: {  	[tilespmem:s24+$0x5020] =	vst v0;
	(pc) =	sbr.rel @p1 .LBB2_2-.Ltmp0, $4  }
0x1e: {  	[tilespmem:s24+$0x5030] =	vst v0  }
0x1f: {  	[tilespmem:s24+$0x5040] =	vst v0  }
0x20: {  	[tilespmem:s24+$0x5050] =	vst v0  }
0x21: {  	[tilespmem:s24+$0x5060] =	vst v0;
	s24 =	sshra.s32 s25, $0x2;
	s25 =	sadd.s32 $0x200, s25  }
0x22: {  	[tilespmem:s24+$0x5070] =	vst v0  }
0x23: {  	[tilespmem:s24+$0x5000] =	vst v0  }
0x24: {  	[tilespmem:s24+$0x5010] =	vst v0  }
0x25: {  	[tilespmem:s24+$0x5020] =	vst v0  }
0x26: {  	[tilespmem:s24+$0x5030] =	vst v0  }
0x27: {  	[tilespmem:s24+$0x5040] =	vst v0  }
0x28: {  	[tilespmem:s24+$0x5050] =	vst v0  }
0x29: {  	[tilespmem:s24+$0x5060] =	vst v0  }
0x2a: {  	[spmem:s6] =	stream.linear.scatter [tilespmem:s15], [sflag:$0x2], $0x4000, $0x38;
	[tilespmem:$0x1D000] =	vst v63  }
0x2b: {  	_ =	swait.ge [sflag:s13], $0x4000  }
0x2c: {  	[sflag:s13] =	ssyncset.done $0x0  }
0x2d: {  	[sflag:s13] =	ssyncadd.s32 $0xFFFFC000  }
0x2e: {  	[spmem:s8] =	stream.linear.scatter [tilespmem:s15], [sflag:$0x2], $0x4000, $0x38;
	[tilespmem:$0x1D000] =	vst v63  }
0x2f: {  	_ =	swait.ge [sflag:s13], $0x4000  }
0x30: {  	[sflag:s13] =	ssyncset.done $0x0  }
0x31: {  	[sflag:s13] =	ssyncadd.s32 $0xFFFFC000  }
0x32: {  	[spmem:s9] =	stream.linear.scatter [tilespmem:s15], [sflag:$0x2], $0x4000, $0x38;
	[tilespmem:$0x1D000] =	vst v63  }
0x33: {  	_ =	swait.ge [sflag:s13], $0x4000  }
0x34: {  	[sflag:s13] =	ssyncset.done $0x0  }
0x35: {  	[sflag:s13] =	ssyncadd.s32 $0xFFFFC000  }
0x36: {  	[spmem:s10] =	stream.linear.scatter [tilespmem:s15], [sflag:$0x2], $0x4000, $0x38;
	[tilespmem:$0x1D000] =	vst v63  }
0x37: {  	_ =	swait.ge [sflag:s13], $0x4000  }
0x38: {  	[sflag:s13] =	ssyncset.done $0x0  }
0x39: {  	[sflag:s13] =	ssyncadd.s32 $0xFFFFC000  }
0x3a: {  	[spmem:s11] =	stream.linear.scatter [tilespmem:s15], [sflag:$0x2], $0x4000, $0x38;
	[tilespmem:$0x1D000] =	vst v63  }
0x3b: {  	_ =	swait.ge [sflag:s13], $0x4000  }
0x3c: {  	[sflag:s13] =	ssyncset.done $0x0  }
0x3d: {  	[sflag:s13] =	ssyncadd.s32 $0xFFFFC000  }
0x3e: {  	s30 =	simm.s32 $0x0;
	[bflag:$0x0] =	sbarrier.arrive $0xFFFF  }
0x3f: {  	[tilespmem:s15], [sflag:$0x1] =	stream.indirect.gather [hbm4b:s4+s16], $0x80, s30, s16, $0xb8;
	[tilespmem:$0x1D000] =	vst v63  }
0x40: {  	_ =	swait.ge [sflag:s17], $0x4000  }
0x41: {  	[sflag:s17] =	ssyncset.done $0x0  }
0x42: {  	s31 =	simm.s32 $0x2800;
	[sflag:s17] =	ssyncadd.s32 $0xFFFFC000  }
0x43: {  	[spmem:s2] =	stream.indirect.scatter.add.f32 [tilespmem:s15], [sflag:$0x2], $0x80, s31, s16, $0xb8;
	[tilespmem:$0x1D000] =	vst v63  }
0x44: {  	_ =	swait.ge [sflag:s13], $0x4000  }
0x45: {  	s24 =	simm.s32 $0x200;
	s25 =	simm.s32 $0x400;
	[sflag:s13] =	ssyncset.done $0x0  }
.LBB2_4:
0x46: {  	s26 =	sshra.s32 s24, $0x2  }
0x47: {  	[sflag:s13] =	ssyncadd.s32 $0xFFFFC000;
	s24 =	smov.u32 s25;
	s28 =	sadd.s32 $0x200, s25  }
0x48: {  	[tilespmem:s15], [sflag:$0x1] =	stream.indirect.gather [hbm4b:s4+s16], $0x80, s26, s16, $0xb8;
	[tilespmem:$0x1D000] =	vst v63  }
0x49: {  	p1 =	sne.s32 s25, $0x9E00;
	_ =	swait.ge [sflag:s17], $0x4000  }
.Ltmp1:
0x4a: {  	[sflag:s17] =	ssyncset.done $0x0;
	(pc) =	sbr.rel @p1 .LBB2_4-.Ltmp1, $4  }
0x4b: {  	s25 =	sadd.s32 $0x2800, s26;
	[sflag:s17] =	ssyncadd.s32 $0xFFFFC000  }
0x4c: {  	[spmem:s2] =	stream.indirect.scatter.add.f32 [tilespmem:s15], [sflag:$0x2], $0x80, s25, s16, $0xb8;
	[tilespmem:$0x1D000] =	vst v63  }
0x4d: {  	_ =	swait.ge [sflag:s13], $0x4000  }
0x4e: {  	s25 =	smov.u32 s28;
	[sflag:s13] =	ssyncset.done $0x0  }
0x4f: {  	s24 =	sshra.s32 s24, $0x2;
	[sflag:s13] =	ssyncadd.s32 $0xFFFFC000  }
0x50: {  	[tilespmem:s15], [sflag:$0x1] =	stream.indirect.gather [hbm4b:s4+s16], $0x80, s24, s16, $0xb8;
	[tilespmem:$0x1D000] =	vst v63  }
0x51: {  	_ =	swait.ge [sflag:s17], $0x4000  }
0x52: {  	[sflag:s17] =	ssyncset.done $0x0  }
0x53: {  	s24 =	sadd.s32 $0x2800, s24;
	[sflag:s17] =	ssyncadd.s32 $0xFFFFC000  }
0x54: {  	[spmem:s2] =	stream.indirect.scatter.add.f32 [tilespmem:s15], [sflag:$0x2], $0x80, s24, s16, $0xb8;
	[tilespmem:$0x1D000] =	vst v63  }
0x55: {  	_ =	swait.ge [sflag:s13], $0x4000  }
0x56: {  	[sflag:s13] =	ssyncset.done $0x0  }
0x57: {  	[sflag:s13] =	ssyncadd.s32 $0xFFFFC000  }
0x58: {  	s24 =	simm.s32 @p0 $0x1FC2;
	[bflag:$0x0] =	sbarrier.arrive $0xFFFF  }
0x59: {  	[hbm:s18], [sflag:s24] =	dma.local @p0 [spmem:s19], $0x2080  }
0x5a: {  	s24 =	simm.s32 @p0 $0x2  }
0x5b: {  	s23 =	sadd.s32 $0x1, s23;
	_ =	swait.ge @p0 [sflag:s24], $0x2080  }
0x5c: {  	p1 =	sne.s32 s23, s12;
	[sflag:s24] =	ssyncset.done @p0 $0x0  }
.Ltmp2:
0x5d: {  	[sflag:s24] =	ssyncadd.s32 @p0 $0xFFFFDF80;
	s24 =	simm.s32 @!p0 $0x2;
	(pc) =	sbr.rel @p1 .LBB2_1-.Ltmp2, $4  }
0x5e: {  	[hbm:s20], [sflag:s21] =	dma.local @!p0 [spmem:s22], $0x2780  }
0x5f: {  	_ =	swait.ge @!p0 [sflag:s24], $0x2780  }
0x60: {  	[sflag:s24] =	ssyncset.done @!p0 $0x0  }
0x61: {  	[sflag:s24] =	ssyncadd.s32 @!p0 $0xFFFFD880  }
0x62: {  	_ =	sfence.sel $0x180000  }
0x63: {  	[bflag:$0x0] =	sbarrier.arrive $0xFFFF  }
0x64: {  	p0 =	sne.s32 s0, $0x0;
	_ =	strace $0x90000053  }
0x65: {  	s0 =	sadd.s32 @!p0 $0x100000, s1;
	[bflag:$0x2] =	sbarrier.arrive $0xFFFF  }
0x66: {  	[sflag:s0] =	ssyncadd.tile.s32 @!p0 $0x1;
	_ =	shalt  }
.Lfunc_end2:
_tile_overlayer_lowered:
.L_overlay_start_2:
0x67: {  	(tag) =	ssettag $0x2  }
0x68: {  	s0 =	rddreg [dreg:$0x0];
	s2 =	stileid.u32  }
0x69: {  	s1 =	rddreg [dreg:$0x1];
	p0 =	sne.s32 s2, $0x0  }
0x6a: {  	s3 =	rddreg [dreg:$0x2];
	[bflag:$0x3] =	sbarrier.arrive $0xFFFF;
	s2 =	simm.s32 @!p0 $0x1C02  }
0x6b: {  	[timem:s3], [sflag:s2] =	dma.local @!p0 [hbm:s0], s1  }
0x6c: {  	s0 =	simm.s32 @!p0 $0x2  }
0x6d: {  	_ =	swait.ge @!p0 [sflag:s0], s1  }
0x6e: {  	s1 =	ssub.s32 @!p0 $0x0, s1;
	[sflag:s0] =	ssyncset.done @!p0 $0x0  }
0x6f: {  	[sflag:s0] =	ssyncadd.s32 @!p0 s1  }
0x70: {  	[bflag:$0x3] =	sbarrier.arrive $0xFFFF  }
0x71: {  	_ =	shalt  }

</sc_bundles>
